<compile_context>
chip_gen: v7x
topology: tpu7x:2x2x1
jax: 0.10.2.dev20260603
libtpu: 0.0.44.dev20260713+nightly
codegen_flags: <defaults>
</compile_context>

<pallas_src>
import functools

import jax
import jax.numpy as jnp
from jax import lax
from jax.experimental import pallas as pl
from jax.experimental.pallas import tpu as pltpu
from jax.experimental.pallas import tpu_sc as plsc

N_NODES = 10000
N_EDGES = 320000
IN_DIM = 128
HIDDEN = 256
OUT_DIM = 128

NC = 2
NS = 16
NW = NC * NS
C = 128
EPW = 10240
CH = EPW // C
N_PAD = 10240
RPS = N_PAD // NS


def _sc_agg_body(feat, src_h, dst_h, z128, acc_out,
                 rows_v, rows_b, ix_a, ix_b, dx_a, dx_b,
                 acc_sh, sem, sem_b):
    c = lax.axis_index("c")
    s = lax.axis_index("s")
    wid = c * NS + s

    pltpu.sync_copy(z128, rows_v)
    for k in range(RPS // C):
        pltpu.sync_copy(rows_v, acc_sh.at[pl.ds(s * RPS + k * C, C)])
    plsc.subcore_barrier()

    pltpu.sync_copy(src_h.at[wid, 0], ix_a)
    pltpu.async_copy(feat.at[ix_a], rows_v, sem)

    @pl.loop(0, CH, step=2)
    def _(j):
        pltpu.sync_copy(src_h.at[wid, j + 1], ix_b)
        pltpu.async_copy(feat.at[ix_b], rows_b, sem_b)
        pltpu.sync_copy(dst_h.at[wid, j], dx_a)
        pltpu.make_async_copy(feat.at[ix_a], rows_v, sem).wait()
        pltpu.sync_copy(rows_v, acc_sh.at[dx_a], add=True)

        @pl.when(j + 2 < CH)
        def _():
            pltpu.sync_copy(src_h.at[wid, j + 2], ix_a)
            pltpu.async_copy(feat.at[ix_a], rows_v, sem)

        pltpu.sync_copy(dst_h.at[wid, j + 1], dx_b)
        pltpu.make_async_copy(feat.at[ix_b], rows_b, sem_b).wait()
        pltpu.sync_copy(rows_b, acc_sh.at[dx_b], add=True)

    plsc.subcore_barrier()
    for k in range(RPS // C):
        pltpu.sync_copy(acc_sh.at[pl.ds(s * RPS + k * C, C)], rows_v)
        pltpu.sync_copy(rows_v, acc_out.at[c, pl.ds(s * RPS + k * C, C)])


def _make_sc_agg():
    mesh = plsc.VectorSubcoreMesh(core_axis_name="c", subcore_axis_name="s")
    return pl.kernel(
        _sc_agg_body,
        out_type=[jax.ShapeDtypeStruct((NC, N_PAD, 128), jnp.float32)],
        mesh=mesh,
        scratch_types=[
            pltpu.VMEM((C, 128), jnp.float32),
            pltpu.VMEM((C, 128), jnp.float32),
            pltpu.VMEM((C,), jnp.int32),
            pltpu.VMEM((C,), jnp.int32),
            pltpu.VMEM((C,), jnp.int32),
            pltpu.VMEM((C,), jnp.int32),
            pltpu.VMEM_SHARED((N_PAD, 128), jnp.float32),
            pltpu.SemaphoreType.DMA,
            pltpu.SemaphoreType.DMA,
        ],
    )


def _sc_deg_body(dst_h, z128, ones_h, deg_out, dst_v, ones_v, zb_v, deg_sh):
    c = lax.axis_index("c")
    s = lax.axis_index("s")
    wid = c * NS + s

    pltpu.sync_copy(dst_h.at[wid], dst_v)
    pltpu.sync_copy(ones_h, ones_v)
    pltpu.sync_copy(z128, zb_v)
    for k in range(RPS // C):
        pltpu.sync_copy(zb_v, deg_sh.at[pl.ds(s * RPS + k * C, C)])
    plsc.subcore_barrier()

    @pl.loop(0, CH)
    def _(j):
        pltpu.sync_copy(ones_v, deg_sh.at[dst_v.at[j]], add=True)

    plsc.subcore_barrier()
    for k in range(RPS // C):
        pltpu.sync_copy(deg_sh.at[pl.ds(s * RPS + k * C, C)], zb_v)
        pltpu.sync_copy(zb_v, deg_out.at[c, pl.ds(s * RPS + k * C, C)])


def _make_sc_deg():
    mesh = plsc.VectorSubcoreMesh(core_axis_name="c", subcore_axis_name="s")
    return pl.kernel(
        _sc_deg_body,
        out_type=[jax.ShapeDtypeStruct((NC, N_PAD, 128), jnp.float32)],
        mesh=mesh,
        scratch_types=[
            pltpu.VMEM((CH, C), jnp.int32),
            pltpu.VMEM((C, 128), jnp.float32),
            pltpu.VMEM((C, 128), jnp.float32),
            pltpu.VMEM_SHARED((N_PAD, 128), jnp.float32),
        ],
    )


def _tc1_body(agg, deg, x, w1l, b1l, w1r, w2l, h_out, hl_out):
    dd = deg[0][:, 0:1] + deg[1][:, 0:1]
    inv = 1.0 / jnp.maximum(dd, 1.0)
    mean = (agg[0] + agg[1]) * inv
    dn = (((1,), (1,)), ((), ()))
    pre = lax.dot_general(mean, w1l[...], dn,
                          preferred_element_type=jnp.float32,
                          precision=lax.Precision.HIGHEST)
    pre = pre + lax.dot_general(x[...], w1r[...], dn,
                                preferred_element_type=jnp.float32,
                                precision=lax.Precision.HIGHEST)
    h = jnp.maximum(pre + b1l[...], 0.0)
    h_out[...] = h
    hl_out[...] = lax.dot_general(h, w2l[...], dn,
                                  preferred_element_type=jnp.float32,
                                  precision=lax.Precision.HIGHEST)


def _tc2_body(agg, deg, h, w2r, b2l, out):
    dd = deg[0][:, 0:1] + deg[1][:, 0:1]
    inv = 1.0 / jnp.maximum(dd, 1.0)
    mean = (agg[0] + agg[1]) * inv
    dn = (((1,), (1,)), ((), ()))
    out[...] = mean + b2l[...] + lax.dot_general(
        h[...], w2r[...], dn,
        preferred_element_type=jnp.float32,
        precision=lax.Precision.HIGHEST)


_R = 400
_GRID = N_NODES // _R


def _tc1(agg1, deg, x, W1l, b1l, W1r, W2l):
    return pl.pallas_call(
        _tc1_body,
        grid=(_GRID,),
        in_specs=[
            pl.BlockSpec((NC, _R, 128), lambda i: (0, i, 0)),
            pl.BlockSpec((NC, _R, 128), lambda i: (0, i, 0)),
            pl.BlockSpec((_R, IN_DIM), lambda i: (i, 0)),
            pl.BlockSpec((HIDDEN, IN_DIM), lambda i: (0, 0)),
            pl.BlockSpec((1, HIDDEN), lambda i: (0, 0)),
            pl.BlockSpec((HIDDEN, IN_DIM), lambda i: (0, 0)),
            pl.BlockSpec((OUT_DIM, HIDDEN), lambda i: (0, 0)),
        ],
        out_specs=[
            pl.BlockSpec((_R, HIDDEN), lambda i: (i, 0)),
            pl.BlockSpec((_R, OUT_DIM), lambda i: (i, 0)),
        ],
        out_shape=[
            jax.ShapeDtypeStruct((N_NODES, HIDDEN), jnp.float32),
            jax.ShapeDtypeStruct((N_NODES, OUT_DIM), jnp.float32),
        ],
    )(agg1, deg, x, W1l, b1l, W1r, W2l)


def _tc2(agg2, deg, h, W2r, b2l):
    return pl.pallas_call(
        _tc2_body,
        grid=(_GRID,),
        in_specs=[
            pl.BlockSpec((NC, _R, 128), lambda i: (0, i, 0)),
            pl.BlockSpec((NC, _R, 128), lambda i: (0, i, 0)),
            pl.BlockSpec((_R, HIDDEN), lambda i: (i, 0)),
            pl.BlockSpec((OUT_DIM, HIDDEN), lambda i: (0, 0)),
            pl.BlockSpec((1, OUT_DIM), lambda i: (0, 0)),
        ],
        out_specs=pl.BlockSpec((_R, OUT_DIM), lambda i: (i, 0)),
        out_shape=jax.ShapeDtypeStruct((N_NODES, OUT_DIM), jnp.float32),
    )(agg2, deg, h, W2r, b2l)


@jax.jit
def kernel(x, edge, W1l, b1l, W1r, W2l, b2l, W2r):
    edge = edge.astype(jnp.int32)
    npw = EPW - N_EDGES // NW
    src3 = jnp.concatenate(
        [edge[0].reshape(NW, N_EDGES // NW),
         jnp.zeros((NW, npw), jnp.int32)], axis=1).reshape(NW, CH, C)
    dst3 = jnp.concatenate(
        [edge[1].reshape(NW, N_EDGES // NW),
         jnp.broadcast_to(N_NODES + jnp.arange(npw, dtype=jnp.int32),
                          (NW, npw))], axis=1).reshape(NW, CH, C)

    z128 = jnp.zeros((C, 128), jnp.float32)
    ones128 = jnp.ones((C, 128), jnp.float32)

    (deg,) = _make_sc_deg()(dst3, z128, ones128)
    (agg1,) = _make_sc_agg()(x, src3, dst3, z128)
    h, hl = _tc1(agg1, deg, x, W1l, b1l.reshape(1, HIDDEN), W1r, W2l)
    (agg2,) = _make_sc_agg()(hl, src3, dst3, z128)
    out = _tc2(agg2, deg, h, W2r, b2l.reshape(1, OUT_DIM))
    return out

# --- scband reference (transcript-rebuilt; emitter-appended) ---
"""Pipeline reference for scband-graph-sage-3083786518793 (READ-ONLY COPY).

The authoritative reference and input builder live on the scoring server;
editing this copy changes nothing except your own understanding.
"""

import jax, jax.numpy as jnp
import numpy as np

N_NODES = 10000
N_EDGES = 320000
IN_DIM = 128
HIDDEN = 256
OUT_DIM = 128


def setup_inputs(seed: int = 0) -> dict:
    key = jax.random.key(seed)
    ks = jax.random.split(key, 8)
    x = jax.random.normal(ks[0], (N_NODES, IN_DIM), dtype=jnp.float32)
    edge = jax.random.randint(ks[1], (2, N_EDGES), 0, N_NODES, dtype=jnp.int64)
    # SAGEConv layer 1 params (PyG-style: lin_l on aggregated neighbors w/ bias, lin_r on root w/o bias)
    s1 = 1.0 / np.sqrt(IN_DIM)
    W1l = jax.random.uniform(ks[2], (HIDDEN, IN_DIM), minval=-s1, maxval=s1, dtype=jnp.float32)
    b1l = jnp.zeros((HIDDEN,), dtype=jnp.float32)
    W1r = jax.random.uniform(ks[3], (HIDDEN, IN_DIM), minval=-s1, maxval=s1, dtype=jnp.float32)
    s2 = 1.0 / np.sqrt(HIDDEN)
    W2l = jax.random.uniform(ks[4], (OUT_DIM, HIDDEN), minval=-s2, maxval=s2, dtype=jnp.float32)
    b2l = jnp.zeros((OUT_DIM,), dtype=jnp.float32)
    W2r = jax.random.uniform(ks[5], (OUT_DIM, HIDDEN), minval=-s2, maxval=s2, dtype=jnp.float32)
    return {"x": x, "edge": edge, "W1l": W1l, "b1l": b1l, "W1r": W1r,
            "W2l": W2l, "b2l": b2l, "W2r": W2r}


def _sage_conv(x, edge, Wl, bl, Wr):
    src = edge[0]
    dst = edge[1]
    msgs = jnp.take(x, src, axis=0)
    agg = jax.ops.segment_sum(msgs, dst, num_segments=N_NODES)
    deg = jax.ops.segment_sum(jnp.ones((edge.shape[1],), dtype=x.dtype), dst,
                              num_segments=N_NODES)
    mean = agg / jnp.clip(deg, 1.0, None)[:, None]
    return mean @ Wl.T + bl + x @ Wr.T


def reference(x, edge, W1l, b1l, W1r, W2l, b2l, W2r):
    h = jax.nn.relu(_sage_conv(x, edge, W1l, b1l, W1r))
    # dropout p=0.0 (eval mode) -> identity
    out = _sage_conv(h, edge, W2l, b2l, W2r)
    return out

if __name__ == "__main__":
    import jax
    _d = setup_inputs()
    print(jax.jit(kernel)(*tuple(_d.values())))

</pallas_src>

<mosaic_0001>
#map = affine_map<(d0, d1) -> (0, 0)>
#map1 = affine_map<(d0, d1) -> (0, 0, 0)>
module attributes {stable_mosaic.version = 14 : i64} {
  func.func @_sc_agg_body(%arg0: i32, %arg1: i32, %arg2: memref<10000x128xf32, #tpu.memory_space<hbm>>, %arg3: memref<32x80x128xi32, #tpu.memory_space<hbm>>, %arg4: memref<32x80x128xi32, #tpu.memory_space<hbm>>, %arg5: memref<128x128xf32, #tpu.memory_space<hbm>>, %arg6: memref<2x10240x128xf32, #tpu.memory_space<hbm>>, %arg7: memref<128x128xf32, #tpu.memory_space<vmem>>, %arg8: memref<128x128xf32, #tpu.memory_space<vmem>>, %arg9: memref<128xi32, #tpu.memory_space<vmem>>, %arg10: memref<128xi32, #tpu.memory_space<vmem>>, %arg11: memref<128xi32, #tpu.memory_space<vmem>>, %arg12: memref<128xi32, #tpu.memory_space<vmem>>, %arg13: memref<10240x128xf32, #tpu.memory_space<vmem_shared>>, %arg14: memref<!tpu.dma_semaphore, #tpu.memory_space<semaphore_mem>>, %arg15: memref<!tpu.dma_semaphore, #tpu.memory_space<semaphore_mem>>) attributes {dimension_semantics = [#tpu.dimension_semantics<core_parallel>, #tpu.dimension_semantics<subcore_parallel>], iteration_bounds = array<i64: 2, 16>, scalar_prefetch = 0 : i64, scratch_operands = 9 : i64, tpu.core_type = #tpu.core_type<sc_vector_subcore>, window_params = [{transform_indices = #map}, {transform_indices = #map1}, {transform_indices = #map1}, {transform_indices = #map}, {transform_indices = #map1}]} {
    %mul3A = arith.constant 16 : i32
    %mul3A_0 = arith.muli %arg0, %mul3A : i32
    %add3A = arith.addi %mul3A_0, %arg1 : i32
    "tpu.region"() ({
      %run_scoped3A_68 = tpu.sem_alloc : memref<!tpu.dma_semaphore, #tpu.memory_space<semaphore_mem>>
      tpu.enqueue_dma source(%arg5 : memref<128x128xf32, #tpu.memory_space<hbm>>) target(%arg7 : memref<128x128xf32, #tpu.memory_space<vmem>>) target_semaphore(%run_scoped3A_68 : memref<!tpu.dma_semaphore, #tpu.memory_space<semaphore_mem>>)
      tpu.wait_dma2 semaphore(%run_scoped3A_68 : memref<!tpu.dma_semaphore, #tpu.memory_space<semaphore_mem>>) src(%arg5 : memref<128x128xf32, #tpu.memory_space<hbm>>) dst(%arg7 : memref<128x128xf32, #tpu.memory_space<vmem>>)
      tpu.yield
    }) : () -> ()
    %mul3A_1 = arith.constant 640 : i32
    %mul3A_2 = arith.muli %arg1, %mul3A_1 : i32
    %add3A_3 = arith.constant 0 : i32
    %add3A_4 = arith.addi %mul3A_2, %add3A_3 : i32
    "tpu.region"() ({
      %run_scoped3A_68 = tpu.sem_alloc : memref<!tpu.dma_semaphore, #tpu.memory_space<semaphore_mem>>
      %dma_start3A_69 = arith.constant 0 : i32
      %dma_start3A_70 = tpu.memref_slice %arg13[%add3A_4, %dma_start3A_69] : memref<10240x128xf32, #tpu.memory_space<vmem_shared>> -> memref<128x128xf32, #tpu.memory_space<vmem_shared>>
      %dma_start3A_71 = arith.constant 0 : i32
      %dma_start3A_72 = tpu.memref_slice %arg13[%add3A_4, %dma_start3A_71] : memref<10240x128xf32, #tpu.memory_space<vmem_shared>> -> memref<128x128xf32, #tpu.memory_space<vmem_shared>>
      tpu.enqueue_dma source(%arg7 : memref<128x128xf32, #tpu.memory_space<vmem>>) target(%dma_start3A_72 : memref<128x128xf32, #tpu.memory_space<vmem_shared>>) target_semaphore(%run_scoped3A_68 : memref<!tpu.dma_semaphore, #tpu.memory_space<semaphore_mem>>)
      %dma_wait3A = arith.constant 0 : i32
      %dma_wait3A_73 = tpu.memref_slice %arg13[%add3A_4, %dma_wait3A] : memref<10240x128xf32, #tpu.memory_space<vmem_shared>> -> memref<128x128xf32, #tpu.memory_space<vmem_shared>>
      %dma_wait3A_74 = arith.constant 0 : i32
      %dma_wait3A_75 = tpu.memref_slice %arg13[%add3A_4, %dma_wait3A_74] : memref<10240x128xf32, #tpu.memory_space<vmem_shared>> -> memref<128x128xf32, #tpu.memory_space<vmem_shared>>
      tpu.wait_dma2 semaphore(%run_scoped3A_68 : memref<!tpu.dma_semaphore, #tpu.memory_space<semaphore_mem>>) src(%arg7 : memref<128x128xf32, #tpu.memory_space<vmem>>) dst(%dma_wait3A_75 : memref<128x128xf32, #tpu.memory_space<vmem_shared>>)
      tpu.yield
    }) : () -> ()
    %mul3A_5 = arith.constant 640 : i32
    %mul3A_6 = arith.muli %arg1, %mul3A_5 : i32
    %add3A_7 = arith.constant 128 : i32
    %add3A_8 = arith.addi %mul3A_6, %add3A_7 : i32
    "tpu.region"() ({
      %run_scoped3A_68 = tpu.sem_alloc : memref<!tpu.dma_semaphore, #tpu.memory_space<semaphore_mem>>
      %dma_start3A_69 = arith.constant 0 : i32
      %dma_start3A_70 = tpu.memref_slice %arg13[%add3A_8, %dma_start3A_69] : memref<10240x128xf32, #tpu.memory_space<vmem_shared>> -> memref<128x128xf32, #tpu.memory_space<vmem_shared>>
      %dma_start3A_71 = arith.constant 0 : i32
      %dma_start3A_72 = tpu.memref_slice %arg13[%add3A_8, %dma_start3A_71] : memref<10240x128xf32, #tpu.memory_space<vmem_shared>> -> memref<128x128xf32, #tpu.memory_space<vmem_shared>>
      tpu.enqueue_dma source(%arg7 : memref<128x128xf32, #tpu.memory_space<vmem>>) target(%dma_start3A_72 : memref<128x128xf32, #tpu.memory_space<vmem_shared>>) target_semaphore(%run_scoped3A_68 : memref<!tpu.dma_semaphore, #tpu.memory_space<semaphore_mem>>)
      %dma_wait3A = arith.constant 0 : i32
      %dma_wait3A_73 = tpu.memref_slice %arg13[%add3A_8, %dma_wait3A] : memref<10240x128xf32, #tpu.memory_space<vmem_shared>> -> memref<128x128xf32, #tpu.memory_space<vmem_shared>>
      %dma_wait3A_74 = arith.constant 0 : i32
      %dma_wait3A_75 = tpu.memref_slice %arg13[%add3A_8, %dma_wait3A_74] : memref<10240x128xf32, #tpu.memory_space<vmem_shared>> -> memref<128x128xf32, #tpu.memory_space<vmem_shared>>
      tpu.wait_dma2 semaphore(%run_scoped3A_68 : memref<!tpu.dma_semaphore, #tpu.memory_space<semaphore_mem>>) src(%arg7 : memref<128x128xf32, #tpu.memory_space<vmem>>) dst(%dma_wait3A_75 : memref<128x128xf32, #tpu.memory_space<vmem_shared>>)
      tpu.yield
    }) : () -> ()
    %mul3A_9 = arith.constant 640 : i32
    %mul3A_10 = arith.muli %arg1, %mul3A_9 : i32
    %add3A_11 = arith.constant 256 : i32
    %add3A_12 = arith.addi %mul3A_10, %add3A_11 : i32
    "tpu.region"() ({
      %run_scoped3A_68 = tpu.sem_alloc : memref<!tpu.dma_semaphore, #tpu.memory_space<semaphore_mem>>
      %dma_start3A_69 = arith.constant 0 : i32
      %dma_start3A_70 = tpu.memref_slice %arg13[%add3A_12, %dma_start3A_69] : memref<10240x128xf32, #tpu.memory_space<vmem_shared>> -> memref<128x128xf32, #tpu.memory_space<vmem_shared>>
      %dma_start3A_71 = arith.constant 0 : i32
      %dma_start3A_72 = tpu.memref_slice %arg13[%add3A_12, %dma_start3A_71] : memref<10240x128xf32, #tpu.memory_space<vmem_shared>> -> memref<128x128xf32, #tpu.memory_space<vmem_shared>>
      tpu.enqueue_dma source(%arg7 : memref<128x128xf32, #tpu.memory_space<vmem>>) target(%dma_start3A_72 : memref<128x128xf32, #tpu.memory_space<vmem_shared>>) target_semaphore(%run_scoped3A_68 : memref<!tpu.dma_semaphore, #tpu.memory_space<semaphore_mem>>)
      %dma_wait3A = arith.constant 0 : i32
      %dma_wait3A_73 = tpu.memref_slice %arg13[%add3A_12, %dma_wait3A] : memref<10240x128xf32, #tpu.memory_space<vmem_shared>> -> memref<128x128xf32, #tpu.memory_space<vmem_shared>>
      %dma_wait3A_74 = arith.constant 0 : i32
      %dma_wait3A_75 = tpu.memref_slice %arg13[%add3A_12, %dma_wait3A_74] : memref<10240x128xf32, #tpu.memory_space<vmem_shared>> -> memref<128x128xf32, #tpu.memory_space<vmem_shared>>
      tpu.wait_dma2 semaphore(%run_scoped3A_68 : memref<!tpu.dma_semaphore, #tpu.memory_space<semaphore_mem>>) src(%arg7 : memref<128x128xf32, #tpu.memory_space<vmem>>) dst(%dma_wait3A_75 : memref<128x128xf32, #tpu.memory_space<vmem_shared>>)
      tpu.yield
    }) : () -> ()
    %mul3A_13 = arith.constant 640 : i32
    %mul3A_14 = arith.muli %arg1, %mul3A_13 : i32
    %add3A_15 = arith.constant 384 : i32
    %add3A_16 = arith.addi %mul3A_14, %add3A_15 : i32
    "tpu.region"() ({
      %run_scoped3A_68 = tpu.sem_alloc : memref<!tpu.dma_semaphore, #tpu.memory_space<semaphore_mem>>
      %dma_start3A_69 = arith.constant 0 : i32
      %dma_start3A_70 = tpu.memref_slice %arg13[%add3A_16, %dma_start3A_69] : memref<10240x128xf32, #tpu.memory_space<vmem_shared>> -> memref<128x128xf32, #tpu.memory_space<vmem_shared>>
      %dma_start3A_71 = arith.constant 0 : i32
      %dma_start3A_72 = tpu.memref_slice %arg13[%add3A_16, %dma_start3A_71] : memref<10240x128xf32, #tpu.memory_space<vmem_shared>> -> memref<128x128xf32, #tpu.memory_space<vmem_shared>>
      tpu.enqueue_dma source(%arg7 : memref<128x128xf32, #tpu.memory_space<vmem>>) target(%dma_start3A_72 : memref<128x128xf32, #tpu.memory_space<vmem_shared>>) target_semaphore(%run_scoped3A_68 : memref<!tpu.dma_semaphore, #tpu.memory_space<semaphore_mem>>)
      %dma_wait3A = arith.constant 0 : i32
      %dma_wait3A_73 = tpu.memref_slice %arg13[%add3A_16, %dma_wait3A] : memref<10240x128xf32, #tpu.memory_space<vmem_shared>> -> memref<128x128xf32, #tpu.memory_space<vmem_shared>>
      %dma_wait3A_74 = arith.constant 0 : i32
      %dma_wait3A_75 = tpu.memref_slice %arg13[%add3A_16, %dma_wait3A_74] : memref<10240x128xf32, #tpu.memory_space<vmem_shared>> -> memref<128x128xf32, #tpu.memory_space<vmem_shared>>
      tpu.wait_dma2 semaphore(%run_scoped3A_68 : memref<!tpu.dma_semaphore, #tpu.memory_space<semaphore_mem>>) src(%arg7 : memref<128x128xf32, #tpu.memory_space<vmem>>) dst(%dma_wait3A_75 : memref<128x128xf32, #tpu.memory_space<vmem_shared>>)
      tpu.yield
    }) : () -> ()
    %mul3A_17 = arith.constant 640 : i32
    %mul3A_18 = arith.muli %arg1, %mul3A_17 : i32
    %add3A_19 = arith.constant 512 : i32
    %add3A_20 = arith.addi %mul3A_18, %add3A_19 : i32
    "tpu.region"() ({
      %run_scoped3A_68 = tpu.sem_alloc : memref<!tpu.dma_semaphore, #tpu.memory_space<semaphore_mem>>
      %dma_start3A_69 = arith.constant 0 : i32
      %dma_start3A_70 = tpu.memref_slice %arg13[%add3A_20, %dma_start3A_69] : memref<10240x128xf32, #tpu.memory_space<vmem_shared>> -> memref<128x128xf32, #tpu.memory_space<vmem_shared>>
      %dma_start3A_71 = arith.constant 0 : i32
      %dma_start3A_72 = tpu.memref_slice %arg13[%add3A_20, %dma_start3A_71] : memref<10240x128xf32, #tpu.memory_space<vmem_shared>> -> memref<128x128xf32, #tpu.memory_space<vmem_shared>>
      tpu.enqueue_dma source(%arg7 : memref<128x128xf32, #tpu.memory_space<vmem>>) target(%dma_start3A_72 : memref<128x128xf32, #tpu.memory_space<vmem_shared>>) target_semaphore(%run_scoped3A_68 : memref<!tpu.dma_semaphore, #tpu.memory_space<semaphore_mem>>)
      %dma_wait3A = arith.constant 0 : i32
      %dma_wait3A_73 = tpu.memref_slice %arg13[%add3A_20, %dma_wait3A] : memref<10240x128xf32, #tpu.memory_space<vmem_shared>> -> memref<128x128xf32, #tpu.memory_space<vmem_shared>>
      %dma_wait3A_74 = arith.constant 0 : i32
      %dma_wait3A_75 = tpu.memref_slice %arg13[%add3A_20, %dma_wait3A_74] : memref<10240x128xf32, #tpu.memory_space<vmem_shared>> -> memref<128x128xf32, #tpu.memory_space<vmem_shared>>
      tpu.wait_dma2 semaphore(%run_scoped3A_68 : memref<!tpu.dma_semaphore, #tpu.memory_space<semaphore_mem>>) src(%arg7 : memref<128x128xf32, #tpu.memory_space<vmem>>) dst(%dma_wait3A_75 : memref<128x128xf32, #tpu.memory_space<vmem_shared>>)
      tpu.yield
    }) : () -> ()
    %barrier3A = arith.constant 0 : index
    tpu.barrier barrier_id(%barrier3A)
    %run_scoped3A = arith.constant 0 : i32
    "tpu.region"() ({
      %run_scoped3A_68 = tpu.sem_alloc : memref<!tpu.dma_semaphore, #tpu.memory_space<semaphore_mem>>
      %dma_start3A_69 = arith.constant 0 : i32
      %dma_start3A_70 = tpu.memref_slice %arg3[%add3A, %run_scoped3A, %dma_start3A_69] : memref<32x80x128xi32, #tpu.memory_space<hbm>> -> memref<1x1x128xi32, #tpu.memory_space<hbm>>
      %dma_start3A_71 = tpu.memref_squeeze %dma_start3A_70 : memref<1x1x128xi32, #tpu.memory_space<hbm>> -> memref<128xi32, #tpu.memory_space<hbm>>
      %dma_start3A_72 = arith.constant 0 : i32
      %dma_start3A_73 = tpu.memref_slice %arg3[%add3A, %run_scoped3A, %dma_start3A_72] : memref<32x80x128xi32, #tpu.memory_space<hbm>> -> memref<1x1x128xi32, #tpu.memory_space<hbm>>
      %dma_start3A_74 = tpu.memref_squeeze %dma_start3A_73 : memref<1x1x128xi32, #tpu.memory_space<hbm>> -> memref<128xi32, #tpu.memory_space<hbm>>
      tpu.enqueue_dma source(%dma_start3A_74 : memref<128xi32, #tpu.memory_space<hbm>>) target(%arg9 : memref<128xi32, #tpu.memory_space<vmem>>) target_semaphore(%run_scoped3A_68 : memref<!tpu.dma_semaphore, #tpu.memory_space<semaphore_mem>>)
      %dma_wait3A = arith.constant 0 : i32
      %dma_wait3A_75 = tpu.memref_slice %arg3[%add3A, %run_scoped3A, %dma_wait3A] : memref<32x80x128xi32, #tpu.memory_space<hbm>> -> memref<1x1x128xi32, #tpu.memory_space<hbm>>
      %dma_wait3A_76 = tpu.memref_squeeze %dma_wait3A_75 : memref<1x1x128xi32, #tpu.memory_space<hbm>> -> memref<128xi32, #tpu.memory_space<hbm>>
      %dma_wait3A_77 = arith.constant 0 : i32
      %dma_wait3A_78 = tpu.memref_slice %arg3[%add3A, %run_scoped3A, %dma_wait3A_77] : memref<32x80x128xi32, #tpu.memory_space<hbm>> -> memref<1x1x128xi32, #tpu.memory_space<hbm>>
      %dma_wait3A_79 = tpu.memref_squeeze %dma_wait3A_78 : memref<1x1x128xi32, #tpu.memory_space<hbm>> -> memref<128xi32, #tpu.memory_space<hbm>>
      tpu.wait_dma2 semaphore(%run_scoped3A_68 : memref<!tpu.dma_semaphore, #tpu.memory_space<semaphore_mem>>) src(%dma_wait3A_79 : memref<128xi32, #tpu.memory_space<hbm>>) dst(%arg9 : memref<128xi32, #tpu.memory_space<vmem>>)
      tpu.yield
    }) : () -> ()
    %dma_start3A = arith.constant 0 : i32
    %dma_start3A_21 = arith.constant 0 : i32
    %dma_start3A_22 = tpu.memref_slice %arg2[%dma_start3A, %dma_start3A_21] : memref<10000x128xf32, #tpu.memory_space<hbm>> -> memref<10000x128xf32, #tpu.memory_space<hbm>>
    tpu.enqueue_indirect_dma source(%dma_start3A_22 : memref<10000x128xf32, #tpu.memory_space<hbm>>) target(%arg7 : memref<128x128xf32, #tpu.memory_space<vmem>>) offsets(%arg9 : memref<128xi32, #tpu.memory_space<vmem>>) semaphore(%arg14 : memref<!tpu.dma_semaphore, #tpu.memory_space<semaphore_mem>>)
    %scan3A = arith.constant 0 : i32
    %scan3A_23 = arith.constant 40 : i32
    %scan3A_24 = arith.addi %scan3A, %scan3A_23 : i32
    %scan3A_25 = arith.constant 1 : i32
    scf.for %scan3A_68 = %scan3A to %scan3A_24 step %scan3A_25  : i32 {
      %mul3A_69 = arith.constant 2 : i32
      %mul3A_70 = arith.muli %scan3A_68, %mul3A_69 : i32
      %add3A_71 = arith.constant 0 : i32
      %add3A_72 = arith.addi %add3A_71, %mul3A_70 : i32
      %add3A_73 = arith.constant 1 : i32
      %add3A_74 = arith.addi %add3A_72, %add3A_73 : i32
      "tpu.region"() ({
        %run_scoped3A_89 = tpu.sem_alloc : memref<!tpu.dma_semaphore, #tpu.memory_space<semaphore_mem>>
        %dma_start3A_90 = arith.constant 0 : i32
        %dma_start3A_91 = tpu.memref_slice %arg3[%add3A, %add3A_74, %dma_start3A_90] : memref<32x80x128xi32, #tpu.memory_space<hbm>> -> memref<1x1x128xi32, #tpu.memory_space<hbm>>
        %dma_start3A_92 = tpu.memref_squeeze %dma_start3A_91 : memref<1x1x128xi32, #tpu.memory_space<hbm>> -> memref<128xi32, #tpu.memory_space<hbm>>
        %dma_start3A_93 = arith.constant 0 : i32
        %dma_start3A_94 = tpu.memref_slice %arg3[%add3A, %add3A_74, %dma_start3A_93] : memref<32x80x128xi32, #tpu.memory_space<hbm>> -> memref<1x1x128xi32, #tpu.memory_space<hbm>>
        %dma_start3A_95 = tpu.memref_squeeze %dma_start3A_94 : memref<1x1x128xi32, #tpu.memory_space<hbm>> -> memref<128xi32, #tpu.memory_space<hbm>>
        tpu.enqueue_dma source(%dma_start3A_95 : memref<128xi32, #tpu.memory_space<hbm>>) target(%arg10 : memref<128xi32, #tpu.memory_space<vmem>>) target_semaphore(%run_scoped3A_89 : memref<!tpu.dma_semaphore, #tpu.memory_space<semaphore_mem>>)
        %dma_wait3A_96 = arith.constant 0 : i32
        %dma_wait3A_97 = tpu.memref_slice %arg3[%add3A, %add3A_74, %dma_wait3A_96] : memref<32x80x128xi32, #tpu.memory_space<hbm>> -> memref<1x1x128xi32, #tpu.memory_space<hbm>>
        %dma_wait3A_98 = tpu.memref_squeeze %dma_wait3A_97 : memref<1x1x128xi32, #tpu.memory_space<hbm>> -> memref<128xi32, #tpu.memory_space<hbm>>
        %dma_wait3A_99 = arith.constant 0 : i32
        %dma_wait3A_100 = tpu.memref_slice %arg3[%add3A, %add3A_74, %dma_wait3A_99] : memref<32x80x128xi32, #tpu.memory_space<hbm>> -> memref<1x1x128xi32, #tpu.memory_space<hbm>>
        %dma_wait3A_101 = tpu.memref_squeeze %dma_wait3A_100 : memref<1x1x128xi32, #tpu.memory_space<hbm>> -> memref<128xi32, #tpu.memory_space<hbm>>
        tpu.wait_dma2 semaphore(%run_scoped3A_89 : memref<!tpu.dma_semaphore, #tpu.memory_space<semaphore_mem>>) src(%dma_wait3A_101 : memref<128xi32, #tpu.memory_space<hbm>>) dst(%arg10 : memref<128xi32, #tpu.memory_space<vmem>>)
        tpu.yield
      }) : () -> ()
      %dma_start3A_75 = arith.constant 0 : i32
      %dma_start3A_76 = arith.constant 0 : i32
      %dma_start3A_77 = tpu.memref_slice %arg2[%dma_start3A_75, %dma_start3A_76] : memref<10000x128xf32, #tpu.memory_space<hbm>> -> memref<10000x128xf32, #tpu.memory_space<hbm>>
      tpu.enqueue_indirect_dma source(%dma_start3A_77 : memref<10000x128xf32, #tpu.memory_space<hbm>>) target(%arg8 : memref<128x128xf32, #tpu.memory_space<vmem>>) offsets(%arg10 : memref<128xi32, #tpu.memory_space<vmem>>) semaphore(%arg15 : memref<!tpu.dma_semaphore, #tpu.memory_space<semaphore_mem>>)
      "tpu.region"() ({
        %run_scoped3A_89 = tpu.sem_alloc : memref<!tpu.dma_semaphore, #tpu.memory_space<semaphore_mem>>
        %dma_start3A_90 = arith.constant 0 : i32
        %dma_start3A_91 = tpu.memref_slice %arg4[%add3A, %add3A_72, %dma_start3A_90] : memref<32x80x128xi32, #tpu.memory_space<hbm>> -> memref<1x1x128xi32, #tpu.memory_space<hbm>>
        %dma_start3A_92 = tpu.memref_squeeze %dma_start3A_91 : memref<1x1x128xi32, #tpu.memory_space<hbm>> -> memref<128xi32, #tpu.memory_space<hbm>>
        %dma_start3A_93 = arith.constant 0 : i32
        %dma_start3A_94 = tpu.memref_slice %arg4[%add3A, %add3A_72, %dma_start3A_93] : memref<32x80x128xi32, #tpu.memory_space<hbm>> -> memref<1x1x128xi32, #tpu.memory_space<hbm>>
        %dma_start3A_95 = tpu.memref_squeeze %dma_start3A_94 : memref<1x1x128xi32, #tpu.memory_space<hbm>> -> memref<128xi32, #tpu.memory_space<hbm>>
        tpu.enqueue_dma source(%dma_start3A_95 : memref<128xi32, #tpu.memory_space<hbm>>) target(%arg11 : memref<128xi32, #tpu.memory_space<vmem>>) target_semaphore(%run_scoped3A_89 : memref<!tpu.dma_semaphore, #tpu.memory_space<semaphore_mem>>)
        %dma_wait3A_96 = arith.constant 0 : i32
        %dma_wait3A_97 = tpu.memref_slice %arg4[%add3A, %add3A_72, %dma_wait3A_96] : memref<32x80x128xi32, #tpu.memory_space<hbm>> -> memref<1x1x128xi32, #tpu.memory_space<hbm>>
        %dma_wait3A_98 = tpu.memref_squeeze %dma_wait3A_97 : memref<1x1x128xi32, #tpu.memory_space<hbm>> -> memref<128xi32, #tpu.memory_space<hbm>>
        %dma_wait3A_99 = arith.constant 0 : i32
        %dma_wait3A_100 = tpu.memref_slice %arg4[%add3A, %add3A_72, %dma_wait3A_99] : memref<32x80x128xi32, #tpu.memory_space<hbm>> -> memref<1x1x128xi32, #tpu.memory_space<hbm>>
        %dma_wait3A_101 = tpu.memref_squeeze %dma_wait3A_100 : memref<1x1x128xi32, #tpu.memory_space<hbm>> -> memref<128xi32, #tpu.memory_space<hbm>>
        tpu.wait_dma2 semaphore(%run_scoped3A_89 : memref<!tpu.dma_semaphore, #tpu.memory_space<semaphore_mem>>) src(%dma_wait3A_101 : memref<128xi32, #tpu.memory_space<hbm>>) dst(%arg11 : memref<128xi32, #tpu.memory_space<vmem>>)
        tpu.yield
      }) : () -> ()
      %dma_wait3A = arith.constant 0 : i32
      %dma_wait3A_78 = arith.constant 0 : i32
      %dma_wait3A_79 = tpu.memref_slice %arg2[%dma_wait3A, %dma_wait3A_78] : memref<10000x128xf32, #tpu.memory_space<hbm>> -> memref<10000x128xf32, #tpu.memory_space<hbm>>
      tpu.wait_indirect_dma semaphore(%arg14 : memref<!tpu.dma_semaphore, #tpu.memory_space<semaphore_mem>>) src(%dma_wait3A_79 : memref<10000x128xf32, #tpu.memory_space<hbm>>) dst(%arg7 : memref<128x128xf32, #tpu.memory_space<vmem>>)
      "tpu.region"() ({
        %run_scoped3A_89 = tpu.sem_alloc : memref<!tpu.dma_semaphore, #tpu.memory_space<semaphore_mem>>
        %dma_start3A_90 = arith.constant 0 : i32
        %dma_start3A_91 = arith.constant 0 : i32
        %dma_start3A_92 = tpu.memref_slice %arg13[%dma_start3A_90, %dma_start3A_91] : memref<10240x128xf32, #tpu.memory_space<vmem_shared>> -> memref<10240x128xf32, #tpu.memory_space<vmem_shared>>
        tpu.enqueue_indirect_dma source(%arg7 : memref<128x128xf32, #tpu.memory_space<vmem>>) target(%dma_start3A_92 : memref<10240x128xf32, #tpu.memory_space<vmem_shared>>) offsets(%arg11 : memref<128xi32, #tpu.memory_space<vmem>>) semaphore(%run_scoped3A_89 : memref<!tpu.dma_semaphore, #tpu.memory_space<semaphore_mem>>) {add = true}
        %dma_wait3A_93 = arith.constant 0 : i32
        %dma_wait3A_94 = arith.constant 0 : i32
        %dma_wait3A_95 = tpu.memref_slice %arg13[%dma_wait3A_93, %dma_wait3A_94] : memref<10240x128xf32, #tpu.memory_space<vmem_shared>> -> memref<10240x128xf32, #tpu.memory_space<vmem_shared>>
        tpu.wait_indirect_dma semaphore(%run_scoped3A_89 : memref<!tpu.dma_semaphore, #tpu.memory_space<semaphore_mem>>) src(%arg7 : memref<128x128xf32, #tpu.memory_space<vmem>>) dst(%dma_wait3A_95 : memref<10240x128xf32, #tpu.memory_space<vmem_shared>>)
        tpu.yield
      }) : () -> ()
      %add3A_80 = arith.constant 2 : i32
      %add3A_81 = arith.addi %add3A_72, %add3A_80 : i32
      %lt3A = arith.constant 80 : i32
      %lt3A_82 = arith.cmpi slt, %add3A_81, %lt3A : i32
      %convert_element_type3A = arith.extui %lt3A_82 : i1 to i32
      %cond3A = arith.constant 0 : i32
      %cond3A_83 = arith.cmpi ne, %convert_element_type3A, %cond3A : i32
      scf.if %cond3A_83 {
        %add3A_89 = arith.constant 2 : i32
        %add3A_90 = arith.addi %add3A_72, %add3A_89 : i32
        "tpu.region"() ({
          %run_scoped3A_94 = tpu.sem_alloc : memref<!tpu.dma_semaphore, #tpu.memory_space<semaphore_mem>>
          %dma_start3A_95 = arith.constant 0 : i32
          %dma_start3A_96 = tpu.memref_slice %arg3[%add3A, %add3A_90, %dma_start3A_95] : memref<32x80x128xi32, #tpu.memory_space<hbm>> -> memref<1x1x128xi32, #tpu.memory_space<hbm>>
          %dma_start3A_97 = tpu.memref_squeeze %dma_start3A_96 : memref<1x1x128xi32, #tpu.memory_space<hbm>> -> memref<128xi32, #tpu.memory_space<hbm>>
          %dma_start3A_98 = arith.constant 0 : i32
          %dma_start3A_99 = tpu.memref_slice %arg3[%add3A, %add3A_90, %dma_start3A_98] : memref<32x80x128xi32, #tpu.memory_space<hbm>> -> memref<1x1x128xi32, #tpu.memory_space<hbm>>
          %dma_start3A_100 = tpu.memref_squeeze %dma_start3A_99 : memref<1x1x128xi32, #tpu.memory_space<hbm>> -> memref<128xi32, #tpu.memory_space<hbm>>
          tpu.enqueue_dma source(%dma_start3A_100 : memref<128xi32, #tpu.memory_space<hbm>>) target(%arg9 : memref<128xi32, #tpu.memory_space<vmem>>) target_semaphore(%run_scoped3A_94 : memref<!tpu.dma_semaphore, #tpu.memory_space<semaphore_mem>>)
          %dma_wait3A_101 = arith.constant 0 : i32
          %dma_wait3A_102 = tpu.memref_slice %arg3[%add3A, %add3A_90, %dma_wait3A_101] : memref<32x80x128xi32, #tpu.memory_space<hbm>> -> memref<1x1x128xi32, #tpu.memory_space<hbm>>
          %dma_wait3A_103 = tpu.memref_squeeze %dma_wait3A_102 : memref<1x1x128xi32, #tpu.memory_space<hbm>> -> memref<128xi32, #tpu.memory_space<hbm>>
          %dma_wait3A_104 = arith.constant 0 : i32
          %dma_wait3A_105 = tpu.memref_slice %arg3[%add3A, %add3A_90, %dma_wait3A_104] : memref<32x80x128xi32, #tpu.memory_space<hbm>> -> memref<1x1x128xi32, #tpu.memory_space<hbm>>
          %dma_wait3A_106 = tpu.memref_squeeze %dma_wait3A_105 : memref<1x1x128xi32, #tpu.memory_space<hbm>> -> memref<128xi32, #tpu.memory_space<hbm>>
          tpu.wait_dma2 semaphore(%run_scoped3A_94 : memref<!tpu.dma_semaphore, #tpu.memory_space<semaphore_mem>>) src(%dma_wait3A_106 : memref<128xi32, #tpu.memory_space<hbm>>) dst(%arg9 : memref<128xi32, #tpu.memory_space<vmem>>)
          tpu.yield
        }) : () -> ()
        %dma_start3A_91 = arith.constant 0 : i32
        %dma_start3A_92 = arith.constant 0 : i32
        %dma_start3A_93 = tpu.memref_slice %arg2[%dma_start3A_91, %dma_start3A_92] : memref<10000x128xf32, #tpu.memory_space<hbm>> -> memref<10000x128xf32, #tpu.memory_space<hbm>>
        tpu.enqueue_indirect_dma source(%dma_start3A_93 : memref<10000x128xf32, #tpu.memory_space<hbm>>) target(%arg7 : memref<128x128xf32, #tpu.memory_space<vmem>>) offsets(%arg9 : memref<128xi32, #tpu.memory_space<vmem>>) semaphore(%arg14 : memref<!tpu.dma_semaphore, #tpu.memory_space<semaphore_mem>>)
      } else {
      }
      %add3A_84 = arith.constant 1 : i32
      %add3A_85 = arith.addi %add3A_72, %add3A_84 : i32
      "tpu.region"() ({
        %run_scoped3A_89 = tpu.sem_alloc : memref<!tpu.dma_semaphore, #tpu.memory_space<semaphore_mem>>
        %dma_start3A_90 = arith.constant 0 : i32
        %dma_start3A_91 = tpu.memref_slice %arg4[%add3A, %add3A_85, %dma_start3A_90] : memref<32x80x128xi32, #tpu.memory_space<hbm>> -> memref<1x1x128xi32, #tpu.memory_space<hbm>>
        %dma_start3A_92 = tpu.memref_squeeze %dma_start3A_91 : memref<1x1x128xi32, #tpu.memory_space<hbm>> -> memref<128xi32, #tpu.memory_space<hbm>>
        %dma_start3A_93 = arith.constant 0 : i32
        %dma_start3A_94 = tpu.memref_slice %arg4[%add3A, %add3A_85, %dma_start3A_93] : memref<32x80x128xi32, #tpu.memory_space<hbm>> -> memref<1x1x128xi32, #tpu.memory_space<hbm>>
        %dma_start3A_95 = tpu.memref_squeeze %dma_start3A_94 : memref<1x1x128xi32, #tpu.memory_space<hbm>> -> memref<128xi32, #tpu.memory_space<hbm>>
        tpu.enqueue_dma source(%dma_start3A_95 : memref<128xi32, #tpu.memory_space<hbm>>) target(%arg12 : memref<128xi32, #tpu.memory_space<vmem>>) target_semaphore(%run_scoped3A_89 : memref<!tpu.dma_semaphore, #tpu.memory_space<semaphore_mem>>)
        %dma_wait3A_96 = arith.constant 0 : i32
        %dma_wait3A_97 = tpu.memref_slice %arg4[%add3A, %add3A_85, %dma_wait3A_96] : memref<32x80x128xi32, #tpu.memory_space<hbm>> -> memref<1x1x128xi32, #tpu.memory_space<hbm>>
        %dma_wait3A_98 = tpu.memref_squeeze %dma_wait3A_97 : memref<1x1x128xi32, #tpu.memory_space<hbm>> -> memref<128xi32, #tpu.memory_space<hbm>>
        %dma_wait3A_99 = arith.constant 0 : i32
        %dma_wait3A_100 = tpu.memref_slice %arg4[%add3A, %add3A_85, %dma_wait3A_99] : memref<32x80x128xi32, #tpu.memory_space<hbm>> -> memref<1x1x128xi32, #tpu.memory_space<hbm>>
        %dma_wait3A_101 = tpu.memref_squeeze %dma_wait3A_100 : memref<1x1x128xi32, #tpu.memory_space<hbm>> -> memref<128xi32, #tpu.memory_space<hbm>>
        tpu.wait_dma2 semaphore(%run_scoped3A_89 : memref<!tpu.dma_semaphore, #tpu.memory_space<semaphore_mem>>) src(%dma_wait3A_101 : memref<128xi32, #tpu.memory_space<hbm>>) dst(%arg12 : memref<128xi32, #tpu.memory_space<vmem>>)
        tpu.yield
      }) : () -> ()
      %dma_wait3A_86 = arith.constant 0 : i32
      %dma_wait3A_87 = arith.constant 0 : i32
      %dma_wait3A_88 = tpu.memref_slice %arg2[%dma_wait3A_86, %dma_wait3A_87] : memref<10000x128xf32, #tpu.memory_space<hbm>> -> memref<10000x128xf32, #tpu.memory_space<hbm>>
      tpu.wait_indirect_dma semaphore(%arg15 : memref<!tpu.dma_semaphore, #tpu.memory_space<semaphore_mem>>) src(%dma_wait3A_88 : memref<10000x128xf32, #tpu.memory_space<hbm>>) dst(%arg8 : memref<128x128xf32, #tpu.memory_space<vmem>>)
      "tpu.region"() ({
        %run_scoped3A_89 = tpu.sem_alloc : memref<!tpu.dma_semaphore, #tpu.memory_space<semaphore_mem>>
        %dma_start3A_90 = arith.constant 0 : i32
        %dma_start3A_91 = arith.constant 0 : i32
        %dma_start3A_92 = tpu.memref_slice %arg13[%dma_start3A_90, %dma_start3A_91] : memref<10240x128xf32, #tpu.memory_space<vmem_shared>> -> memref<10240x128xf32, #tpu.memory_space<vmem_shared>>
        tpu.enqueue_indirect_dma source(%arg8 : memref<128x128xf32, #tpu.memory_space<vmem>>) target(%dma_start3A_92 : memref<10240x128xf32, #tpu.memory_space<vmem_shared>>) offsets(%arg12 : memref<128xi32, #tpu.memory_space<vmem>>) semaphore(%run_scoped3A_89 : memref<!tpu.dma_semaphore, #tpu.memory_space<semaphore_mem>>) {add = true}
        %dma_wait3A_93 = arith.constant 0 : i32
        %dma_wait3A_94 = arith.constant 0 : i32
        %dma_wait3A_95 = tpu.memref_slice %arg13[%dma_wait3A_93, %dma_wait3A_94] : memref<10240x128xf32, #tpu.memory_space<vmem_shared>> -> memref<10240x128xf32, #tpu.memory_space<vmem_shared>>
        tpu.wait_indirect_dma semaphore(%run_scoped3A_89 : memref<!tpu.dma_semaphore, #tpu.memory_space<semaphore_mem>>) src(%arg8 : memref<128x128xf32, #tpu.memory_space<vmem>>) dst(%dma_wait3A_95 : memref<10240x128xf32, #tpu.memory_space<vmem_shared>>)
        tpu.yield
      }) : () -> ()
    }
    %scan3A_26 = arith.constant 40 : i32
    %barrier3A_27 = arith.constant 0 : index
    tpu.barrier barrier_id(%barrier3A_27)
    %mul3A_28 = arith.constant 640 : i32
    %mul3A_29 = arith.muli %arg1, %mul3A_28 : i32
    %add3A_30 = arith.constant 0 : i32
    %add3A_31 = arith.addi %mul3A_29, %add3A_30 : i32
    "tpu.region"() ({
      %run_scoped3A_68 = tpu.sem_alloc : memref<!tpu.dma_semaphore, #tpu.memory_space<semaphore_mem>>
      %dma_start3A_69 = arith.constant 0 : i32
      %dma_start3A_70 = tpu.memref_slice %arg13[%add3A_31, %dma_start3A_69] : memref<10240x128xf32, #tpu.memory_space<vmem_shared>> -> memref<128x128xf32, #tpu.memory_space<vmem_shared>>
      %dma_start3A_71 = arith.constant 0 : i32
      %dma_start3A_72 = tpu.memref_slice %arg13[%add3A_31, %dma_start3A_71] : memref<10240x128xf32, #tpu.memory_space<vmem_shared>> -> memref<128x128xf32, #tpu.memory_space<vmem_shared>>
      tpu.enqueue_dma source(%dma_start3A_72 : memref<128x128xf32, #tpu.memory_space<vmem_shared>>) target(%arg7 : memref<128x128xf32, #tpu.memory_space<vmem>>) target_semaphore(%run_scoped3A_68 : memref<!tpu.dma_semaphore, #tpu.memory_space<semaphore_mem>>)
      %dma_wait3A = arith.constant 0 : i32
      %dma_wait3A_73 = tpu.memref_slice %arg13[%add3A_31, %dma_wait3A] : memref<10240x128xf32, #tpu.memory_space<vmem_shared>> -> memref<128x128xf32, #tpu.memory_space<vmem_shared>>
      %dma_wait3A_74 = arith.constant 0 : i32
      %dma_wait3A_75 = tpu.memref_slice %arg13[%add3A_31, %dma_wait3A_74] : memref<10240x128xf32, #tpu.memory_space<vmem_shared>> -> memref<128x128xf32, #tpu.memory_space<vmem_shared>>
      tpu.wait_dma2 semaphore(%run_scoped3A_68 : memref<!tpu.dma_semaphore, #tpu.memory_space<semaphore_mem>>) src(%dma_wait3A_75 : memref<128x128xf32, #tpu.memory_space<vmem_shared>>) dst(%arg7 : memref<128x128xf32, #tpu.memory_space<vmem>>)
      tpu.yield
    }) : () -> ()
    %mul3A_32 = arith.constant 640 : i32
    %mul3A_33 = arith.muli %arg1, %mul3A_32 : i32
    %add3A_34 = arith.constant 0 : i32
    %add3A_35 = arith.addi %mul3A_33, %add3A_34 : i32
    "tpu.region"() ({
      %run_scoped3A_68 = tpu.sem_alloc : memref<!tpu.dma_semaphore, #tpu.memory_space<semaphore_mem>>
      %dma_start3A_69 = arith.constant 0 : i32
      %dma_start3A_70 = tpu.memref_slice %arg6[%arg0, %add3A_35, %dma_start3A_69] : memref<2x10240x128xf32, #tpu.memory_space<hbm>> -> memref<1x128x128xf32, #tpu.memory_space<hbm>>
      %dma_start3A_71 = tpu.memref_squeeze %dma_start3A_70 : memref<1x128x128xf32, #tpu.memory_space<hbm>> -> memref<128x128xf32, #tpu.memory_space<hbm>>
      %dma_start3A_72 = arith.constant 0 : i32
      %dma_start3A_73 = tpu.memref_slice %arg6[%arg0, %add3A_35, %dma_start3A_72] : memref<2x10240x128xf32, #tpu.memory_space<hbm>> -> memref<1x128x128xf32, #tpu.memory_space<hbm>>
      %dma_start3A_74 = tpu.memref_squeeze %dma_start3A_73 : memref<1x128x128xf32, #tpu.memory_space<hbm>> -> memref<128x128xf32, #tpu.memory_space<hbm>>
      tpu.enqueue_dma source(%arg7 : memref<128x128xf32, #tpu.memory_space<vmem>>) target(%dma_start3A_74 : memref<128x128xf32, #tpu.memory_space<hbm>>) target_semaphore(%run_scoped3A_68 : memref<!tpu.dma_semaphore, #tpu.memory_space<semaphore_mem>>)
      %dma_wait3A = arith.constant 0 : i32
      %dma_wait3A_75 = tpu.memref_slice %arg6[%arg0, %add3A_35, %dma_wait3A] : memref<2x10240x128xf32, #tpu.memory_space<hbm>> -> memref<1x128x128xf32, #tpu.memory_space<hbm>>
      %dma_wait3A_76 = tpu.memref_squeeze %dma_wait3A_75 : memref<1x128x128xf32, #tpu.memory_space<hbm>> -> memref<128x128xf32, #tpu.memory_space<hbm>>
      %dma_wait3A_77 = arith.constant 0 : i32
      %dma_wait3A_78 = tpu.memref_slice %arg6[%arg0, %add3A_35, %dma_wait3A_77] : memref<2x10240x128xf32, #tpu.memory_space<hbm>> -> memref<1x128x128xf32, #tpu.memory_space<hbm>>
      %dma_wait3A_79 = tpu.memref_squeeze %dma_wait3A_78 : memref<1x128x128xf32, #tpu.memory_space<hbm>> -> memref<128x128xf32, #tpu.memory_space<hbm>>
      tpu.wait_dma2 semaphore(%run_scoped3A_68 : memref<!tpu.dma_semaphore, #tpu.memory_space<semaphore_mem>>) src(%arg7 : memref<128x128xf32, #tpu.memory_space<vmem>>) dst(%dma_wait3A_79 : memref<128x128xf32, #tpu.memory_space<hbm>>)
      tpu.yield
    }) : () -> ()
    %mul3A_36 = arith.constant 640 : i32
    %mul3A_37 = arith.muli %arg1, %mul3A_36 : i32
    %add3A_38 = arith.constant 128 : i32
    %add3A_39 = arith.addi %mul3A_37, %add3A_38 : i32
    "tpu.region"() ({
      %run_scoped3A_68 = tpu.sem_alloc : memref<!tpu.dma_semaphore, #tpu.memory_space<semaphore_mem>>
      %dma_start3A_69 = arith.constant 0 : i32
      %dma_start3A_70 = tpu.memref_slice %arg13[%add3A_39, %dma_start3A_69] : memref<10240x128xf32, #tpu.memory_space<vmem_shared>> -> memref<128x128xf32, #tpu.memory_space<vmem_shared>>
      %dma_start3A_71 = arith.constant 0 : i32
      %dma_start3A_72 = tpu.memref_slice %arg13[%add3A_39, %dma_start3A_71] : memref<10240x128xf32, #tpu.memory_space<vmem_shared>> -> memref<128x128xf32, #tpu.memory_space<vmem_shared>>
      tpu.enqueue_dma source(%dma_start3A_72 : memref<128x128xf32, #tpu.memory_space<vmem_shared>>) target(%arg7 : memref<128x128xf32, #tpu.memory_space<vmem>>) target_semaphore(%run_scoped3A_68 : memref<!tpu.dma_semaphore, #tpu.memory_space<semaphore_mem>>)
      %dma_wait3A = arith.constant 0 : i32
      %dma_wait3A_73 = tpu.memref_slice %arg13[%add3A_39, %dma_wait3A] : memref<10240x128xf32, #tpu.memory_space<vmem_shared>> -> memref<128x128xf32, #tpu.memory_space<vmem_shared>>
      %dma_wait3A_74 = arith.constant 0 : i32
      %dma_wait3A_75 = tpu.memref_slice %arg13[%add3A_39, %dma_wait3A_74] : memref<10240x128xf32, #tpu.memory_space<vmem_shared>> -> memref<128x128xf32, #tpu.memory_space<vmem_shared>>
      tpu.wait_dma2 semaphore(%run_scoped3A_68 : memref<!tpu.dma_semaphore, #tpu.memory_space<semaphore_mem>>) src(%dma_wait3A_75 : memref<128x128xf32, #tpu.memory_space<vmem_shared>>) dst(%arg7 : memref<128x128xf32, #tpu.memory_space<vmem>>)
      tpu.yield
    }) : () -> ()
    %mul3A_40 = arith.constant 640 : i32
    %mul3A_41 = arith.muli %arg1, %mul3A_40 : i32
    %add3A_42 = arith.constant 128 : i32
    %add3A_43 = arith.addi %mul3A_41, %add3A_42 : i32
    "tpu.region"() ({
      %run_scoped3A_68 = tpu.sem_alloc : memref<!tpu.dma_semaphore, #tpu.memory_space<semaphore_mem>>
      %dma_start3A_69 = arith.constant 0 : i32
      %dma_start3A_70 = tpu.memref_slice %arg6[%arg0, %add3A_43, %dma_start3A_69] : memref<2x10240x128xf32, #tpu.memory_space<hbm>> -> memref<1x128x128xf32, #tpu.memory_space<hbm>>
      %dma_start3A_71 = tpu.memref_squeeze %dma_start3A_70 : memref<1x128x128xf32, #tpu.memory_space<hbm>> -> memref<128x128xf32, #tpu.memory_space<hbm>>
      %dma_start3A_72 = arith.constant 0 : i32
      %dma_start3A_73 = tpu.memref_slice %arg6[%arg0, %add3A_43, %dma_start3A_72] : memref<2x10240x128xf32, #tpu.memory_space<hbm>> -> memref<1x128x128xf32, #tpu.memory_space<hbm>>
      %dma_start3A_74 = tpu.memref_squeeze %dma_start3A_73 : memref<1x128x128xf32, #tpu.memory_space<hbm>> -> memref<128x128xf32, #tpu.memory_space<hbm>>
      tpu.enqueue_dma source(%arg7 : memref<128x128xf32, #tpu.memory_space<vmem>>) target(%dma_start3A_74 : memref<128x128xf32, #tpu.memory_space<hbm>>) target_semaphore(%run_scoped3A_68 : memref<!tpu.dma_semaphore, #tpu.memory_space<semaphore_mem>>)
      %dma_wait3A = arith.constant 0 : i32
      %dma_wait3A_75 = tpu.memref_slice %arg6[%arg0, %add3A_43, %dma_wait3A] : memref<2x10240x128xf32, #tpu.memory_space<hbm>> -> memref<1x128x128xf32, #tpu.memory_space<hbm>>
      %dma_wait3A_76 = tpu.memref_squeeze %dma_wait3A_75 : memref<1x128x128xf32, #tpu.memory_space<hbm>> -> memref<128x128xf32, #tpu.memory_space<hbm>>
      %dma_wait3A_77 = arith.constant 0 : i32
      %dma_wait3A_78 = tpu.memref_slice %arg6[%arg0, %add3A_43, %dma_wait3A_77] : memref<2x10240x128xf32, #tpu.memory_space<hbm>> -> memref<1x128x128xf32, #tpu.memory_space<hbm>>
      %dma_wait3A_79 = tpu.memref_squeeze %dma_wait3A_78 : memref<1x128x128xf32, #tpu.memory_space<hbm>> -> memref<128x128xf32, #tpu.memory_space<hbm>>
      tpu.wait_dma2 semaphore(%run_scoped3A_68 : memref<!tpu.dma_semaphore, #tpu.memory_space<semaphore_mem>>) src(%arg7 : memref<128x128xf32, #tpu.memory_space<vmem>>) dst(%dma_wait3A_79 : memref<128x128xf32, #tpu.memory_space<hbm>>)
      tpu.yield
    }) : () -> ()
    %mul3A_44 = arith.constant 640 : i32
    %mul3A_45 = arith.muli %arg1, %mul3A_44 : i32
    %add3A_46 = arith.constant 256 : i32
    %add3A_47 = arith.addi %mul3A_45, %add3A_46 : i32
    "tpu.region"() ({
      %run_scoped3A_68 = tpu.sem_alloc : memref<!tpu.dma_semaphore, #tpu.memory_space<semaphore_mem>>
      %dma_start3A_69 = arith.constant 0 : i32
      %dma_start3A_70 = tpu.memref_slice %arg13[%add3A_47, %dma_start3A_69] : memref<10240x128xf32, #tpu.memory_space<vmem_shared>> -> memref<128x128xf32, #tpu.memory_space<vmem_shared>>
      %dma_start3A_71 = arith.constant 0 : i32
      %dma_start3A_72 = tpu.memref_slice %arg13[%add3A_47, %dma_start3A_71] : memref<10240x128xf32, #tpu.memory_space<vmem_shared>> -> memref<128x128xf32, #tpu.memory_space<vmem_shared>>
      tpu.enqueue_dma source(%dma_start3A_72 : memref<128x128xf32, #tpu.memory_space<vmem_shared>>) target(%arg7 : memref<128x128xf32, #tpu.memory_space<vmem>>) target_semaphore(%run_scoped3A_68 : memref<!tpu.dma_semaphore, #tpu.memory_space<semaphore_mem>>)
      %dma_wait3A = arith.constant 0 : i32
      %dma_wait3A_73 = tpu.memref_slice %arg13[%add3A_47, %dma_wait3A] : memref<10240x128xf32, #tpu.memory_space<vmem_shared>> -> memref<128x128xf32, #tpu.memory_space<vmem_shared>>
      %dma_wait3A_74 = arith.constant 0 : i32
      %dma_wait3A_75 = tpu.memref_slice %arg13[%add3A_47, %dma_wait3A_74] : memref<10240x128xf32, #tpu.memory_space<vmem_shared>> -> memref<128x128xf32, #tpu.memory_space<vmem_shared>>
      tpu.wait_dma2 semaphore(%run_scoped3A_68 : memref<!tpu.dma_semaphore, #tpu.memory_space<semaphore_mem>>) src(%dma_wait3A_75 : memref<128x128xf32, #tpu.memory_space<vmem_shared>>) dst(%arg7 : memref<128x128xf32, #tpu.memory_space<vmem>>)
      tpu.yield
    }) : () -> ()
    %mul3A_48 = arith.constant 640 : i32
    %mul3A_49 = arith.muli %arg1, %mul3A_48 : i32
    %add3A_50 = arith.constant 256 : i32
    %add3A_51 = arith.addi %mul3A_49, %add3A_50 : i32
    "tpu.region"() ({
      %run_scoped3A_68 = tpu.sem_alloc : memref<!tpu.dma_semaphore, #tpu.memory_space<semaphore_mem>>
      %dma_start3A_69 = arith.constant 0 : i32
      %dma_start3A_70 = tpu.memref_slice %arg6[%arg0, %add3A_51, %dma_start3A_69] : memref<2x10240x128xf32, #tpu.memory_space<hbm>> -> memref<1x128x128xf32, #tpu.memory_space<hbm>>
      %dma_start3A_71 = tpu.memref_squeeze %dma_start3A_70 : memref<1x128x128xf32, #tpu.memory_space<hbm>> -> memref<128x128xf32, #tpu.memory_space<hbm>>
      %dma_start3A_72 = arith.constant 0 : i32
      %dma_start3A_73 = tpu.memref_slice %arg6[%arg0, %add3A_51, %dma_start3A_72] : memref<2x10240x128xf32, #tpu.memory_space<hbm>> -> memref<1x128x128xf32, #tpu.memory_space<hbm>>
      %dma_start3A_74 = tpu.memref_squeeze %dma_start3A_73 : memref<1x128x128xf32, #tpu.memory_space<hbm>> -> memref<128x128xf32, #tpu.memory_space<hbm>>
      tpu.enqueue_dma source(%arg7 : memref<128x128xf32, #tpu.memory_space<vmem>>) target(%dma_start3A_74 : memref<128x128xf32, #tpu.memory_space<hbm>>) target_semaphore(%run_scoped3A_68 : memref<!tpu.dma_semaphore, #tpu.memory_space<semaphore_mem>>)
      %dma_wait3A = arith.constant 0 : i32
      %dma_wait3A_75 = tpu.memref_slice %arg6[%arg0, %add3A_51, %dma_wait3A] : memref<2x10240x128xf32, #tpu.memory_space<hbm>> -> memref<1x128x128xf32, #tpu.memory_space<hbm>>
      %dma_wait3A_76 = tpu.memref_squeeze %dma_wait3A_75 : memref<1x128x128xf32, #tpu.memory_space<hbm>> -> memref<128x128xf32, #tpu.memory_space<hbm>>
      %dma_wait3A_77 = arith.constant 0 : i32
      %dma_wait3A_78 = tpu.memref_slice %arg6[%arg0, %add3A_51, %dma_wait3A_77] : memref<2x10240x128xf32, #tpu.memory_space<hbm>> -> memref<1x128x128xf32, #tpu.memory_space<hbm>>
      %dma_wait3A_79 = tpu.memref_squeeze %dma_wait3A_78 : memref<1x128x128xf32, #tpu.memory_space<hbm>> -> memref<128x128xf32, #tpu.memory_space<hbm>>
      tpu.wait_dma2 semaphore(%run_scoped3A_68 : memref<!tpu.dma_semaphore, #tpu.memory_space<semaphore_mem>>) src(%arg7 : memref<128x128xf32, #tpu.memory_space<vmem>>) dst(%dma_wait3A_79 : memref<128x128xf32, #tpu.memory_space<hbm>>)
      tpu.yield
    }) : () -> ()
    %mul3A_52 = arith.constant 640 : i32
    %mul3A_53 = arith.muli %arg1, %mul3A_52 : i32
    %add3A_54 = arith.constant 384 : i32
    %add3A_55 = arith.addi %mul3A_53, %add3A_54 : i32
    "tpu.region"() ({
      %run_scoped3A_68 = tpu.sem_alloc : memref<!tpu.dma_semaphore, #tpu.memory_space<semaphore_mem>>
      %dma_start3A_69 = arith.constant 0 : i32
      %dma_start3A_70 = tpu.memref_slice %arg13[%add3A_55, %dma_start3A_69] : memref<10240x128xf32, #tpu.memory_space<vmem_shared>> -> memref<128x128xf32, #tpu.memory_space<vmem_shared>>
      %dma_start3A_71 = arith.constant 0 : i32
      %dma_start3A_72 = tpu.memref_slice %arg13[%add3A_55, %dma_start3A_71] : memref<10240x128xf32, #tpu.memory_space<vmem_shared>> -> memref<128x128xf32, #tpu.memory_space<vmem_shared>>
      tpu.enqueue_dma source(%dma_start3A_72 : memref<128x128xf32, #tpu.memory_space<vmem_shared>>) target(%arg7 : memref<128x128xf32, #tpu.memory_space<vmem>>) target_semaphore(%run_scoped3A_68 : memref<!tpu.dma_semaphore, #tpu.memory_space<semaphore_mem>>)
      %dma_wait3A = arith.constant 0 : i32
      %dma_wait3A_73 = tpu.memref_slice %arg13[%add3A_55, %dma_wait3A] : memref<10240x128xf32, #tpu.memory_space<vmem_shared>> -> memref<128x128xf32, #tpu.memory_space<vmem_shared>>
      %dma_wait3A_74 = arith.constant 0 : i32
      %dma_wait3A_75 = tpu.memref_slice %arg13[%add3A_55, %dma_wait3A_74] : memref<10240x128xf32, #tpu.memory_space<vmem_shared>> -> memref<128x128xf32, #tpu.memory_space<vmem_shared>>
      tpu.wait_dma2 semaphore(%run_scoped3A_68 : memref<!tpu.dma_semaphore, #tpu.memory_space<semaphore_mem>>) src(%dma_wait3A_75 : memref<128x128xf32, #tpu.memory_space<vmem_shared>>) dst(%arg7 : memref<128x128xf32, #tpu.memory_space<vmem>>)
      tpu.yield
    }) : () -> ()
    %mul3A_56 = arith.constant 640 : i32
    %mul3A_57 = arith.muli %arg1, %mul3A_56 : i32
    %add3A_58 = arith.constant 384 : i32
    %add3A_59 = arith.addi %mul3A_57, %add3A_58 : i32
    "tpu.region"() ({
      %run_scoped3A_68 = tpu.sem_alloc : memref<!tpu.dma_semaphore, #tpu.memory_space<semaphore_mem>>
      %dma_start3A_69 = arith.constant 0 : i32
      %dma_start3A_70 = tpu.memref_slice %arg6[%arg0, %add3A_59, %dma_start3A_69] : memref<2x10240x128xf32, #tpu.memory_space<hbm>> -> memref<1x128x128xf32, #tpu.memory_space<hbm>>
      %dma_start3A_71 = tpu.memref_squeeze %dma_start3A_70 : memref<1x128x128xf32, #tpu.memory_space<hbm>> -> memref<128x128xf32, #tpu.memory_space<hbm>>
      %dma_start3A_72 = arith.constant 0 : i32
      %dma_start3A_73 = tpu.memref_slice %arg6[%arg0, %add3A_59, %dma_start3A_72] : memref<2x10240x128xf32, #tpu.memory_space<hbm>> -> memref<1x128x128xf32, #tpu.memory_space<hbm>>
      %dma_start3A_74 = tpu.memref_squeeze %dma_start3A_73 : memref<1x128x128xf32, #tpu.memory_space<hbm>> -> memref<128x128xf32, #tpu.memory_space<hbm>>
      tpu.enqueue_dma source(%arg7 : memref<128x128xf32, #tpu.memory_space<vmem>>) target(%dma_start3A_74 : memref<128x128xf32, #tpu.memory_space<hbm>>) target_semaphore(%run_scoped3A_68 : memref<!tpu.dma_semaphore, #tpu.memory_space<semaphore_mem>>)
      %dma_wait3A = arith.constant 0 : i32
      %dma_wait3A_75 = tpu.memref_slice %arg6[%arg0, %add3A_59, %dma_wait3A] : memref<2x10240x128xf32, #tpu.memory_space<hbm>> -> memref<1x128x128xf32, #tpu.memory_space<hbm>>
      %dma_wait3A_76 = tpu.memref_squeeze %dma_wait3A_75 : memref<1x128x128xf32, #tpu.memory_space<hbm>> -> memref<128x128xf32, #tpu.memory_space<hbm>>
      %dma_wait3A_77 = arith.constant 0 : i32
      %dma_wait3A_78 = tpu.memref_slice %arg6[%arg0, %add3A_59, %dma_wait3A_77] : memref<2x10240x128xf32, #tpu.memory_space<hbm>> -> memref<1x128x128xf32, #tpu.memory_space<hbm>>
      %dma_wait3A_79 = tpu.memref_squeeze %dma_wait3A_78 : memref<1x128x128xf32, #tpu.memory_space<hbm>> -> memref<128x128xf32, #tpu.memory_space<hbm>>
      tpu.wait_dma2 semaphore(%run_scoped3A_68 : memref<!tpu.dma_semaphore, #tpu.memory_space<semaphore_mem>>) src(%arg7 : memref<128x128xf32, #tpu.memory_space<vmem>>) dst(%dma_wait3A_79 : memref<128x128xf32, #tpu.memory_space<hbm>>)
      tpu.yield
    }) : () -> ()
    %mul3A_60 = arith.constant 640 : i32
    %mul3A_61 = arith.muli %arg1, %mul3A_60 : i32
    %add3A_62 = arith.constant 512 : i32
    %add3A_63 = arith.addi %mul3A_61, %add3A_62 : i32
    "tpu.region"() ({
      %run_scoped3A_68 = tpu.sem_alloc : memref<!tpu.dma_semaphore, #tpu.memory_space<semaphore_mem>>
      %dma_start3A_69 = arith.constant 0 : i32
      %dma_start3A_70 = tpu.memref_slice %arg13[%add3A_63, %dma_start3A_69] : memref<10240x128xf32, #tpu.memory_space<vmem_shared>> -> memref<128x128xf32, #tpu.memory_space<vmem_shared>>
      %dma_start3A_71 = arith.constant 0 : i32
      %dma_start3A_72 = tpu.memref_slice %arg13[%add3A_63, %dma_start3A_71] : memref<10240x128xf32, #tpu.memory_space<vmem_shared>> -> memref<128x128xf32, #tpu.memory_space<vmem_shared>>
      tpu.enqueue_dma source(%dma_start3A_72 : memref<128x128xf32, #tpu.memory_space<vmem_shared>>) target(%arg7 : memref<128x128xf32, #tpu.memory_space<vmem>>) target_semaphore(%run_scoped3A_68 : memref<!tpu.dma_semaphore, #tpu.memory_space<semaphore_mem>>)
      %dma_wait3A = arith.constant 0 : i32
      %dma_wait3A_73 = tpu.memref_slice %arg13[%add3A_63, %dma_wait3A] : memref<10240x128xf32, #tpu.memory_space<vmem_shared>> -> memref<128x128xf32, #tpu.memory_space<vmem_shared>>
      %dma_wait3A_74 = arith.constant 0 : i32
      %dma_wait3A_75 = tpu.memref_slice %arg13[%add3A_63, %dma_wait3A_74] : memref<10240x128xf32, #tpu.memory_space<vmem_shared>> -> memref<128x128xf32, #tpu.memory_space<vmem_shared>>
      tpu.wait_dma2 semaphore(%run_scoped3A_68 : memref<!tpu.dma_semaphore, #tpu.memory_space<semaphore_mem>>) src(%dma_wait3A_75 : memref<128x128xf32, #tpu.memory_space<vmem_shared>>) dst(%arg7 : memref<128x128xf32, #tpu.memory_space<vmem>>)
      tpu.yield
    }) : () -> ()
    %mul3A_64 = arith.constant 640 : i32
    %mul3A_65 = arith.muli %arg1, %mul3A_64 : i32
    %add3A_66 = arith.constant 512 : i32
    %add3A_67 = arith.addi %mul3A_65, %add3A_66 : i32
    "tpu.region"() ({
      %run_scoped3A_68 = tpu.sem_alloc : memref<!tpu.dma_semaphore, #tpu.memory_space<semaphore_mem>>
      %dma_start3A_69 = arith.constant 0 : i32
      %dma_start3A_70 = tpu.memref_slice %arg6[%arg0, %add3A_67, %dma_start3A_69] : memref<2x10240x128xf32, #tpu.memory_space<hbm>> -> memref<1x128x128xf32, #tpu.memory_space<hbm>>
      %dma_start3A_71 = tpu.memref_squeeze %dma_start3A_70 : memref<1x128x128xf32, #tpu.memory_space<hbm>> -> memref<128x128xf32, #tpu.memory_space<hbm>>
      %dma_start3A_72 = arith.constant 0 : i32
      %dma_start3A_73 = tpu.memref_slice %arg6[%arg0, %add3A_67, %dma_start3A_72] : memref<2x10240x128xf32, #tpu.memory_space<hbm>> -> memref<1x128x128xf32, #tpu.memory_space<hbm>>
      %dma_start3A_74 = tpu.memref_squeeze %dma_start3A_73 : memref<1x128x128xf32, #tpu.memory_space<hbm>> -> memref<128x128xf32, #tpu.memory_space<hbm>>
      tpu.enqueue_dma source(%arg7 : memref<128x128xf32, #tpu.memory_space<vmem>>) target(%dma_start3A_74 : memref<128x128xf32, #tpu.memory_space<hbm>>) target_semaphore(%run_scoped3A_68 : memref<!tpu.dma_semaphore, #tpu.memory_space<semaphore_mem>>)
      %dma_wait3A = arith.constant 0 : i32
      %dma_wait3A_75 = tpu.memref_slice %arg6[%arg0, %add3A_67, %dma_wait3A] : memref<2x10240x128xf32, #tpu.memory_space<hbm>> -> memref<1x128x128xf32, #tpu.memory_space<hbm>>
      %dma_wait3A_76 = tpu.memref_squeeze %dma_wait3A_75 : memref<1x128x128xf32, #tpu.memory_space<hbm>> -> memref<128x128xf32, #tpu.memory_space<hbm>>
      %dma_wait3A_77 = arith.constant 0 : i32
      %dma_wait3A_78 = tpu.memref_slice %arg6[%arg0, %add3A_67, %dma_wait3A_77] : memref<2x10240x128xf32, #tpu.memory_space<hbm>> -> memref<1x128x128xf32, #tpu.memory_space<hbm>>
      %dma_wait3A_79 = tpu.memref_squeeze %dma_wait3A_78 : memref<1x128x128xf32, #tpu.memory_space<hbm>> -> memref<128x128xf32, #tpu.memory_space<hbm>>
      tpu.wait_dma2 semaphore(%run_scoped3A_68 : memref<!tpu.dma_semaphore, #tpu.memory_space<semaphore_mem>>) src(%arg7 : memref<128x128xf32, #tpu.memory_space<vmem>>) dst(%dma_wait3A_79 : memref<128x128xf32, #tpu.memory_space<hbm>>)
      tpu.yield
    }) : () -> ()
    return
  }
}

#map = affine_map<(d0, d1) -> (0, 0, 0)>
#map1 = affine_map<(d0, d1) -> (0, 0)>
module attributes {stable_mosaic.version = 14 : i64} {
  func.func @_sc_deg_body(%arg0: i32, %arg1: i32, %arg2: memref<32x80x128xi32, #tpu.memory_space<hbm>>, %arg3: memref<128x128xf32, #tpu.memory_space<hbm>>, %arg4: memref<128x128xf32, #tpu.memory_space<hbm>>, %arg5: memref<2x10240x128xf32, #tpu.memory_space<hbm>>, %arg6: memref<80x128xi32, #tpu.memory_space<vmem>>, %arg7: memref<128x128xf32, #tpu.memory_space<vmem>>, %arg8: memref<128x128xf32, #tpu.memory_space<vmem>>, %arg9: memref<10240x128xf32, #tpu.memory_space<vmem_shared>>) attributes {dimension_semantics = [#tpu.dimension_semantics<core_parallel>, #tpu.dimension_semantics<subcore_parallel>], iteration_bounds = array<i64: 2, 16>, scalar_prefetch = 0 : i64, scratch_operands = 4 : i64, tpu.core_type = #tpu.core_type<sc_vector_subcore>, window_params = [{transform_indices = #map}, {transform_indices = #map1}, {transform_indices = #map1}, {transform_indices = #map}]} {
    %mul3A = arith.constant 16 : i32
    %mul3A_0 = arith.muli %arg0, %mul3A : i32
    %add3A = arith.addi %mul3A_0, %arg1 : i32
    "tpu.region"() ({
      %run_scoped3A = tpu.sem_alloc : memref<!tpu.dma_semaphore, #tpu.memory_space<semaphore_mem>>
      %dma_start3A = arith.constant 0 : i32
      %dma_start3A_66 = arith.constant 0 : i32
      %dma_start3A_67 = tpu.memref_slice %arg2[%add3A, %dma_start3A, %dma_start3A_66] : memref<32x80x128xi32, #tpu.memory_space<hbm>> -> memref<1x80x128xi32, #tpu.memory_space<hbm>>
      %dma_start3A_68 = tpu.memref_squeeze %dma_start3A_67 : memref<1x80x128xi32, #tpu.memory_space<hbm>> -> memref<80x128xi32, #tpu.memory_space<hbm>>
      %dma_start3A_69 = arith.constant 0 : i32
      %dma_start3A_70 = arith.constant 0 : i32
      %dma_start3A_71 = tpu.memref_slice %arg2[%add3A, %dma_start3A_69, %dma_start3A_70] : memref<32x80x128xi32, #tpu.memory_space<hbm>> -> memref<1x80x128xi32, #tpu.memory_space<hbm>>
      %dma_start3A_72 = tpu.memref_squeeze %dma_start3A_71 : memref<1x80x128xi32, #tpu.memory_space<hbm>> -> memref<80x128xi32, #tpu.memory_space<hbm>>
      tpu.enqueue_dma source(%dma_start3A_72 : memref<80x128xi32, #tpu.memory_space<hbm>>) target(%arg6 : memref<80x128xi32, #tpu.memory_space<vmem>>) target_semaphore(%run_scoped3A : memref<!tpu.dma_semaphore, #tpu.memory_space<semaphore_mem>>)
      %dma_wait3A = arith.constant 0 : i32
      %dma_wait3A_73 = arith.constant 0 : i32
      %dma_wait3A_74 = tpu.memref_slice %arg2[%add3A, %dma_wait3A, %dma_wait3A_73] : memref<32x80x128xi32, #tpu.memory_space<hbm>> -> memref<1x80x128xi32, #tpu.memory_space<hbm>>
      %dma_wait3A_75 = tpu.memref_squeeze %dma_wait3A_74 : memref<1x80x128xi32, #tpu.memory_space<hbm>> -> memref<80x128xi32, #tpu.memory_space<hbm>>
      %dma_wait3A_76 = arith.constant 0 : i32
      %dma_wait3A_77 = arith.constant 0 : i32
      %dma_wait3A_78 = tpu.memref_slice %arg2[%add3A, %dma_wait3A_76, %dma_wait3A_77] : memref<32x80x128xi32, #tpu.memory_space<hbm>> -> memref<1x80x128xi32, #tpu.memory_space<hbm>>
      %dma_wait3A_79 = tpu.memref_squeeze %dma_wait3A_78 : memref<1x80x128xi32, #tpu.memory_space<hbm>> -> memref<80x128xi32, #tpu.memory_space<hbm>>
      tpu.wait_dma2 semaphore(%run_scoped3A : memref<!tpu.dma_semaphore, #tpu.memory_space<semaphore_mem>>) src(%dma_wait3A_79 : memref<80x128xi32, #tpu.memory_space<hbm>>) dst(%arg6 : memref<80x128xi32, #tpu.memory_space<vmem>>)
      tpu.yield
    }) : () -> ()
    "tpu.region"() ({
      %run_scoped3A = tpu.sem_alloc : memref<!tpu.dma_semaphore, #tpu.memory_space<semaphore_mem>>
      tpu.enqueue_dma source(%arg4 : memref<128x128xf32, #tpu.memory_space<hbm>>) target(%arg7 : memref<128x128xf32, #tpu.memory_space<vmem>>) target_semaphore(%run_scoped3A : memref<!tpu.dma_semaphore, #tpu.memory_space<semaphore_mem>>)
      tpu.wait_dma2 semaphore(%run_scoped3A : memref<!tpu.dma_semaphore, #tpu.memory_space<semaphore_mem>>) src(%arg4 : memref<128x128xf32, #tpu.memory_space<hbm>>) dst(%arg7 : memref<128x128xf32, #tpu.memory_space<vmem>>)
      tpu.yield
    }) : () -> ()
    "tpu.region"() ({
      %run_scoped3A = tpu.sem_alloc : memref<!tpu.dma_semaphore, #tpu.memory_space<semaphore_mem>>
      tpu.enqueue_dma source(%arg3 : memref<128x128xf32, #tpu.memory_space<hbm>>) target(%arg8 : memref<128x128xf32, #tpu.memory_space<vmem>>) target_semaphore(%run_scoped3A : memref<!tpu.dma_semaphore, #tpu.memory_space<semaphore_mem>>)
      tpu.wait_dma2 semaphore(%run_scoped3A : memref<!tpu.dma_semaphore, #tpu.memory_space<semaphore_mem>>) src(%arg3 : memref<128x128xf32, #tpu.memory_space<hbm>>) dst(%arg8 : memref<128x128xf32, #tpu.memory_space<vmem>>)
      tpu.yield
    }) : () -> ()
    %mul3A_1 = arith.constant 640 : i32
    %mul3A_2 = arith.muli %arg1, %mul3A_1 : i32
    %add3A_3 = arith.constant 0 : i32
    %add3A_4 = arith.addi %mul3A_2, %add3A_3 : i32
    "tpu.region"() ({
      %run_scoped3A = tpu.sem_alloc : memref<!tpu.dma_semaphore, #tpu.memory_space<semaphore_mem>>
      %dma_start3A = arith.constant 0 : i32
      %dma_start3A_66 = tpu.memref_slice %arg9[%add3A_4, %dma_start3A] : memref<10240x128xf32, #tpu.memory_space<vmem_shared>> -> memref<128x128xf32, #tpu.memory_space<vmem_shared>>
      %dma_start3A_67 = arith.constant 0 : i32
      %dma_start3A_68 = tpu.memref_slice %arg9[%add3A_4, %dma_start3A_67] : memref<10240x128xf32, #tpu.memory_space<vmem_shared>> -> memref<128x128xf32, #tpu.memory_space<vmem_shared>>
      tpu.enqueue_dma source(%arg8 : memref<128x128xf32, #tpu.memory_space<vmem>>) target(%dma_start3A_68 : memref<128x128xf32, #tpu.memory_space<vmem_shared>>) target_semaphore(%run_scoped3A : memref<!tpu.dma_semaphore, #tpu.memory_space<semaphore_mem>>)
      %dma_wait3A = arith.constant 0 : i32
      %dma_wait3A_69 = tpu.memref_slice %arg9[%add3A_4, %dma_wait3A] : memref<10240x128xf32, #tpu.memory_space<vmem_shared>> -> memref<128x128xf32, #tpu.memory_space<vmem_shared>>
      %dma_wait3A_70 = arith.constant 0 : i32
      %dma_wait3A_71 = tpu.memref_slice %arg9[%add3A_4, %dma_wait3A_70] : memref<10240x128xf32, #tpu.memory_space<vmem_shared>> -> memref<128x128xf32, #tpu.memory_space<vmem_shared>>
      tpu.wait_dma2 semaphore(%run_scoped3A : memref<!tpu.dma_semaphore, #tpu.memory_space<semaphore_mem>>) src(%arg8 : memref<128x128xf32, #tpu.memory_space<vmem>>) dst(%dma_wait3A_71 : memref<128x128xf32, #tpu.memory_space<vmem_shared>>)
      tpu.yield
    }) : () -> ()
    %mul3A_5 = arith.constant 640 : i32
    %mul3A_6 = arith.muli %arg1, %mul3A_5 : i32
    %add3A_7 = arith.constant 128 : i32
    %add3A_8 = arith.addi %mul3A_6, %add3A_7 : i32
    "tpu.region"() ({
      %run_scoped3A = tpu.sem_alloc : memref<!tpu.dma_semaphore, #tpu.memory_space<semaphore_mem>>
      %dma_start3A = arith.constant 0 : i32
      %dma_start3A_66 = tpu.memref_slice %arg9[%add3A_8, %dma_start3A] : memref<10240x128xf32, #tpu.memory_space<vmem_shared>> -> memref<128x128xf32, #tpu.memory_space<vmem_shared>>
      %dma_start3A_67 = arith.constant 0 : i32
      %dma_start3A_68 = tpu.memref_slice %arg9[%add3A_8, %dma_start3A_67] : memref<10240x128xf32, #tpu.memory_space<vmem_shared>> -> memref<128x128xf32, #tpu.memory_space<vmem_shared>>
      tpu.enqueue_dma source(%arg8 : memref<128x128xf32, #tpu.memory_space<vmem>>) target(%dma_start3A_68 : memref<128x128xf32, #tpu.memory_space<vmem_shared>>) target_semaphore(%run_scoped3A : memref<!tpu.dma_semaphore, #tpu.memory_space<semaphore_mem>>)
      %dma_wait3A = arith.constant 0 : i32
      %dma_wait3A_69 = tpu.memref_slice %arg9[%add3A_8, %dma_wait3A] : memref<10240x128xf32, #tpu.memory_space<vmem_shared>> -> memref<128x128xf32, #tpu.memory_space<vmem_shared>>
      %dma_wait3A_70 = arith.constant 0 : i32
      %dma_wait3A_71 = tpu.memref_slice %arg9[%add3A_8, %dma_wait3A_70] : memref<10240x128xf32, #tpu.memory_space<vmem_shared>> -> memref<128x128xf32, #tpu.memory_space<vmem_shared>>
      tpu.wait_dma2 semaphore(%run_scoped3A : memref<!tpu.dma_semaphore, #tpu.memory_space<semaphore_mem>>) src(%arg8 : memref<128x128xf32, #tpu.memory_space<vmem>>) dst(%dma_wait3A_71 : memref<128x128xf32, #tpu.memory_space<vmem_shared>>)
      tpu.yield
    }) : () -> ()
    %mul3A_9 = arith.constant 640 : i32
    %mul3A_10 = arith.muli %arg1, %mul3A_9 : i32
    %add3A_11 = arith.constant 256 : i32
    %add3A_12 = arith.addi %mul3A_10, %add3A_11 : i32
    "tpu.region"() ({
      %run_scoped3A = tpu.sem_alloc : memref<!tpu.dma_semaphore, #tpu.memory_space<semaphore_mem>>
      %dma_start3A = arith.constant 0 : i32
      %dma_start3A_66 = tpu.memref_slice %arg9[%add3A_12, %dma_start3A] : memref<10240x128xf32, #tpu.memory_space<vmem_shared>> -> memref<128x128xf32, #tpu.memory_space<vmem_shared>>
      %dma_start3A_67 = arith.constant 0 : i32
      %dma_start3A_68 = tpu.memref_slice %arg9[%add3A_12, %dma_start3A_67] : memref<10240x128xf32, #tpu.memory_space<vmem_shared>> -> memref<128x128xf32, #tpu.memory_space<vmem_shared>>
      tpu.enqueue_dma source(%arg8 : memref<128x128xf32, #tpu.memory_space<vmem>>) target(%dma_start3A_68 : memref<128x128xf32, #tpu.memory_space<vmem_shared>>) target_semaphore(%run_scoped3A : memref<!tpu.dma_semaphore, #tpu.memory_space<semaphore_mem>>)
      %dma_wait3A = arith.constant 0 : i32
      %dma_wait3A_69 = tpu.memref_slice %arg9[%add3A_12, %dma_wait3A] : memref<10240x128xf32, #tpu.memory_space<vmem_shared>> -> memref<128x128xf32, #tpu.memory_space<vmem_shared>>
      %dma_wait3A_70 = arith.constant 0 : i32
      %dma_wait3A_71 = tpu.memref_slice %arg9[%add3A_12, %dma_wait3A_70] : memref<10240x128xf32, #tpu.memory_space<vmem_shared>> -> memref<128x128xf32, #tpu.memory_space<vmem_shared>>
      tpu.wait_dma2 semaphore(%run_scoped3A : memref<!tpu.dma_semaphore, #tpu.memory_space<semaphore_mem>>) src(%arg8 : memref<128x128xf32, #tpu.memory_space<vmem>>) dst(%dma_wait3A_71 : memref<128x128xf32, #tpu.memory_space<vmem_shared>>)
      tpu.yield
    }) : () -> ()
    %mul3A_13 = arith.constant 640 : i32
    %mul3A_14 = arith.muli %arg1, %mul3A_13 : i32
    %add3A_15 = arith.constant 384 : i32
    %add3A_16 = arith.addi %mul3A_14, %add3A_15 : i32
    "tpu.region"() ({
      %run_scoped3A = tpu.sem_alloc : memref<!tpu.dma_semaphore, #tpu.memory_space<semaphore_mem>>
      %dma_start3A = arith.constant 0 : i32
      %dma_start3A_66 = tpu.memref_slice %arg9[%add3A_16, %dma_start3A] : memref<10240x128xf32, #tpu.memory_space<vmem_shared>> -> memref<128x128xf32, #tpu.memory_space<vmem_shared>>
      %dma_start3A_67 = arith.constant 0 : i32
      %dma_start3A_68 = tpu.memref_slice %arg9[%add3A_16, %dma_start3A_67] : memref<10240x128xf32, #tpu.memory_space<vmem_shared>> -> memref<128x128xf32, #tpu.memory_space<vmem_shared>>
      tpu.enqueue_dma source(%arg8 : memref<128x128xf32, #tpu.memory_space<vmem>>) target(%dma_start3A_68 : memref<128x128xf32, #tpu.memory_space<vmem_shared>>) target_semaphore(%run_scoped3A : memref<!tpu.dma_semaphore, #tpu.memory_space<semaphore_mem>>)
      %dma_wait3A = arith.constant 0 : i32
      %dma_wait3A_69 = tpu.memref_slice %arg9[%add3A_16, %dma_wait3A] : memref<10240x128xf32, #tpu.memory_space<vmem_shared>> -> memref<128x128xf32, #tpu.memory_space<vmem_shared>>
      %dma_wait3A_70 = arith.constant 0 : i32
      %dma_wait3A_71 = tpu.memref_slice %arg9[%add3A_16, %dma_wait3A_70] : memref<10240x128xf32, #tpu.memory_space<vmem_shared>> -> memref<128x128xf32, #tpu.memory_space<vmem_shared>>
      tpu.wait_dma2 semaphore(%run_scoped3A : memref<!tpu.dma_semaphore, #tpu.memory_space<semaphore_mem>>) src(%arg8 : memref<128x128xf32, #tpu.memory_space<vmem>>) dst(%dma_wait3A_71 : memref<128x128xf32, #tpu.memory_space<vmem_shared>>)
      tpu.yield
    }) : () -> ()
    %mul3A_17 = arith.constant 640 : i32
    %mul3A_18 = arith.muli %arg1, %mul3A_17 : i32
    %add3A_19 = arith.constant 512 : i32
    %add3A_20 = arith.addi %mul3A_18, %add3A_19 : i32
    "tpu.region"() ({
      %run_scoped3A = tpu.sem_alloc : memref<!tpu.dma_semaphore, #tpu.memory_space<semaphore_mem>>
      %dma_start3A = arith.constant 0 : i32
      %dma_start3A_66 = tpu.memref_slice %arg9[%add3A_20, %dma_start3A] : memref<10240x128xf32, #tpu.memory_space<vmem_shared>> -> memref<128x128xf32, #tpu.memory_space<vmem_shared>>
      %dma_start3A_67 = arith.constant 0 : i32
      %dma_start3A_68 = tpu.memref_slice %arg9[%add3A_20, %dma_start3A_67] : memref<10240x128xf32, #tpu.memory_space<vmem_shared>> -> memref<128x128xf32, #tpu.memory_space<vmem_shared>>
      tpu.enqueue_dma source(%arg8 : memref<128x128xf32, #tpu.memory_space<vmem>>) target(%dma_start3A_68 : memref<128x128xf32, #tpu.memory_space<vmem_shared>>) target_semaphore(%run_scoped3A : memref<!tpu.dma_semaphore, #tpu.memory_space<semaphore_mem>>)
      %dma_wait3A = arith.constant 0 : i32
      %dma_wait3A_69 = tpu.memref_slice %arg9[%add3A_20, %dma_wait3A] : memref<10240x128xf32, #tpu.memory_space<vmem_shared>> -> memref<128x128xf32, #tpu.memory_space<vmem_shared>>
      %dma_wait3A_70 = arith.constant 0 : i32
      %dma_wait3A_71 = tpu.memref_slice %arg9[%add3A_20, %dma_wait3A_70] : memref<10240x128xf32, #tpu.memory_space<vmem_shared>> -> memref<128x128xf32, #tpu.memory_space<vmem_shared>>
      tpu.wait_dma2 semaphore(%run_scoped3A : memref<!tpu.dma_semaphore, #tpu.memory_space<semaphore_mem>>) src(%arg8 : memref<128x128xf32, #tpu.memory_space<vmem>>) dst(%dma_wait3A_71 : memref<128x128xf32, #tpu.memory_space<vmem_shared>>)
      tpu.yield
    }) : () -> ()
    %barrier3A = arith.constant 0 : index
    tpu.barrier barrier_id(%barrier3A)
    %scan3A = arith.constant 0 : i32
    %scan3A_21 = arith.constant 80 : i32
    %scan3A_22 = arith.addi %scan3A, %scan3A_21 : i32
    %scan3A_23 = arith.constant 1 : i32
    scf.for %scan3A_66 = %scan3A to %scan3A_22 step %scan3A_23  : i32 {
      %mul3A_67 = arith.constant 1 : i32
      %mul3A_68 = arith.muli %scan3A_66, %mul3A_67 : i32
      %add3A_69 = arith.constant 0 : i32
      %add3A_70 = arith.addi %add3A_69, %mul3A_68 : i32
      "tpu.region"() ({
        %run_scoped3A = tpu.sem_alloc : memref<!tpu.dma_semaphore, #tpu.memory_space<semaphore_mem>>
        %dma_start3A = arith.constant 0 : i32
        %dma_start3A_71 = tpu.memref_slice %arg6[%add3A_70, %dma_start3A] : memref<80x128xi32, #tpu.memory_space<vmem>> -> memref<1x128xi32, #tpu.memory_space<vmem>>
        %dma_start3A_72 = tpu.memref_squeeze %dma_start3A_71 : memref<1x128xi32, #tpu.memory_space<vmem>> -> memref<128xi32, #tpu.memory_space<vmem>>
        %dma_start3A_73 = arith.constant 0 : i32
        %dma_start3A_74 = arith.constant 0 : i32
        %dma_start3A_75 = tpu.memref_slice %arg9[%dma_start3A_73, %dma_start3A_74] : memref<10240x128xf32, #tpu.memory_space<vmem_shared>> -> memref<10240x128xf32, #tpu.memory_space<vmem_shared>>
        tpu.enqueue_indirect_dma source(%arg7 : memref<128x128xf32, #tpu.memory_space<vmem>>) target(%dma_start3A_75 : memref<10240x128xf32, #tpu.memory_space<vmem_shared>>) offsets(%dma_start3A_72 : memref<128xi32, #tpu.memory_space<vmem>>) semaphore(%run_scoped3A : memref<!tpu.dma_semaphore, #tpu.memory_space<semaphore_mem>>) {add = true}
        %dma_wait3A = arith.constant 0 : i32
        %dma_wait3A_76 = tpu.memref_slice %arg6[%add3A_70, %dma_wait3A] : memref<80x128xi32, #tpu.memory_space<vmem>> -> memref<1x128xi32, #tpu.memory_space<vmem>>
        %dma_wait3A_77 = tpu.memref_squeeze %dma_wait3A_76 : memref<1x128xi32, #tpu.memory_space<vmem>> -> memref<128xi32, #tpu.memory_space<vmem>>
        %dma_wait3A_78 = arith.constant 0 : i32
        %dma_wait3A_79 = arith.constant 0 : i32
        %dma_wait3A_80 = tpu.memref_slice %arg9[%dma_wait3A_78, %dma_wait3A_79] : memref<10240x128xf32, #tpu.memory_space<vmem_shared>> -> memref<10240x128xf32, #tpu.memory_space<vmem_shared>>
        tpu.wait_indirect_dma semaphore(%run_scoped3A : memref<!tpu.dma_semaphore, #tpu.memory_space<semaphore_mem>>) src(%arg7 : memref<128x128xf32, #tpu.memory_space<vmem>>) dst(%dma_wait3A_80 : memref<10240x128xf32, #tpu.memory_space<vmem_shared>>)
        tpu.yield
      }) : () -> ()
    }
    %scan3A_24 = arith.constant 80 : i32
    %barrier3A_25 = arith.constant 0 : index
    tpu.barrier barrier_id(%barrier3A_25)
    %mul3A_26 = arith.constant 640 : i32
    %mul3A_27 = arith.muli %arg1, %mul3A_26 : i32
    %add3A_28 = arith.constant 0 : i32
    %add3A_29 = arith.addi %mul3A_27, %add3A_28 : i32
    "tpu.region"() ({
      %run_scoped3A = tpu.sem_alloc : memref<!tpu.dma_semaphore, #tpu.memory_space<semaphore_mem>>
      %dma_start3A = arith.constant 0 : i32
      %dma_start3A_66 = tpu.memref_slice %arg9[%add3A_29, %dma_start3A] : memref<10240x128xf32, #tpu.memory_space<vmem_shared>> -> memref<128x128xf32, #tpu.memory_space<vmem_shared>>
      %dma_start3A_67 = arith.constant 0 : i32
      %dma_start3A_68 = tpu.memref_slice %arg9[%add3A_29, %dma_start3A_67] : memref<10240x128xf32, #tpu.memory_space<vmem_shared>> -> memref<128x128xf32, #tpu.memory_space<vmem_shared>>
      tpu.enqueue_dma source(%dma_start3A_68 : memref<128x128xf32, #tpu.memory_space<vmem_shared>>) target(%arg8 : memref<128x128xf32, #tpu.memory_space<vmem>>) target_semaphore(%run_scoped3A : memref<!tpu.dma_semaphore, #tpu.memory_space<semaphore_mem>>)
      %dma_wait3A = arith.constant 0 : i32
      %dma_wait3A_69 = tpu.memref_slice %arg9[%add3A_29, %dma_wait3A] : memref<10240x128xf32, #tpu.memory_space<vmem_shared>> -> memref<128x128xf32, #tpu.memory_space<vmem_shared>>
      %dma_wait3A_70 = arith.constant 0 : i32
      %dma_wait3A_71 = tpu.memref_slice %arg9[%add3A_29, %dma_wait3A_70] : memref<10240x128xf32, #tpu.memory_space<vmem_shared>> -> memref<128x128xf32, #tpu.memory_space<vmem_shared>>
      tpu.wait_dma2 semaphore(%run_scoped3A : memref<!tpu.dma_semaphore, #tpu.memory_space<semaphore_mem>>) src(%dma_wait3A_71 : memref<128x128xf32, #tpu.memory_space<vmem_shared>>) dst(%arg8 : memref<128x128xf32, #tpu.memory_space<vmem>>)
      tpu.yield
    }) : () -> ()
    %mul3A_30 = arith.constant 640 : i32
    %mul3A_31 = arith.muli %arg1, %mul3A_30 : i32
    %add3A_32 = arith.constant 0 : i32
    %add3A_33 = arith.addi %mul3A_31, %add3A_32 : i32
    "tpu.region"() ({
      %run_scoped3A = tpu.sem_alloc : memref<!tpu.dma_semaphore, #tpu.memory_space<semaphore_mem>>
      %dma_start3A = arith.constant 0 : i32
      %dma_start3A_66 = tpu.memref_slice %arg5[%arg0, %add3A_33, %dma_start3A] : memref<2x10240x128xf32, #tpu.memory_space<hbm>> -> memref<1x128x128xf32, #tpu.memory_space<hbm>>
      %dma_start3A_67 = tpu.memref_squeeze %dma_start3A_66 : memref<1x128x128xf32, #tpu.memory_space<hbm>> -> memref<128x128xf32, #tpu.memory_space<hbm>>
      %dma_start3A_68 = arith.constant 0 : i32
      %dma_start3A_69 = tpu.memref_slice %arg5[%arg0, %add3A_33, %dma_start3A_68] : memref<2x10240x128xf32, #tpu.memory_space<hbm>> -> memref<1x128x128xf32, #tpu.memory_space<hbm>>
      %dma_start3A_70 = tpu.memref_squeeze %dma_start3A_69 : memref<1x128x128xf32, #tpu.memory_space<hbm>> -> memref<128x128xf32, #tpu.memory_space<hbm>>
      tpu.enqueue_dma source(%arg8 : memref<128x128xf32, #tpu.memory_space<vmem>>) target(%dma_start3A_70 : memref<128x128xf32, #tpu.memory_space<hbm>>) target_semaphore(%run_scoped3A : memref<!tpu.dma_semaphore, #tpu.memory_space<semaphore_mem>>)
      %dma_wait3A = arith.constant 0 : i32
      %dma_wait3A_71 = tpu.memref_slice %arg5[%arg0, %add3A_33, %dma_wait3A] : memref<2x10240x128xf32, #tpu.memory_space<hbm>> -> memref<1x128x128xf32, #tpu.memory_space<hbm>>
      %dma_wait3A_72 = tpu.memref_squeeze %dma_wait3A_71 : memref<1x128x128xf32, #tpu.memory_space<hbm>> -> memref<128x128xf32, #tpu.memory_space<hbm>>
      %dma_wait3A_73 = arith.constant 0 : i32
      %dma_wait3A_74 = tpu.memref_slice %arg5[%arg0, %add3A_33, %dma_wait3A_73] : memref<2x10240x128xf32, #tpu.memory_space<hbm>> -> memref<1x128x128xf32, #tpu.memory_space<hbm>>
      %dma_wait3A_75 = tpu.memref_squeeze %dma_wait3A_74 : memref<1x128x128xf32, #tpu.memory_space<hbm>> -> memref<128x128xf32, #tpu.memory_space<hbm>>
      tpu.wait_dma2 semaphore(%run_scoped3A : memref<!tpu.dma_semaphore, #tpu.memory_space<semaphore_mem>>) src(%arg8 : memref<128x128xf32, #tpu.memory_space<vmem>>) dst(%dma_wait3A_75 : memref<128x128xf32, #tpu.memory_space<hbm>>)
      tpu.yield
    }) : () -> ()
    %mul3A_34 = arith.constant 640 : i32
    %mul3A_35 = arith.muli %arg1, %mul3A_34 : i32
    %add3A_36 = arith.constant 128 : i32
    %add3A_37 = arith.addi %mul3A_35, %add3A_36 : i32
    "tpu.region"() ({
      %run_scoped3A = tpu.sem_alloc : memref<!tpu.dma_semaphore, #tpu.memory_space<semaphore_mem>>
      %dma_start3A = arith.constant 0 : i32
      %dma_start3A_66 = tpu.memref_slice %arg9[%add3A_37, %dma_start3A] : memref<10240x128xf32, #tpu.memory_space<vmem_shared>> -> memref<128x128xf32, #tpu.memory_space<vmem_shared>>
      %dma_start3A_67 = arith.constant 0 : i32
      %dma_start3A_68 = tpu.memref_slice %arg9[%add3A_37, %dma_start3A_67] : memref<10240x128xf32, #tpu.memory_space<vmem_shared>> -> memref<128x128xf32, #tpu.memory_space<vmem_shared>>
      tpu.enqueue_dma source(%dma_start3A_68 : memref<128x128xf32, #tpu.memory_space<vmem_shared>>) target(%arg8 : memref<128x128xf32, #tpu.memory_space<vmem>>) target_semaphore(%run_scoped3A : memref<!tpu.dma_semaphore, #tpu.memory_space<semaphore_mem>>)
      %dma_wait3A = arith.constant 0 : i32
      %dma_wait3A_69 = tpu.memref_slice %arg9[%add3A_37, %dma_wait3A] : memref<10240x128xf32, #tpu.memory_space<vmem_shared>> -> memref<128x128xf32, #tpu.memory_space<vmem_shared>>
      %dma_wait3A_70 = arith.constant 0 : i32
      %dma_wait3A_71 = tpu.memref_slice %arg9[%add3A_37, %dma_wait3A_70] : memref<10240x128xf32, #tpu.memory_space<vmem_shared>> -> memref<128x128xf32, #tpu.memory_space<vmem_shared>>
      tpu.wait_dma2 semaphore(%run_scoped3A : memref<!tpu.dma_semaphore, #tpu.memory_space<semaphore_mem>>) src(%dma_wait3A_71 : memref<128x128xf32, #tpu.memory_space<vmem_shared>>) dst(%arg8 : memref<128x128xf32, #tpu.memory_space<vmem>>)
      tpu.yield
    }) : () -> ()
    %mul3A_38 = arith.constant 640 : i32
    %mul3A_39 = arith.muli %arg1, %mul3A_38 : i32
    %add3A_40 = arith.constant 128 : i32
    %add3A_41 = arith.addi %mul3A_39, %add3A_40 : i32
    "tpu.region"() ({
      %run_scoped3A = tpu.sem_alloc : memref<!tpu.dma_semaphore, #tpu.memory_space<semaphore_mem>>
      %dma_start3A = arith.constant 0 : i32
      %dma_start3A_66 = tpu.memref_slice %arg5[%arg0, %add3A_41, %dma_start3A] : memref<2x10240x128xf32, #tpu.memory_space<hbm>> -> memref<1x128x128xf32, #tpu.memory_space<hbm>>
      %dma_start3A_67 = tpu.memref_squeeze %dma_start3A_66 : memref<1x128x128xf32, #tpu.memory_space<hbm>> -> memref<128x128xf32, #tpu.memory_space<hbm>>
      %dma_start3A_68 = arith.constant 0 : i32
      %dma_start3A_69 = tpu.memref_slice %arg5[%arg0, %add3A_41, %dma_start3A_68] : memref<2x10240x128xf32, #tpu.memory_space<hbm>> -> memref<1x128x128xf32, #tpu.memory_space<hbm>>
      %dma_start3A_70 = tpu.memref_squeeze %dma_start3A_69 : memref<1x128x128xf32, #tpu.memory_space<hbm>> -> memref<128x128xf32, #tpu.memory_space<hbm>>
      tpu.enqueue_dma source(%arg8 : memref<128x128xf32, #tpu.memory_space<vmem>>) target(%dma_start3A_70 : memref<128x128xf32, #tpu.memory_space<hbm>>) target_semaphore(%run_scoped3A : memref<!tpu.dma_semaphore, #tpu.memory_space<semaphore_mem>>)
      %dma_wait3A = arith.constant 0 : i32
      %dma_wait3A_71 = tpu.memref_slice %arg5[%arg0, %add3A_41, %dma_wait3A] : memref<2x10240x128xf32, #tpu.memory_space<hbm>> -> memref<1x128x128xf32, #tpu.memory_space<hbm>>
      %dma_wait3A_72 = tpu.memref_squeeze %dma_wait3A_71 : memref<1x128x128xf32, #tpu.memory_space<hbm>> -> memref<128x128xf32, #tpu.memory_space<hbm>>
      %dma_wait3A_73 = arith.constant 0 : i32
      %dma_wait3A_74 = tpu.memref_slice %arg5[%arg0, %add3A_41, %dma_wait3A_73] : memref<2x10240x128xf32, #tpu.memory_space<hbm>> -> memref<1x128x128xf32, #tpu.memory_space<hbm>>
      %dma_wait3A_75 = tpu.memref_squeeze %dma_wait3A_74 : memref<1x128x128xf32, #tpu.memory_space<hbm>> -> memref<128x128xf32, #tpu.memory_space<hbm>>
      tpu.wait_dma2 semaphore(%run_scoped3A : memref<!tpu.dma_semaphore, #tpu.memory_space<semaphore_mem>>) src(%arg8 : memref<128x128xf32, #tpu.memory_space<vmem>>) dst(%dma_wait3A_75 : memref<128x128xf32, #tpu.memory_space<hbm>>)
      tpu.yield
    }) : () -> ()
    %mul3A_42 = arith.constant 640 : i32
    %mul3A_43 = arith.muli %arg1, %mul3A_42 : i32
    %add3A_44 = arith.constant 256 : i32
    %add3A_45 = arith.addi %mul3A_43, %add3A_44 : i32
    "tpu.region"() ({
      %run_scoped3A = tpu.sem_alloc : memref<!tpu.dma_semaphore, #tpu.memory_space<semaphore_mem>>
      %dma_start3A = arith.constant 0 : i32
      %dma_start3A_66 = tpu.memref_slice %arg9[%add3A_45, %dma_start3A] : memref<10240x128xf32, #tpu.memory_space<vmem_shared>> -> memref<128x128xf32, #tpu.memory_space<vmem_shared>>
      %dma_start3A_67 = arith.constant 0 : i32
      %dma_start3A_68 = tpu.memref_slice %arg9[%add3A_45, %dma_start3A_67] : memref<10240x128xf32, #tpu.memory_space<vmem_shared>> -> memref<128x128xf32, #tpu.memory_space<vmem_shared>>
      tpu.enqueue_dma source(%dma_start3A_68 : memref<128x128xf32, #tpu.memory_space<vmem_shared>>) target(%arg8 : memref<128x128xf32, #tpu.memory_space<vmem>>) target_semaphore(%run_scoped3A : memref<!tpu.dma_semaphore, #tpu.memory_space<semaphore_mem>>)
      %dma_wait3A = arith.constant 0 : i32
      %dma_wait3A_69 = tpu.memref_slice %arg9[%add3A_45, %dma_wait3A] : memref<10240x128xf32, #tpu.memory_space<vmem_shared>> -> memref<128x128xf32, #tpu.memory_space<vmem_shared>>
      %dma_wait3A_70 = arith.constant 0 : i32
      %dma_wait3A_71 = tpu.memref_slice %arg9[%add3A_45, %dma_wait3A_70] : memref<10240x128xf32, #tpu.memory_space<vmem_shared>> -> memref<128x128xf32, #tpu.memory_space<vmem_shared>>
      tpu.wait_dma2 semaphore(%run_scoped3A : memref<!tpu.dma_semaphore, #tpu.memory_space<semaphore_mem>>) src(%dma_wait3A_71 : memref<128x128xf32, #tpu.memory_space<vmem_shared>>) dst(%arg8 : memref<128x128xf32, #tpu.memory_space<vmem>>)
      tpu.yield
    }) : () -> ()
    %mul3A_46 = arith.constant 640 : i32
    %mul3A_47 = arith.muli %arg1, %mul3A_46 : i32
    %add3A_48 = arith.constant 256 : i32
    %add3A_49 = arith.addi %mul3A_47, %add3A_48 : i32
    "tpu.region"() ({
      %run_scoped3A = tpu.sem_alloc : memref<!tpu.dma_semaphore, #tpu.memory_space<semaphore_mem>>
      %dma_start3A = arith.constant 0 : i32
      %dma_start3A_66 = tpu.memref_slice %arg5[%arg0, %add3A_49, %dma_start3A] : memref<2x10240x128xf32, #tpu.memory_space<hbm>> -> memref<1x128x128xf32, #tpu.memory_space<hbm>>
      %dma_start3A_67 = tpu.memref_squeeze %dma_start3A_66 : memref<1x128x128xf32, #tpu.memory_space<hbm>> -> memref<128x128xf32, #tpu.memory_space<hbm>>
      %dma_start3A_68 = arith.constant 0 : i32
      %dma_start3A_69 = tpu.memref_slice %arg5[%arg0, %add3A_49, %dma_start3A_68] : memref<2x10240x128xf32, #tpu.memory_space<hbm>> -> memref<1x128x128xf32, #tpu.memory_space<hbm>>
      %dma_start3A_70 = tpu.memref_squeeze %dma_start3A_69 : memref<1x128x128xf32, #tpu.memory_space<hbm>> -> memref<128x128xf32, #tpu.memory_space<hbm>>
      tpu.enqueue_dma source(%arg8 : memref<128x128xf32, #tpu.memory_space<vmem>>) target(%dma_start3A_70 : memref<128x128xf32, #tpu.memory_space<hbm>>) target_semaphore(%run_scoped3A : memref<!tpu.dma_semaphore, #tpu.memory_space<semaphore_mem>>)
      %dma_wait3A = arith.constant 0 : i32
      %dma_wait3A_71 = tpu.memref_slice %arg5[%arg0, %add3A_49, %dma_wait3A] : memref<2x10240x128xf32, #tpu.memory_space<hbm>> -> memref<1x128x128xf32, #tpu.memory_space<hbm>>
      %dma_wait3A_72 = tpu.memref_squeeze %dma_wait3A_71 : memref<1x128x128xf32, #tpu.memory_space<hbm>> -> memref<128x128xf32, #tpu.memory_space<hbm>>
      %dma_wait3A_73 = arith.constant 0 : i32
      %dma_wait3A_74 = tpu.memref_slice %arg5[%arg0, %add3A_49, %dma_wait3A_73] : memref<2x10240x128xf32, #tpu.memory_space<hbm>> -> memref<1x128x128xf32, #tpu.memory_space<hbm>>
      %dma_wait3A_75 = tpu.memref_squeeze %dma_wait3A_74 : memref<1x128x128xf32, #tpu.memory_space<hbm>> -> memref<128x128xf32, #tpu.memory_space<hbm>>
      tpu.wait_dma2 semaphore(%run_scoped3A : memref<!tpu.dma_semaphore, #tpu.memory_space<semaphore_mem>>) src(%arg8 : memref<128x128xf32, #tpu.memory_space<vmem>>) dst(%dma_wait3A_75 : memref<128x128xf32, #tpu.memory_space<hbm>>)
      tpu.yield
    }) : () -> ()
    %mul3A_50 = arith.constant 640 : i32
    %mul3A_51 = arith.muli %arg1, %mul3A_50 : i32
    %add3A_52 = arith.constant 384 : i32
    %add3A_53 = arith.addi %mul3A_51, %add3A_52 : i32
    "tpu.region"() ({
      %run_scoped3A = tpu.sem_alloc : memref<!tpu.dma_semaphore, #tpu.memory_space<semaphore_mem>>
      %dma_start3A = arith.constant 0 : i32
      %dma_start3A_66 = tpu.memref_slice %arg9[%add3A_53, %dma_start3A] : memref<10240x128xf32, #tpu.memory_space<vmem_shared>> -> memref<128x128xf32, #tpu.memory_space<vmem_shared>>
      %dma_start3A_67 = arith.constant 0 : i32
      %dma_start3A_68 = tpu.memref_slice %arg9[%add3A_53, %dma_start3A_67] : memref<10240x128xf32, #tpu.memory_space<vmem_shared>> -> memref<128x128xf32, #tpu.memory_space<vmem_shared>>
      tpu.enqueue_dma source(%dma_start3A_68 : memref<128x128xf32, #tpu.memory_space<vmem_shared>>) target(%arg8 : memref<128x128xf32, #tpu.memory_space<vmem>>) target_semaphore(%run_scoped3A : memref<!tpu.dma_semaphore, #tpu.memory_space<semaphore_mem>>)
      %dma_wait3A = arith.constant 0 : i32
      %dma_wait3A_69 = tpu.memref_slice %arg9[%add3A_53, %dma_wait3A] : memref<10240x128xf32, #tpu.memory_space<vmem_shared>> -> memref<128x128xf32, #tpu.memory_space<vmem_shared>>
      %dma_wait3A_70 = arith.constant 0 : i32
      %dma_wait3A_71 = tpu.memref_slice %arg9[%add3A_53, %dma_wait3A_70] : memref<10240x128xf32, #tpu.memory_space<vmem_shared>> -> memref<128x128xf32, #tpu.memory_space<vmem_shared>>
      tpu.wait_dma2 semaphore(%run_scoped3A : memref<!tpu.dma_semaphore, #tpu.memory_space<semaphore_mem>>) src(%dma_wait3A_71 : memref<128x128xf32, #tpu.memory_space<vmem_shared>>) dst(%arg8 : memref<128x128xf32, #tpu.memory_space<vmem>>)
      tpu.yield
    }) : () -> ()
    %mul3A_54 = arith.constant 640 : i32
    %mul3A_55 = arith.muli %arg1, %mul3A_54 : i32
    %add3A_56 = arith.constant 384 : i32
    %add3A_57 = arith.addi %mul3A_55, %add3A_56 : i32
    "tpu.region"() ({
      %run_scoped3A = tpu.sem_alloc : memref<!tpu.dma_semaphore, #tpu.memory_space<semaphore_mem>>
      %dma_start3A = arith.constant 0 : i32
      %dma_start3A_66 = tpu.memref_slice %arg5[%arg0, %add3A_57, %dma_start3A] : memref<2x10240x128xf32, #tpu.memory_space<hbm>> -> memref<1x128x128xf32, #tpu.memory_space<hbm>>
      %dma_start3A_67 = tpu.memref_squeeze %dma_start3A_66 : memref<1x128x128xf32, #tpu.memory_space<hbm>> -> memref<128x128xf32, #tpu.memory_space<hbm>>
      %dma_start3A_68 = arith.constant 0 : i32
      %dma_start3A_69 = tpu.memref_slice %arg5[%arg0, %add3A_57, %dma_start3A_68] : memref<2x10240x128xf32, #tpu.memory_space<hbm>> -> memref<1x128x128xf32, #tpu.memory_space<hbm>>
      %dma_start3A_70 = tpu.memref_squeeze %dma_start3A_69 : memref<1x128x128xf32, #tpu.memory_space<hbm>> -> memref<128x128xf32, #tpu.memory_space<hbm>>
      tpu.enqueue_dma source(%arg8 : memref<128x128xf32, #tpu.memory_space<vmem>>) target(%dma_start3A_70 : memref<128x128xf32, #tpu.memory_space<hbm>>) target_semaphore(%run_scoped3A : memref<!tpu.dma_semaphore, #tpu.memory_space<semaphore_mem>>)
      %dma_wait3A = arith.constant 0 : i32
      %dma_wait3A_71 = tpu.memref_slice %arg5[%arg0, %add3A_57, %dma_wait3A] : memref<2x10240x128xf32, #tpu.memory_space<hbm>> -> memref<1x128x128xf32, #tpu.memory_space<hbm>>
      %dma_wait3A_72 = tpu.memref_squeeze %dma_wait3A_71 : memref<1x128x128xf32, #tpu.memory_space<hbm>> -> memref<128x128xf32, #tpu.memory_space<hbm>>
      %dma_wait3A_73 = arith.constant 0 : i32
      %dma_wait3A_74 = tpu.memref_slice %arg5[%arg0, %add3A_57, %dma_wait3A_73] : memref<2x10240x128xf32, #tpu.memory_space<hbm>> -> memref<1x128x128xf32, #tpu.memory_space<hbm>>
      %dma_wait3A_75 = tpu.memref_squeeze %dma_wait3A_74 : memref<1x128x128xf32, #tpu.memory_space<hbm>> -> memref<128x128xf32, #tpu.memory_space<hbm>>
      tpu.wait_dma2 semaphore(%run_scoped3A : memref<!tpu.dma_semaphore, #tpu.memory_space<semaphore_mem>>) src(%arg8 : memref<128x128xf32, #tpu.memory_space<vmem>>) dst(%dma_wait3A_75 : memref<128x128xf32, #tpu.memory_space<hbm>>)
      tpu.yield
    }) : () -> ()
    %mul3A_58 = arith.constant 640 : i32
    %mul3A_59 = arith.muli %arg1, %mul3A_58 : i32
    %add3A_60 = arith.constant 512 : i32
    %add3A_61 = arith.addi %mul3A_59, %add3A_60 : i32
    "tpu.region"() ({
      %run_scoped3A = tpu.sem_alloc : memref<!tpu.dma_semaphore, #tpu.memory_space<semaphore_mem>>
      %dma_start3A = arith.constant 0 : i32
      %dma_start3A_66 = tpu.memref_slice %arg9[%add3A_61, %dma_start3A] : memref<10240x128xf32, #tpu.memory_space<vmem_shared>> -> memref<128x128xf32, #tpu.memory_space<vmem_shared>>
      %dma_start3A_67 = arith.constant 0 : i32
      %dma_start3A_68 = tpu.memref_slice %arg9[%add3A_61, %dma_start3A_67] : memref<10240x128xf32, #tpu.memory_space<vmem_shared>> -> memref<128x128xf32, #tpu.memory_space<vmem_shared>>
      tpu.enqueue_dma source(%dma_start3A_68 : memref<128x128xf32, #tpu.memory_space<vmem_shared>>) target(%arg8 : memref<128x128xf32, #tpu.memory_space<vmem>>) target_semaphore(%run_scoped3A : memref<!tpu.dma_semaphore, #tpu.memory_space<semaphore_mem>>)
      %dma_wait3A = arith.constant 0 : i32
      %dma_wait3A_69 = tpu.memref_slice %arg9[%add3A_61, %dma_wait3A] : memref<10240x128xf32, #tpu.memory_space<vmem_shared>> -> memref<128x128xf32, #tpu.memory_space<vmem_shared>>
      %dma_wait3A_70 = arith.constant 0 : i32
      %dma_wait3A_71 = tpu.memref_slice %arg9[%add3A_61, %dma_wait3A_70] : memref<10240x128xf32, #tpu.memory_space<vmem_shared>> -> memref<128x128xf32, #tpu.memory_space<vmem_shared>>
      tpu.wait_dma2 semaphore(%run_scoped3A : memref<!tpu.dma_semaphore, #tpu.memory_space<semaphore_mem>>) src(%dma_wait3A_71 : memref<128x128xf32, #tpu.memory_space<vmem_shared>>) dst(%arg8 : memref<128x128xf32, #tpu.memory_space<vmem>>)
      tpu.yield
    }) : () -> ()
    %mul3A_62 = arith.constant 640 : i32
    %mul3A_63 = arith.muli %arg1, %mul3A_62 : i32
    %add3A_64 = arith.constant 512 : i32
    %add3A_65 = arith.addi %mul3A_63, %add3A_64 : i32
    "tpu.region"() ({
      %run_scoped3A = tpu.sem_alloc : memref<!tpu.dma_semaphore, #tpu.memory_space<semaphore_mem>>
      %dma_start3A = arith.constant 0 : i32
      %dma_start3A_66 = tpu.memref_slice %arg5[%arg0, %add3A_65, %dma_start3A] : memref<2x10240x128xf32, #tpu.memory_space<hbm>> -> memref<1x128x128xf32, #tpu.memory_space<hbm>>
      %dma_start3A_67 = tpu.memref_squeeze %dma_start3A_66 : memref<1x128x128xf32, #tpu.memory_space<hbm>> -> memref<128x128xf32, #tpu.memory_space<hbm>>
      %dma_start3A_68 = arith.constant 0 : i32
      %dma_start3A_69 = tpu.memref_slice %arg5[%arg0, %add3A_65, %dma_start3A_68] : memref<2x10240x128xf32, #tpu.memory_space<hbm>> -> memref<1x128x128xf32, #tpu.memory_space<hbm>>
      %dma_start3A_70 = tpu.memref_squeeze %dma_start3A_69 : memref<1x128x128xf32, #tpu.memory_space<hbm>> -> memref<128x128xf32, #tpu.memory_space<hbm>>
      tpu.enqueue_dma source(%arg8 : memref<128x128xf32, #tpu.memory_space<vmem>>) target(%dma_start3A_70 : memref<128x128xf32, #tpu.memory_space<hbm>>) target_semaphore(%run_scoped3A : memref<!tpu.dma_semaphore, #tpu.memory_space<semaphore_mem>>)
      %dma_wait3A = arith.constant 0 : i32
      %dma_wait3A_71 = tpu.memref_slice %arg5[%arg0, %add3A_65, %dma_wait3A] : memref<2x10240x128xf32, #tpu.memory_space<hbm>> -> memref<1x128x128xf32, #tpu.memory_space<hbm>>
      %dma_wait3A_72 = tpu.memref_squeeze %dma_wait3A_71 : memref<1x128x128xf32, #tpu.memory_space<hbm>> -> memref<128x128xf32, #tpu.memory_space<hbm>>
      %dma_wait3A_73 = arith.constant 0 : i32
      %dma_wait3A_74 = tpu.memref_slice %arg5[%arg0, %add3A_65, %dma_wait3A_73] : memref<2x10240x128xf32, #tpu.memory_space<hbm>> -> memref<1x128x128xf32, #tpu.memory_space<hbm>>
      %dma_wait3A_75 = tpu.memref_squeeze %dma_wait3A_74 : memref<1x128x128xf32, #tpu.memory_space<hbm>> -> memref<128x128xf32, #tpu.memory_space<hbm>>
      tpu.wait_dma2 semaphore(%run_scoped3A : memref<!tpu.dma_semaphore, #tpu.memory_space<semaphore_mem>>) src(%arg8 : memref<128x128xf32, #tpu.memory_space<vmem>>) dst(%dma_wait3A_75 : memref<128x128xf32, #tpu.memory_space<hbm>>)
      tpu.yield
    }) : () -> ()
    return
  }
}

#map = affine_map<(d0, d1) -> (0, 0)>
#map1 = affine_map<(d0, d1) -> (0, 0, 0)>
module attributes {stable_mosaic.version = 14 : i64} {
  func.func @_sc_agg_body(%arg0: i32, %arg1: i32, %arg2: memref<10000x128xf32, #tpu.memory_space<hbm>>, %arg3: memref<32x80x128xi32, #tpu.memory_space<hbm>>, %arg4: memref<32x80x128xi32, #tpu.memory_space<hbm>>, %arg5: memref<128x128xf32, #tpu.memory_space<hbm>>, %arg6: memref<2x10240x128xf32, #tpu.memory_space<hbm>>, %arg7: memref<128x128xf32, #tpu.memory_space<vmem>>, %arg8: memref<128x128xf32, #tpu.memory_space<vmem>>, %arg9: memref<128xi32, #tpu.memory_space<vmem>>, %arg10: memref<128xi32, #tpu.memory_space<vmem>>, %arg11: memref<128xi32, #tpu.memory_space<vmem>>, %arg12: memref<128xi32, #tpu.memory_space<vmem>>, %arg13: memref<10240x128xf32, #tpu.memory_space<vmem_shared>>, %arg14: memref<!tpu.dma_semaphore, #tpu.memory_space<semaphore_mem>>, %arg15: memref<!tpu.dma_semaphore, #tpu.memory_space<semaphore_mem>>) attributes {dimension_semantics = [#tpu.dimension_semantics<core_parallel>, #tpu.dimension_semantics<subcore_parallel>], iteration_bounds = array<i64: 2, 16>, scalar_prefetch = 0 : i64, scratch_operands = 9 : i64, tpu.core_type = #tpu.core_type<sc_vector_subcore>, window_params = [{transform_indices = #map}, {transform_indices = #map1}, {transform_indices = #map1}, {transform_indices = #map}, {transform_indices = #map1}]} {
    %mul3A = arith.constant 16 : i32
    %mul3A_0 = arith.muli %arg0, %mul3A : i32
    %add3A = arith.addi %mul3A_0, %arg1 : i32
    "tpu.region"() ({
      %run_scoped3A_68 = tpu.sem_alloc : memref<!tpu.dma_semaphore, #tpu.memory_space<semaphore_mem>>
      tpu.enqueue_dma source(%arg5 : memref<128x128xf32, #tpu.memory_space<hbm>>) target(%arg7 : memref<128x128xf32, #tpu.memory_space<vmem>>) target_semaphore(%run_scoped3A_68 : memref<!tpu.dma_semaphore, #tpu.memory_space<semaphore_mem>>)
      tpu.wait_dma2 semaphore(%run_scoped3A_68 : memref<!tpu.dma_semaphore, #tpu.memory_space<semaphore_mem>>) src(%arg5 : memref<128x128xf32, #tpu.memory_space<hbm>>) dst(%arg7 : memref<128x128xf32, #tpu.memory_space<vmem>>)
      tpu.yield
    }) : () -> ()
    %mul3A_1 = arith.constant 640 : i32
    %mul3A_2 = arith.muli %arg1, %mul3A_1 : i32
    %add3A_3 = arith.constant 0 : i32
    %add3A_4 = arith.addi %mul3A_2, %add3A_3 : i32
    "tpu.region"() ({
      %run_scoped3A_68 = tpu.sem_alloc : memref<!tpu.dma_semaphore, #tpu.memory_space<semaphore_mem>>
      %dma_start3A_69 = arith.constant 0 : i32
      %dma_start3A_70 = tpu.memref_slice %arg13[%add3A_4, %dma_start3A_69] : memref<10240x128xf32, #tpu.memory_space<vmem_shared>> -> memref<128x128xf32, #tpu.memory_space<vmem_shared>>
      %dma_start3A_71 = arith.constant 0 : i32
      %dma_start3A_72 = tpu.memref_slice %arg13[%add3A_4, %dma_start3A_71] : memref<10240x128xf32, #tpu.memory_space<vmem_shared>> -> memref<128x128xf32, #tpu.memory_space<vmem_shared>>
      tpu.enqueue_dma source(%arg7 : memref<128x128xf32, #tpu.memory_space<vmem>>) target(%dma_start3A_72 : memref<128x128xf32, #tpu.memory_space<vmem_shared>>) target_semaphore(%run_scoped3A_68 : memref<!tpu.dma_semaphore, #tpu.memory_space<semaphore_mem>>)
      %dma_wait3A = arith.constant 0 : i32
      %dma_wait3A_73 = tpu.memref_slice %arg13[%add3A_4, %dma_wait3A] : memref<10240x128xf32, #tpu.memory_space<vmem_shared>> -> memref<128x128xf32, #tpu.memory_space<vmem_shared>>
      %dma_wait3A_74 = arith.constant 0 : i32
      %dma_wait3A_75 = tpu.memref_slice %arg13[%add3A_4, %dma_wait3A_74] : memref<10240x128xf32, #tpu.memory_space<vmem_shared>> -> memref<128x128xf32, #tpu.memory_space<vmem_shared>>
      tpu.wait_dma2 semaphore(%run_scoped3A_68 : memref<!tpu.dma_semaphore, #tpu.memory_space<semaphore_mem>>) src(%arg7 : memref<128x128xf32, #tpu.memory_space<vmem>>) dst(%dma_wait3A_75 : memref<128x128xf32, #tpu.memory_space<vmem_shared>>)
      tpu.yield
    }) : () -> ()
    %mul3A_5 = arith.constant 640 : i32
    %mul3A_6 = arith.muli %arg1, %mul3A_5 : i32
    %add3A_7 = arith.constant 128 : i32
    %add3A_8 = arith.addi %mul3A_6, %add3A_7 : i32
    "tpu.region"() ({
      %run_scoped3A_68 = tpu.sem_alloc : memref<!tpu.dma_semaphore, #tpu.memory_space<semaphore_mem>>
      %dma_start3A_69 = arith.constant 0 : i32
      %dma_start3A_70 = tpu.memref_slice %arg13[%add3A_8, %dma_start3A_69] : memref<10240x128xf32, #tpu.memory_space<vmem_shared>> -> memref<128x128xf32, #tpu.memory_space<vmem_shared>>
      %dma_start3A_71 = arith.constant 0 : i32
      %dma_start3A_72 = tpu.memref_slice %arg13[%add3A_8, %dma_start3A_71] : memref<10240x128xf32, #tpu.memory_space<vmem_shared>> -> memref<128x128xf32, #tpu.memory_space<vmem_shared>>
      tpu.enqueue_dma source(%arg7 : memref<128x128xf32, #tpu.memory_space<vmem>>) target(%dma_start3A_72 : memref<128x128xf32, #tpu.memory_space<vmem_shared>>) target_semaphore(%run_scoped3A_68 : memref<!tpu.dma_semaphore, #tpu.memory_space<semaphore_mem>>)
      %dma_wait3A = arith.constant 0 : i32
      %dma_wait3A_73 = tpu.memref_slice %arg13[%add3A_8, %dma_wait3A] : memref<10240x128xf32, #tpu.memory_space<vmem_shared>> -> memref<128x128xf32, #tpu.memory_space<vmem_shared>>
      %dma_wait3A_74 = arith.constant 0 : i32
      %dma_wait3A_75 = tpu.memref_slice %arg13[%add3A_8, %dma_wait3A_74] : memref<10240x128xf32, #tpu.memory_space<vmem_shared>> -> memref<128x128xf32, #tpu.memory_space<vmem_shared>>
      tpu.wait_dma2 semaphore(%run_scoped3A_68 : memref<!tpu.dma_semaphore, #tpu.memory_space<semaphore_mem>>) src(%arg7 : memref<128x128xf32, #tpu.memory_space<vmem>>) dst(%dma_wait3A_75 : memref<128x128xf32, #tpu.memory_space<vmem_shared>>)
      tpu.yield
    }) : () -> ()
    %mul3A_9 = arith.constant 640 : i32
    %mul3A_10 = arith.muli %arg1, %mul3A_9 : i32
    %add3A_11 = arith.constant 256 : i32
    %add3A_12 = arith.addi %mul3A_10, %add3A_11 : i32
    "tpu.region"() ({
      %run_scoped3A_68 = tpu.sem_alloc : memref<!tpu.dma_semaphore, #tpu.memory_space<semaphore_mem>>
      %dma_start3A_69 = arith.constant 0 : i32
      %dma_start3A_70 = tpu.memref_slice %arg13[%add3A_12, %dma_start3A_69] : memref<10240x128xf32, #tpu.memory_space<vmem_shared>> -> memref<128x128xf32, #tpu.memory_space<vmem_shared>>
      %dma_start3A_71 = arith.constant 0 : i32
      %dma_start3A_72 = tpu.memref_slice %arg13[%add3A_12, %dma_start3A_71] : memref<10240x128xf32, #tpu.memory_space<vmem_shared>> -> memref<128x128xf32, #tpu.memory_space<vmem_shared>>
      tpu.enqueue_dma source(%arg7 : memref<128x128xf32, #tpu.memory_space<vmem>>) target(%dma_start3A_72 : memref<128x128xf32, #tpu.memory_space<vmem_shared>>) target_semaphore(%run_scoped3A_68 : memref<!tpu.dma_semaphore, #tpu.memory_space<semaphore_mem>>)
      %dma_wait3A = arith.constant 0 : i32
      %dma_wait3A_73 = tpu.memref_slice %arg13[%add3A_12, %dma_wait3A] : memref<10240x128xf32, #tpu.memory_space<vmem_shared>> -> memref<128x128xf32, #tpu.memory_space<vmem_shared>>
      %dma_wait3A_74 = arith.constant 0 : i32
      %dma_wait3A_75 = tpu.memref_slice %arg13[%add3A_12, %dma_wait3A_74] : memref<10240x128xf32, #tpu.memory_space<vmem_shared>> -> memref<128x128xf32, #tpu.memory_space<vmem_shared>>
      tpu.wait_dma2 semaphore(%run_scoped3A_68 : memref<!tpu.dma_semaphore, #tpu.memory_space<semaphore_mem>>) src(%arg7 : memref<128x128xf32, #tpu.memory_space<vmem>>) dst(%dma_wait3A_75 : memref<128x128xf32, #tpu.memory_space<vmem_shared>>)
      tpu.yield
    }) : () -> ()
    %mul3A_13 = arith.constant 640 : i32
    %mul3A_14 = arith.muli %arg1, %mul3A_13 : i32
    %add3A_15 = arith.constant 384 : i32
    %add3A_16 = arith.addi %mul3A_14, %add3A_15 : i32
    "tpu.region"() ({
      %run_scoped3A_68 = tpu.sem_alloc : memref<!tpu.dma_semaphore, #tpu.memory_space<semaphore_mem>>
      %dma_start3A_69 = arith.constant 0 : i32
      %dma_start3A_70 = tpu.memref_slice %arg13[%add3A_16, %dma_start3A_69] : memref<10240x128xf32, #tpu.memory_space<vmem_shared>> -> memref<128x128xf32, #tpu.memory_space<vmem_shared>>
      %dma_start3A_71 = arith.constant 0 : i32
      %dma_start3A_72 = tpu.memref_slice %arg13[%add3A_16, %dma_start3A_71] : memref<10240x128xf32, #tpu.memory_space<vmem_shared>> -> memref<128x128xf32, #tpu.memory_space<vmem_shared>>
      tpu.enqueue_dma source(%arg7 : memref<128x128xf32, #tpu.memory_space<vmem>>) target(%dma_start3A_72 : memref<128x128xf32, #tpu.memory_space<vmem_shared>>) target_semaphore(%run_scoped3A_68 : memref<!tpu.dma_semaphore, #tpu.memory_space<semaphore_mem>>)
      %dma_wait3A = arith.constant 0 : i32
      %dma_wait3A_73 = tpu.memref_slice %arg13[%add3A_16, %dma_wait3A] : memref<10240x128xf32, #tpu.memory_space<vmem_shared>> -> memref<128x128xf32, #tpu.memory_space<vmem_shared>>
      %dma_wait3A_74 = arith.constant 0 : i32
      %dma_wait3A_75 = tpu.memref_slice %arg13[%add3A_16, %dma_wait3A_74] : memref<10240x128xf32, #tpu.memory_space<vmem_shared>> -> memref<128x128xf32, #tpu.memory_space<vmem_shared>>
      tpu.wait_dma2 semaphore(%run_scoped3A_68 : memref<!tpu.dma_semaphore, #tpu.memory_space<semaphore_mem>>) src(%arg7 : memref<128x128xf32, #tpu.memory_space<vmem>>) dst(%dma_wait3A_75 : memref<128x128xf32, #tpu.memory_space<vmem_shared>>)
      tpu.yield
    }) : () -> ()
    %mul3A_17 = arith.constant 640 : i32
    %mul3A_18 = arith.muli %arg1, %mul3A_17 : i32
    %add3A_19 = arith.constant 512 : i32
    %add3A_20 = arith.addi %mul3A_18, %add3A_19 : i32
    "tpu.region"() ({
      %run_scoped3A_68 = tpu.sem_alloc : memref<!tpu.dma_semaphore, #tpu.memory_space<semaphore_mem>>
      %dma_start3A_69 = arith.constant 0 : i32
      %dma_start3A_70 = tpu.memref_slice %arg13[%add3A_20, %dma_start3A_69] : memref<10240x128xf32, #tpu.memory_space<vmem_shared>> -> memref<128x128xf32, #tpu.memory_space<vmem_shared>>
      %dma_start3A_71 = arith.constant 0 : i32
      %dma_start3A_72 = tpu.memref_slice %arg13[%add3A_20, %dma_start3A_71] : memref<10240x128xf32, #tpu.memory_space<vmem_shared>> -> memref<128x128xf32, #tpu.memory_space<vmem_shared>>
      tpu.enqueue_dma source(%arg7 : memref<128x128xf32, #tpu.memory_space<vmem>>) target(%dma_start3A_72 : memref<128x128xf32, #tpu.memory_space<vmem_shared>>) target_semaphore(%run_scoped3A_68 : memref<!tpu.dma_semaphore, #tpu.memory_space<semaphore_mem>>)
      %dma_wait3A = arith.constant 0 : i32
      %dma_wait3A_73 = tpu.memref_slice %arg13[%add3A_20, %dma_wait3A] : memref<10240x128xf32, #tpu.memory_space<vmem_shared>> -> memref<128x128xf32, #tpu.memory_space<vmem_shared>>
      %dma_wait3A_74 = arith.constant 0 : i32
      %dma_wait3A_75 = tpu.memref_slice %arg13[%add3A_20, %dma_wait3A_74] : memref<10240x128xf32, #tpu.memory_space<vmem_shared>> -> memref<128x128xf32, #tpu.memory_space<vmem_shared>>
      tpu.wait_dma2 semaphore(%run_scoped3A_68 : memref<!tpu.dma_semaphore, #tpu.memory_space<semaphore_mem>>) src(%arg7 : memref<128x128xf32, #tpu.memory_space<vmem>>) dst(%dma_wait3A_75 : memref<128x128xf32, #tpu.memory_space<vmem_shared>>)
      tpu.yield
    }) : () -> ()
    %barrier3A = arith.constant 0 : index
    tpu.barrier barrier_id(%barrier3A)
    %run_scoped3A = arith.constant 0 : i32
    "tpu.region"() ({
      %run_scoped3A_68 = tpu.sem_alloc : memref<!tpu.dma_semaphore, #tpu.memory_space<semaphore_mem>>
      %dma_start3A_69 = arith.constant 0 : i32
      %dma_start3A_70 = tpu.memref_slice %arg3[%add3A, %run_scoped3A, %dma_start3A_69] : memref<32x80x128xi32, #tpu.memory_space<hbm>> -> memref<1x1x128xi32, #tpu.memory_space<hbm>>
      %dma_start3A_71 = tpu.memref_squeeze %dma_start3A_70 : memref<1x1x128xi32, #tpu.memory_space<hbm>> -> memref<128xi32, #tpu.memory_space<hbm>>
      %dma_start3A_72 = arith.constant 0 : i32
      %dma_start3A_73 = tpu.memref_slice %arg3[%add3A, %run_scoped3A, %dma_start3A_72] : memref<32x80x128xi32, #tpu.memory_space<hbm>> -> memref<1x1x128xi32, #tpu.memory_space<hbm>>
      %dma_start3A_74 = tpu.memref_squeeze %dma_start3A_73 : memref<1x1x128xi32, #tpu.memory_space<hbm>> -> memref<128xi32, #tpu.memory_space<hbm>>
      tpu.enqueue_dma source(%dma_start3A_74 : memref<128xi32, #tpu.memory_space<hbm>>) target(%arg9 : memref<128xi32, #tpu.memory_space<vmem>>) target_semaphore(%run_scoped3A_68 : memref<!tpu.dma_semaphore, #tpu.memory_space<semaphore_mem>>)
      %dma_wait3A = arith.constant 0 : i32
      %dma_wait3A_75 = tpu.memref_slice %arg3[%add3A, %run_scoped3A, %dma_wait3A] : memref<32x80x128xi32, #tpu.memory_space<hbm>> -> memref<1x1x128xi32, #tpu.memory_space<hbm>>
      %dma_wait3A_76 = tpu.memref_squeeze %dma_wait3A_75 : memref<1x1x128xi32, #tpu.memory_space<hbm>> -> memref<128xi32, #tpu.memory_space<hbm>>
      %dma_wait3A_77 = arith.constant 0 : i32
      %dma_wait3A_78 = tpu.memref_slice %arg3[%add3A, %run_scoped3A, %dma_wait3A_77] : memref<32x80x128xi32, #tpu.memory_space<hbm>> -> memref<1x1x128xi32, #tpu.memory_space<hbm>>
      %dma_wait3A_79 = tpu.memref_squeeze %dma_wait3A_78 : memref<1x1x128xi32, #tpu.memory_space<hbm>> -> memref<128xi32, #tpu.memory_space<hbm>>
      tpu.wait_dma2 semaphore(%run_scoped3A_68 : memref<!tpu.dma_semaphore, #tpu.memory_space<semaphore_mem>>) src(%dma_wait3A_79 : memref<128xi32, #tpu.memory_space<hbm>>) dst(%arg9 : memref<128xi32, #tpu.memory_space<vmem>>)
      tpu.yield
    }) : () -> ()
    %dma_start3A = arith.constant 0 : i32
    %dma_start3A_21 = arith.constant 0 : i32
    %dma_start3A_22 = tpu.memref_slice %arg2[%dma_start3A, %dma_start3A_21] : memref<10000x128xf32, #tpu.memory_space<hbm>> -> memref<10000x128xf32, #tpu.memory_space<hbm>>
    tpu.enqueue_indirect_dma source(%dma_start3A_22 : memref<10000x128xf32, #tpu.memory_space<hbm>>) target(%arg7 : memref<128x128xf32, #tpu.memory_space<vmem>>) offsets(%arg9 : memref<128xi32, #tpu.memory_space<vmem>>) semaphore(%arg14 : memref<!tpu.dma_semaphore, #tpu.memory_space<semaphore_mem>>)
    %scan3A = arith.constant 0 : i32
    %scan3A_23 = arith.constant 40 : i32
    %scan3A_24 = arith.addi %scan3A, %scan3A_23 : i32
    %scan3A_25 = arith.constant 1 : i32
    scf.for %scan3A_68 = %scan3A to %scan3A_24 step %scan3A_25  : i32 {
      %mul3A_69 = arith.constant 2 : i32
      %mul3A_70 = arith.muli %scan3A_68, %mul3A_69 : i32
      %add3A_71 = arith.constant 0 : i32
      %add3A_72 = arith.addi %add3A_71, %mul3A_70 : i32
      %add3A_73 = arith.constant 1 : i32
      %add3A_74 = arith.addi %add3A_72, %add3A_73 : i32
      "tpu.region"() ({
        %run_scoped3A_89 = tpu.sem_alloc : memref<!tpu.dma_semaphore, #tpu.memory_space<semaphore_mem>>
        %dma_start3A_90 = arith.constant 0 : i32
        %dma_start3A_91 = tpu.memref_slice %arg3[%add3A, %add3A_74, %dma_start3A_90] : memref<32x80x128xi32, #tpu.memory_space<hbm>> -> memref<1x1x128xi32, #tpu.memory_space<hbm>>
        %dma_start3A_92 = tpu.memref_squeeze %dma_start3A_91 : memref<1x1x128xi32, #tpu.memory_space<hbm>> -> memref<128xi32, #tpu.memory_space<hbm>>
        %dma_start3A_93 = arith.constant 0 : i32
        %dma_start3A_94 = tpu.memref_slice %arg3[%add3A, %add3A_74, %dma_start3A_93] : memref<32x80x128xi32, #tpu.memory_space<hbm>> -> memref<1x1x128xi32, #tpu.memory_space<hbm>>
        %dma_start3A_95 = tpu.memref_squeeze %dma_start3A_94 : memref<1x1x128xi32, #tpu.memory_space<hbm>> -> memref<128xi32, #tpu.memory_space<hbm>>
        tpu.enqueue_dma source(%dma_start3A_95 : memref<128xi32, #tpu.memory_space<hbm>>) target(%arg10 : memref<128xi32, #tpu.memory_space<vmem>>) target_semaphore(%run_scoped3A_89 : memref<!tpu.dma_semaphore, #tpu.memory_space<semaphore_mem>>)
        %dma_wait3A_96 = arith.constant 0 : i32
        %dma_wait3A_97 = tpu.memref_slice %arg3[%add3A, %add3A_74, %dma_wait3A_96] : memref<32x80x128xi32, #tpu.memory_space<hbm>> -> memref<1x1x128xi32, #tpu.memory_space<hbm>>
        %dma_wait3A_98 = tpu.memref_squeeze %dma_wait3A_97 : memref<1x1x128xi32, #tpu.memory_space<hbm>> -> memref<128xi32, #tpu.memory_space<hbm>>
        %dma_wait3A_99 = arith.constant 0 : i32
        %dma_wait3A_100 = tpu.memref_slice %arg3[%add3A, %add3A_74, %dma_wait3A_99] : memref<32x80x128xi32, #tpu.memory_space<hbm>> -> memref<1x1x128xi32, #tpu.memory_space<hbm>>
        %dma_wait3A_101 = tpu.memref_squeeze %dma_wait3A_100 : memref<1x1x128xi32, #tpu.memory_space<hbm>> -> memref<128xi32, #tpu.memory_space<hbm>>
        tpu.wait_dma2 semaphore(%run_scoped3A_89 : memref<!tpu.dma_semaphore, #tpu.memory_space<semaphore_mem>>) src(%dma_wait3A_101 : memref<128xi32, #tpu.memory_space<hbm>>) dst(%arg10 : memref<128xi32, #tpu.memory_space<vmem>>)
        tpu.yield
      }) : () -> ()
      %dma_start3A_75 = arith.constant 0 : i32
      %dma_start3A_76 = arith.constant 0 : i32
      %dma_start3A_77 = tpu.memref_slice %arg2[%dma_start3A_75, %dma_start3A_76] : memref<10000x128xf32, #tpu.memory_space<hbm>> -> memref<10000x128xf32, #tpu.memory_space<hbm>>
      tpu.enqueue_indirect_dma source(%dma_start3A_77 : memref<10000x128xf32, #tpu.memory_space<hbm>>) target(%arg8 : memref<128x128xf32, #tpu.memory_space<vmem>>) offsets(%arg10 : memref<128xi32, #tpu.memory_space<vmem>>) semaphore(%arg15 : memref<!tpu.dma_semaphore, #tpu.memory_space<semaphore_mem>>)
      "tpu.region"() ({
        %run_scoped3A_89 = tpu.sem_alloc : memref<!tpu.dma_semaphore, #tpu.memory_space<semaphore_mem>>
        %dma_start3A_90 = arith.constant 0 : i32
        %dma_start3A_91 = tpu.memref_slice %arg4[%add3A, %add3A_72, %dma_start3A_90] : memref<32x80x128xi32, #tpu.memory_space<hbm>> -> memref<1x1x128xi32, #tpu.memory_space<hbm>>
        %dma_start3A_92 = tpu.memref_squeeze %dma_start3A_91 : memref<1x1x128xi32, #tpu.memory_space<hbm>> -> memref<128xi32, #tpu.memory_space<hbm>>
        %dma_start3A_93 = arith.constant 0 : i32
        %dma_start3A_94 = tpu.memref_slice %arg4[%add3A, %add3A_72, %dma_start3A_93] : memref<32x80x128xi32, #tpu.memory_space<hbm>> -> memref<1x1x128xi32, #tpu.memory_space<hbm>>
        %dma_start3A_95 = tpu.memref_squeeze %dma_start3A_94 : memref<1x1x128xi32, #tpu.memory_space<hbm>> -> memref<128xi32, #tpu.memory_space<hbm>>
        tpu.enqueue_dma source(%dma_start3A_95 : memref<128xi32, #tpu.memory_space<hbm>>) target(%arg11 : memref<128xi32, #tpu.memory_space<vmem>>) target_semaphore(%run_scoped3A_89 : memref<!tpu.dma_semaphore, #tpu.memory_space<semaphore_mem>>)
        %dma_wait3A_96 = arith.constant 0 : i32
        %dma_wait3A_97 = tpu.memref_slice %arg4[%add3A, %add3A_72, %dma_wait3A_96] : memref<32x80x128xi32, #tpu.memory_space<hbm>> -> memref<1x1x128xi32, #tpu.memory_space<hbm>>
        %dma_wait3A_98 = tpu.memref_squeeze %dma_wait3A_97 : memref<1x1x128xi32, #tpu.memory_space<hbm>> -> memref<128xi32, #tpu.memory_space<hbm>>
        %dma_wait3A_99 = arith.constant 0 : i32
        %dma_wait3A_100 = tpu.memref_slice %arg4[%add3A, %add3A_72, %dma_wait3A_99] : memref<32x80x128xi32, #tpu.memory_space<hbm>> -> memref<1x1x128xi32, #tpu.memory_space<hbm>>
        %dma_wait3A_101 = tpu.memref_squeeze %dma_wait3A_100 : memref<1x1x128xi32, #tpu.memory_space<hbm>> -> memref<128xi32, #tpu.memory_space<hbm>>
        tpu.wait_dma2 semaphore(%run_scoped3A_89 : memref<!tpu.dma_semaphore, #tpu.memory_space<semaphore_mem>>) src(%dma_wait3A_101 : memref<128xi32, #tpu.memory_space<hbm>>) dst(%arg11 : memref<128xi32, #tpu.memory_space<vmem>>)
        tpu.yield
      }) : () -> ()
      %dma_wait3A = arith.constant 0 : i32
      %dma_wait3A_78 = arith.constant 0 : i32
      %dma_wait3A_79 = tpu.memref_slice %arg2[%dma_wait3A, %dma_wait3A_78] : memref<10000x128xf32, #tpu.memory_space<hbm>> -> memref<10000x128xf32, #tpu.memory_space<hbm>>
      tpu.wait_indirect_dma semaphore(%arg14 : memref<!tpu.dma_semaphore, #tpu.memory_space<semaphore_mem>>) src(%dma_wait3A_79 : memref<10000x128xf32, #tpu.memory_space<hbm>>) dst(%arg7 : memref<128x128xf32, #tpu.memory_space<vmem>>)
      "tpu.region"() ({
        %run_scoped3A_89 = tpu.sem_alloc : memref<!tpu.dma_semaphore, #tpu.memory_space<semaphore_mem>>
        %dma_start3A_90 = arith.constant 0 : i32
        %dma_start3A_91 = arith.constant 0 : i32
        %dma_start3A_92 = tpu.memref_slice %arg13[%dma_start3A_90, %dma_start3A_91] : memref<10240x128xf32, #tpu.memory_space<vmem_shared>> -> memref<10240x128xf32, #tpu.memory_space<vmem_shared>>
        tpu.enqueue_indirect_dma source(%arg7 : memref<128x128xf32, #tpu.memory_space<vmem>>) target(%dma_start3A_92 : memref<10240x128xf32, #tpu.memory_space<vmem_shared>>) offsets(%arg11 : memref<128xi32, #tpu.memory_space<vmem>>) semaphore(%run_scoped3A_89 : memref<!tpu.dma_semaphore, #tpu.memory_space<semaphore_mem>>) {add = true}
        %dma_wait3A_93 = arith.constant 0 : i32
        %dma_wait3A_94 = arith.constant 0 : i32
        %dma_wait3A_95 = tpu.memref_slice %arg13[%dma_wait3A_93, %dma_wait3A_94] : memref<10240x128xf32, #tpu.memory_space<vmem_shared>> -> memref<10240x128xf32, #tpu.memory_space<vmem_shared>>
        tpu.wait_indirect_dma semaphore(%run_scoped3A_89 : memref<!tpu.dma_semaphore, #tpu.memory_space<semaphore_mem>>) src(%arg7 : memref<128x128xf32, #tpu.memory_space<vmem>>) dst(%dma_wait3A_95 : memref<10240x128xf32, #tpu.memory_space<vmem_shared>>)
        tpu.yield
      }) : () -> ()
      %add3A_80 = arith.constant 2 : i32
      %add3A_81 = arith.addi %add3A_72, %add3A_80 : i32
      %lt3A = arith.constant 80 : i32
      %lt3A_82 = arith.cmpi slt, %add3A_81, %lt3A : i32
      %convert_element_type3A = arith.extui %lt3A_82 : i1 to i32
      %cond3A = arith.constant 0 : i32
      %cond3A_83 = arith.cmpi ne, %convert_element_type3A, %cond3A : i32
      scf.if %cond3A_83 {
        %add3A_89 = arith.constant 2 : i32
        %add3A_90 = arith.addi %add3A_72, %add3A_89 : i32
        "tpu.region"() ({
          %run_scoped3A_94 = tpu.sem_alloc : memref<!tpu.dma_semaphore, #tpu.memory_space<semaphore_mem>>
          %dma_start3A_95 = arith.constant 0 : i32
          %dma_start3A_96 = tpu.memref_slice %arg3[%add3A, %add3A_90, %dma_start3A_95] : memref<32x80x128xi32, #tpu.memory_space<hbm>> -> memref<1x1x128xi32, #tpu.memory_space<hbm>>
          %dma_start3A_97 = tpu.memref_squeeze %dma_start3A_96 : memref<1x1x128xi32, #tpu.memory_space<hbm>> -> memref<128xi32, #tpu.memory_space<hbm>>
          %dma_start3A_98 = arith.constant 0 : i32
          %dma_start3A_99 = tpu.memref_slice %arg3[%add3A, %add3A_90, %dma_start3A_98] : memref<32x80x128xi32, #tpu.memory_space<hbm>> -> memref<1x1x128xi32, #tpu.memory_space<hbm>>
          %dma_start3A_100 = tpu.memref_squeeze %dma_start3A_99 : memref<1x1x128xi32, #tpu.memory_space<hbm>> -> memref<128xi32, #tpu.memory_space<hbm>>
          tpu.enqueue_dma source(%dma_start3A_100 : memref<128xi32, #tpu.memory_space<hbm>>) target(%arg9 : memref<128xi32, #tpu.memory_space<vmem>>) target_semaphore(%run_scoped3A_94 : memref<!tpu.dma_semaphore, #tpu.memory_space<semaphore_mem>>)
          %dma_wait3A_101 = arith.constant 0 : i32
          %dma_wait3A_102 = tpu.memref_slice %arg3[%add3A, %add3A_90, %dma_wait3A_101] : memref<32x80x128xi32, #tpu.memory_space<hbm>> -> memref<1x1x128xi32, #tpu.memory_space<hbm>>
          %dma_wait3A_103 = tpu.memref_squeeze %dma_wait3A_102 : memref<1x1x128xi32, #tpu.memory_space<hbm>> -> memref<128xi32, #tpu.memory_space<hbm>>
          %dma_wait3A_104 = arith.constant 0 : i32
          %dma_wait3A_105 = tpu.memref_slice %arg3[%add3A, %add3A_90, %dma_wait3A_104] : memref<32x80x128xi32, #tpu.memory_space<hbm>> -> memref<1x1x128xi32, #tpu.memory_space<hbm>>
          %dma_wait3A_106 = tpu.memref_squeeze %dma_wait3A_105 : memref<1x1x128xi32, #tpu.memory_space<hbm>> -> memref<128xi32, #tpu.memory_space<hbm>>
          tpu.wait_dma2 semaphore(%run_scoped3A_94 : memref<!tpu.dma_semaphore, #tpu.memory_space<semaphore_mem>>) src(%dma_wait3A_106 : memref<128xi32, #tpu.memory_space<hbm>>) dst(%arg9 : memref<128xi32, #tpu.memory_space<vmem>>)
          tpu.yield
        }) : () -> ()
        %dma_start3A_91 = arith.constant 0 : i32
        %dma_start3A_92 = arith.constant 0 : i32
        %dma_start3A_93 = tpu.memref_slice %arg2[%dma_start3A_91, %dma_start3A_92] : memref<10000x128xf32, #tpu.memory_space<hbm>> -> memref<10000x128xf32, #tpu.memory_space<hbm>>
        tpu.enqueue_indirect_dma source(%dma_start3A_93 : memref<10000x128xf32, #tpu.memory_space<hbm>>) target(%arg7 : memref<128x128xf32, #tpu.memory_space<vmem>>) offsets(%arg9 : memref<128xi32, #tpu.memory_space<vmem>>) semaphore(%arg14 : memref<!tpu.dma_semaphore, #tpu.memory_space<semaphore_mem>>)
      } else {
      }
      %add3A_84 = arith.constant 1 : i32
      %add3A_85 = arith.addi %add3A_72, %add3A_84 : i32
      "tpu.region"() ({
        %run_scoped3A_89 = tpu.sem_alloc : memref<!tpu.dma_semaphore, #tpu.memory_space<semaphore_mem>>
        %dma_start3A_90 = arith.constant 0 : i32
        %dma_start3A_91 = tpu.memref_slice %arg4[%add3A, %add3A_85, %dma_start3A_90] : memref<32x80x128xi32, #tpu.memory_space<hbm>> -> memref<1x1x128xi32, #tpu.memory_space<hbm>>
        %dma_start3A_92 = tpu.memref_squeeze %dma_start3A_91 : memref<1x1x128xi32, #tpu.memory_space<hbm>> -> memref<128xi32, #tpu.memory_space<hbm>>
        %dma_start3A_93 = arith.constant 0 : i32
        %dma_start3A_94 = tpu.memref_slice %arg4[%add3A, %add3A_85, %dma_start3A_93] : memref<32x80x128xi32, #tpu.memory_space<hbm>> -> memref<1x1x128xi32, #tpu.memory_space<hbm>>
        %dma_start3A_95 = tpu.memref_squeeze %dma_start3A_94 : memref<1x1x128xi32, #tpu.memory_space<hbm>> -> memref<128xi32, #tpu.memory_space<hbm>>
        tpu.enqueue_dma source(%dma_start3A_95 : memref<128xi32, #tpu.memory_space<hbm>>) target(%arg12 : memref<128xi32, #tpu.memory_space<vmem>>) target_semaphore(%run_scoped3A_89 : memref<!tpu.dma_semaphore, #tpu.memory_space<semaphore_mem>>)
        %dma_wait3A_96 = arith.constant 0 : i32
        %dma_wait3A_97 = tpu.memref_slice %arg4[%add3A, %add3A_85, %dma_wait3A_96] : memref<32x80x128xi32, #tpu.memory_space<hbm>> -> memref<1x1x128xi32, #tpu.memory_space<hbm>>
        %dma_wait3A_98 = tpu.memref_squeeze %dma_wait3A_97 : memref<1x1x128xi32, #tpu.memory_space<hbm>> -> memref<128xi32, #tpu.memory_space<hbm>>
        %dma_wait3A_99 = arith.constant 0 : i32
        %dma_wait3A_100 = tpu.memref_slice %arg4[%add3A, %add3A_85, %dma_wait3A_99] : memref<32x80x128xi32, #tpu.memory_space<hbm>> -> memref<1x1x128xi32, #tpu.memory_space<hbm>>
        %dma_wait3A_101 = tpu.memref_squeeze %dma_wait3A_100 : memref<1x1x128xi32, #tpu.memory_space<hbm>> -> memref<128xi32, #tpu.memory_space<hbm>>
        tpu.wait_dma2 semaphore(%run_scoped3A_89 : memref<!tpu.dma_semaphore, #tpu.memory_space<semaphore_mem>>) src(%dma_wait3A_101 : memref<128xi32, #tpu.memory_space<hbm>>) dst(%arg12 : memref<128xi32, #tpu.memory_space<vmem>>)
        tpu.yield
      }) : () -> ()
      %dma_wait3A_86 = arith.constant 0 : i32
      %dma_wait3A_87 = arith.constant 0 : i32
      %dma_wait3A_88 = tpu.memref_slice %arg2[%dma_wait3A_86, %dma_wait3A_87] : memref<10000x128xf32, #tpu.memory_space<hbm>> -> memref<10000x128xf32, #tpu.memory_space<hbm>>
      tpu.wait_indirect_dma semaphore(%arg15 : memref<!tpu.dma_semaphore, #tpu.memory_space<semaphore_mem>>) src(%dma_wait3A_88 : memref<10000x128xf32, #tpu.memory_space<hbm>>) dst(%arg8 : memref<128x128xf32, #tpu.memory_space<vmem>>)
      "tpu.region"() ({
        %run_scoped3A_89 = tpu.sem_alloc : memref<!tpu.dma_semaphore, #tpu.memory_space<semaphore_mem>>
        %dma_start3A_90 = arith.constant 0 : i32
        %dma_start3A_91 = arith.constant 0 : i32
        %dma_start3A_92 = tpu.memref_slice %arg13[%dma_start3A_90, %dma_start3A_91] : memref<10240x128xf32, #tpu.memory_space<vmem_shared>> -> memref<10240x128xf32, #tpu.memory_space<vmem_shared>>
        tpu.enqueue_indirect_dma source(%arg8 : memref<128x128xf32, #tpu.memory_space<vmem>>) target(%dma_start3A_92 : memref<10240x128xf32, #tpu.memory_space<vmem_shared>>) offsets(%arg12 : memref<128xi32, #tpu.memory_space<vmem>>) semaphore(%run_scoped3A_89 : memref<!tpu.dma_semaphore, #tpu.memory_space<semaphore_mem>>) {add = true}
        %dma_wait3A_93 = arith.constant 0 : i32
        %dma_wait3A_94 = arith.constant 0 : i32
        %dma_wait3A_95 = tpu.memref_slice %arg13[%dma_wait3A_93, %dma_wait3A_94] : memref<10240x128xf32, #tpu.memory_space<vmem_shared>> -> memref<10240x128xf32, #tpu.memory_space<vmem_shared>>
        tpu.wait_indirect_dma semaphore(%run_scoped3A_89 : memref<!tpu.dma_semaphore, #tpu.memory_space<semaphore_mem>>) src(%arg8 : memref<128x128xf32, #tpu.memory_space<vmem>>) dst(%dma_wait3A_95 : memref<10240x128xf32, #tpu.memory_space<vmem_shared>>)
        tpu.yield
      }) : () -> ()
    }
    %scan3A_26 = arith.constant 40 : i32
    %barrier3A_27 = arith.constant 0 : index
    tpu.barrier barrier_id(%barrier3A_27)
    %mul3A_28 = arith.constant 640 : i32
    %mul3A_29 = arith.muli %arg1, %mul3A_28 : i32
    %add3A_30 = arith.constant 0 : i32
    %add3A_31 = arith.addi %mul3A_29, %add3A_30 : i32
    "tpu.region"() ({
      %run_scoped3A_68 = tpu.sem_alloc : memref<!tpu.dma_semaphore, #tpu.memory_space<semaphore_mem>>
      %dma_start3A_69 = arith.constant 0 : i32
      %dma_start3A_70 = tpu.memref_slice %arg13[%add3A_31, %dma_start3A_69] : memref<10240x128xf32, #tpu.memory_space<vmem_shared>> -> memref<128x128xf32, #tpu.memory_space<vmem_shared>>
      %dma_start3A_71 = arith.constant 0 : i32
      %dma_start3A_72 = tpu.memref_slice %arg13[%add3A_31, %dma_start3A_71] : memref<10240x128xf32, #tpu.memory_space<vmem_shared>> -> memref<128x128xf32, #tpu.memory_space<vmem_shared>>
      tpu.enqueue_dma source(%dma_start3A_72 : memref<128x128xf32, #tpu.memory_space<vmem_shared>>) target(%arg7 : memref<128x128xf32, #tpu.memory_space<vmem>>) target_semaphore(%run_scoped3A_68 : memref<!tpu.dma_semaphore, #tpu.memory_space<semaphore_mem>>)
      %dma_wait3A = arith.constant 0 : i32
      %dma_wait3A_73 = tpu.memref_slice %arg13[%add3A_31, %dma_wait3A] : memref<10240x128xf32, #tpu.memory_space<vmem_shared>> -> memref<128x128xf32, #tpu.memory_space<vmem_shared>>
      %dma_wait3A_74 = arith.constant 0 : i32
      %dma_wait3A_75 = tpu.memref_slice %arg13[%add3A_31, %dma_wait3A_74] : memref<10240x128xf32, #tpu.memory_space<vmem_shared>> -> memref<128x128xf32, #tpu.memory_space<vmem_shared>>
      tpu.wait_dma2 semaphore(%run_scoped3A_68 : memref<!tpu.dma_semaphore, #tpu.memory_space<semaphore_mem>>) src(%dma_wait3A_75 : memref<128x128xf32, #tpu.memory_space<vmem_shared>>) dst(%arg7 : memref<128x128xf32, #tpu.memory_space<vmem>>)
      tpu.yield
    }) : () -> ()
    %mul3A_32 = arith.constant 640 : i32
    %mul3A_33 = arith.muli %arg1, %mul3A_32 : i32
    %add3A_34 = arith.constant 0 : i32
    %add3A_35 = arith.addi %mul3A_33, %add3A_34 : i32
    "tpu.region"() ({
      %run_scoped3A_68 = tpu.sem_alloc : memref<!tpu.dma_semaphore, #tpu.memory_space<semaphore_mem>>
      %dma_start3A_69 = arith.constant 0 : i32
      %dma_start3A_70 = tpu.memref_slice %arg6[%arg0, %add3A_35, %dma_start3A_69] : memref<2x10240x128xf32, #tpu.memory_space<hbm>> -> memref<1x128x128xf32, #tpu.memory_space<hbm>>
      %dma_start3A_71 = tpu.memref_squeeze %dma_start3A_70 : memref<1x128x128xf32, #tpu.memory_space<hbm>> -> memref<128x128xf32, #tpu.memory_space<hbm>>
      %dma_start3A_72 = arith.constant 0 : i32
      %dma_start3A_73 = tpu.memref_slice %arg6[%arg0, %add3A_35, %dma_start3A_72] : memref<2x10240x128xf32, #tpu.memory_space<hbm>> -> memref<1x128x128xf32, #tpu.memory_space<hbm>>
      %dma_start3A_74 = tpu.memref_squeeze %dma_start3A_73 : memref<1x128x128xf32, #tpu.memory_space<hbm>> -> memref<128x128xf32, #tpu.memory_space<hbm>>
      tpu.enqueue_dma source(%arg7 : memref<128x128xf32, #tpu.memory_space<vmem>>) target(%dma_start3A_74 : memref<128x128xf32, #tpu.memory_space<hbm>>) target_semaphore(%run_scoped3A_68 : memref<!tpu.dma_semaphore, #tpu.memory_space<semaphore_mem>>)
      %dma_wait3A = arith.constant 0 : i32
      %dma_wait3A_75 = tpu.memref_slice %arg6[%arg0, %add3A_35, %dma_wait3A] : memref<2x10240x128xf32, #tpu.memory_space<hbm>> -> memref<1x128x128xf32, #tpu.memory_space<hbm>>
      %dma_wait3A_76 = tpu.memref_squeeze %dma_wait3A_75 : memref<1x128x128xf32, #tpu.memory_space<hbm>> -> memref<128x128xf32, #tpu.memory_space<hbm>>
      %dma_wait3A_77 = arith.constant 0 : i32
      %dma_wait3A_78 = tpu.memref_slice %arg6[%arg0, %add3A_35, %dma_wait3A_77] : memref<2x10240x128xf32, #tpu.memory_space<hbm>> -> memref<1x128x128xf32, #tpu.memory_space<hbm>>
      %dma_wait3A_79 = tpu.memref_squeeze %dma_wait3A_78 : memref<1x128x128xf32, #tpu.memory_space<hbm>> -> memref<128x128xf32, #tpu.memory_space<hbm>>
      tpu.wait_dma2 semaphore(%run_scoped3A_68 : memref<!tpu.dma_semaphore, #tpu.memory_space<semaphore_mem>>) src(%arg7 : memref<128x128xf32, #tpu.memory_space<vmem>>) dst(%dma_wait3A_79 : memref<128x128xf32, #tpu.memory_space<hbm>>)
      tpu.yield
    }) : () -> ()
    %mul3A_36 = arith.constant 640 : i32
    %mul3A_37 = arith.muli %arg1, %mul3A_36 : i32
    %add3A_38 = arith.constant 128 : i32
    %add3A_39 = arith.addi %mul3A_37, %add3A_38 : i32
    "tpu.region"() ({
      %run_scoped3A_68 = tpu.sem_alloc : memref<!tpu.dma_semaphore, #tpu.memory_space<semaphore_mem>>
      %dma_start3A_69 = arith.constant 0 : i32
      %dma_start3A_70 = tpu.memref_slice %arg13[%add3A_39, %dma_start3A_69] : memref<10240x128xf32, #tpu.memory_space<vmem_shared>> -> memref<128x128xf32, #tpu.memory_space<vmem_shared>>
      %dma_start3A_71 = arith.constant 0 : i32
      %dma_start3A_72 = tpu.memref_slice %arg13[%add3A_39, %dma_start3A_71] : memref<10240x128xf32, #tpu.memory_space<vmem_shared>> -> memref<128x128xf32, #tpu.memory_space<vmem_shared>>
      tpu.enqueue_dma source(%dma_start3A_72 : memref<128x128xf32, #tpu.memory_space<vmem_shared>>) target(%arg7 : memref<128x128xf32, #tpu.memory_space<vmem>>) target_semaphore(%run_scoped3A_68 : memref<!tpu.dma_semaphore, #tpu.memory_space<semaphore_mem>>)
      %dma_wait3A = arith.constant 0 : i32
      %dma_wait3A_73 = tpu.memref_slice %arg13[%add3A_39, %dma_wait3A] : memref<10240x128xf32, #tpu.memory_space<vmem_shared>> -> memref<128x128xf32, #tpu.memory_space<vmem_shared>>
      %dma_wait3A_74 = arith.constant 0 : i32
      %dma_wait3A_75 = tpu.memref_slice %arg13[%add3A_39, %dma_wait3A_74] : memref<10240x128xf32, #tpu.memory_space<vmem_shared>> -> memref<128x128xf32, #tpu.memory_space<vmem_shared>>
      tpu.wait_dma2 semaphore(%run_scoped3A_68 : memref<!tpu.dma_semaphore, #tpu.memory_space<semaphore_mem>>) src(%dma_wait3A_75 : memref<128x128xf32, #tpu.memory_space<vmem_shared>>) dst(%arg7 : memref<128x128xf32, #tpu.memory_space<vmem>>)
      tpu.yield
    }) : () -> ()
    %mul3A_40 = arith.constant 640 : i32
    %mul3A_41 = arith.muli %arg1, %mul3A_40 : i32
    %add3A_42 = arith.constant 128 : i32
    %add3A_43 = arith.addi %mul3A_41, %add3A_42 : i32
    "tpu.region"() ({
      %run_scoped3A_68 = tpu.sem_alloc : memref<!tpu.dma_semaphore, #tpu.memory_space<semaphore_mem>>
      %dma_start3A_69 = arith.constant 0 : i32
      %dma_start3A_70 = tpu.memref_slice %arg6[%arg0, %add3A_43, %dma_start3A_69] : memref<2x10240x128xf32, #tpu.memory_space<hbm>> -> memref<1x128x128xf32, #tpu.memory_space<hbm>>
      %dma_start3A_71 = tpu.memref_squeeze %dma_start3A_70 : memref<1x128x128xf32, #tpu.memory_space<hbm>> -> memref<128x128xf32, #tpu.memory_space<hbm>>
      %dma_start3A_72 = arith.constant 0 : i32
      %dma_start3A_73 = tpu.memref_slice %arg6[%arg0, %add3A_43, %dma_start3A_72] : memref<2x10240x128xf32, #tpu.memory_space<hbm>> -> memref<1x128x128xf32, #tpu.memory_space<hbm>>
      %dma_start3A_74 = tpu.memref_squeeze %dma_start3A_73 : memref<1x128x128xf32, #tpu.memory_space<hbm>> -> memref<128x128xf32, #tpu.memory_space<hbm>>
      tpu.enqueue_dma source(%arg7 : memref<128x128xf32, #tpu.memory_space<vmem>>) target(%dma_start3A_74 : memref<128x128xf32, #tpu.memory_space<hbm>>) target_semaphore(%run_scoped3A_68 : memref<!tpu.dma_semaphore, #tpu.memory_space<semaphore_mem>>)
      %dma_wait3A = arith.constant 0 : i32
      %dma_wait3A_75 = tpu.memref_slice %arg6[%arg0, %add3A_43, %dma_wait3A] : memref<2x10240x128xf32, #tpu.memory_space<hbm>> -> memref<1x128x128xf32, #tpu.memory_space<hbm>>
      %dma_wait3A_76 = tpu.memref_squeeze %dma_wait3A_75 : memref<1x128x128xf32, #tpu.memory_space<hbm>> -> memref<128x128xf32, #tpu.memory_space<hbm>>
      %dma_wait3A_77 = arith.constant 0 : i32
      %dma_wait3A_78 = tpu.memref_slice %arg6[%arg0, %add3A_43, %dma_wait3A_77] : memref<2x10240x128xf32, #tpu.memory_space<hbm>> -> memref<1x128x128xf32, #tpu.memory_space<hbm>>
      %dma_wait3A_79 = tpu.memref_squeeze %dma_wait3A_78 : memref<1x128x128xf32, #tpu.memory_space<hbm>> -> memref<128x128xf32, #tpu.memory_space<hbm>>
      tpu.wait_dma2 semaphore(%run_scoped3A_68 : memref<!tpu.dma_semaphore, #tpu.memory_space<semaphore_mem>>) src(%arg7 : memref<128x128xf32, #tpu.memory_space<vmem>>) dst(%dma_wait3A_79 : memref<128x128xf32, #tpu.memory_space<hbm>>)
      tpu.yield
    }) : () -> ()
    %mul3A_44 = arith.constant 640 : i32
    %mul3A_45 = arith.muli %arg1, %mul3A_44 : i32
    %add3A_46 = arith.constant 256 : i32
    %add3A_47 = arith.addi %mul3A_45, %add3A_46 : i32
    "tpu.region"() ({
      %run_scoped3A_68 = tpu.sem_alloc : memref<!tpu.dma_semaphore, #tpu.memory_space<semaphore_mem>>
      %dma_start3A_69 = arith.constant 0 : i32
      %dma_start3A_70 = tpu.memref_slice %arg13[%add3A_47, %dma_start3A_69] : memref<10240x128xf32, #tpu.memory_space<vmem_shared>> -> memref<128x128xf32, #tpu.memory_space<vmem_shared>>
      %dma_start3A_71 = arith.constant 0 : i32
      %dma_start3A_72 = tpu.memref_slice %arg13[%add3A_47, %dma_start3A_71] : memref<10240x128xf32, #tpu.memory_space<vmem_shared>> -> memref<128x128xf32, #tpu.memory_space<vmem_shared>>
      tpu.enqueue_dma source(%dma_start3A_72 : memref<128x128xf32, #tpu.memory_space<vmem_shared>>) target(%arg7 : memref<128x128xf32, #tpu.memory_space<vmem>>) target_semaphore(%run_scoped3A_68 : memref<!tpu.dma_semaphore, #tpu.memory_space<semaphore_mem>>)
      %dma_wait3A = arith.constant 0 : i32
      %dma_wait3A_73 = tpu.memref_slice %arg13[%add3A_47, %dma_wait3A] : memref<10240x128xf32, #tpu.memory_space<vmem_shared>> -> memref<128x128xf32, #tpu.memory_space<vmem_shared>>
      %dma_wait3A_74 = arith.constant 0 : i32
      %dma_wait3A_75 = tpu.memref_slice %arg13[%add3A_47, %dma_wait3A_74] : memref<10240x128xf32, #tpu.memory_space<vmem_shared>> -> memref<128x128xf32, #tpu.memory_space<vmem_shared>>
      tpu.wait_dma2 semaphore(%run_scoped3A_68 : memref<!tpu.dma_semaphore, #tpu.memory_space<semaphore_mem>>) src(%dma_wait3A_75 : memref<128x128xf32, #tpu.memory_space<vmem_shared>>) dst(%arg7 : memref<128x128xf32, #tpu.memory_space<vmem>>)
      tpu.yield
    }) : () -> ()
    %mul3A_48 = arith.constant 640 : i32
    %mul3A_49 = arith.muli %arg1, %mul3A_48 : i32
    %add3A_50 = arith.constant 256 : i32
    %add3A_51 = arith.addi %mul3A_49, %add3A_50 : i32
    "tpu.region"() ({
      %run_scoped3A_68 = tpu.sem_alloc : memref<!tpu.dma_semaphore, #tpu.memory_space<semaphore_mem>>
      %dma_start3A_69 = arith.constant 0 : i32
      %dma_start3A_70 = tpu.memref_slice %arg6[%arg0, %add3A_51, %dma_start3A_69] : memref<2x10240x128xf32, #tpu.memory_space<hbm>> -> memref<1x128x128xf32, #tpu.memory_space<hbm>>
      %dma_start3A_71 = tpu.memref_squeeze %dma_start3A_70 : memref<1x128x128xf32, #tpu.memory_space<hbm>> -> memref<128x128xf32, #tpu.memory_space<hbm>>
      %dma_start3A_72 = arith.constant 0 : i32
      %dma_start3A_73 = tpu.memref_slice %arg6[%arg0, %add3A_51, %dma_start3A_72] : memref<2x10240x128xf32, #tpu.memory_space<hbm>> -> memref<1x128x128xf32, #tpu.memory_space<hbm>>
      %dma_start3A_74 = tpu.memref_squeeze %dma_start3A_73 : memref<1x128x128xf32, #tpu.memory_space<hbm>> -> memref<128x128xf32, #tpu.memory_space<hbm>>
      tpu.enqueue_dma source(%arg7 : memref<128x128xf32, #tpu.memory_space<vmem>>) target(%dma_start3A_74 : memref<128x128xf32, #tpu.memory_space<hbm>>) target_semaphore(%run_scoped3A_68 : memref<!tpu.dma_semaphore, #tpu.memory_space<semaphore_mem>>)
      %dma_wait3A = arith.constant 0 : i32
      %dma_wait3A_75 = tpu.memref_slice %arg6[%arg0, %add3A_51, %dma_wait3A] : memref<2x10240x128xf32, #tpu.memory_space<hbm>> -> memref<1x128x128xf32, #tpu.memory_space<hbm>>
      %dma_wait3A_76 = tpu.memref_squeeze %dma_wait3A_75 : memref<1x128x128xf32, #tpu.memory_space<hbm>> -> memref<128x128xf32, #tpu.memory_space<hbm>>
      %dma_wait3A_77 = arith.constant 0 : i32
      %dma_wait3A_78 = tpu.memref_slice %arg6[%arg0, %add3A_51, %dma_wait3A_77] : memref<2x10240x128xf32, #tpu.memory_space<hbm>> -> memref<1x128x128xf32, #tpu.memory_space<hbm>>
      %dma_wait3A_79 = tpu.memref_squeeze %dma_wait3A_78 : memref<1x128x128xf32, #tpu.memory_space<hbm>> -> memref<128x128xf32, #tpu.memory_space<hbm>>
      tpu.wait_dma2 semaphore(%run_scoped3A_68 : memref<!tpu.dma_semaphore, #tpu.memory_space<semaphore_mem>>) src(%arg7 : memref<128x128xf32, #tpu.memory_space<vmem>>) dst(%dma_wait3A_79 : memref<128x128xf32, #tpu.memory_space<hbm>>)
      tpu.yield
    }) : () -> ()
    %mul3A_52 = arith.constant 640 : i32
    %mul3A_53 = arith.muli %arg1, %mul3A_52 : i32
    %add3A_54 = arith.constant 384 : i32
    %add3A_55 = arith.addi %mul3A_53, %add3A_54 : i32
    "tpu.region"() ({
      %run_scoped3A_68 = tpu.sem_alloc : memref<!tpu.dma_semaphore, #tpu.memory_space<semaphore_mem>>
      %dma_start3A_69 = arith.constant 0 : i32
      %dma_start3A_70 = tpu.memref_slice %arg13[%add3A_55, %dma_start3A_69] : memref<10240x128xf32, #tpu.memory_space<vmem_shared>> -> memref<128x128xf32, #tpu.memory_space<vmem_shared>>
      %dma_start3A_71 = arith.constant 0 : i32
      %dma_start3A_72 = tpu.memref_slice %arg13[%add3A_55, %dma_start3A_71] : memref<10240x128xf32, #tpu.memory_space<vmem_shared>> -> memref<128x128xf32, #tpu.memory_space<vmem_shared>>
      tpu.enqueue_dma source(%dma_start3A_72 : memref<128x128xf32, #tpu.memory_space<vmem_shared>>) target(%arg7 : memref<128x128xf32, #tpu.memory_space<vmem>>) target_semaphore(%run_scoped3A_68 : memref<!tpu.dma_semaphore, #tpu.memory_space<semaphore_mem>>)
      %dma_wait3A = arith.constant 0 : i32
      %dma_wait3A_73 = tpu.memref_slice %arg13[%add3A_55, %dma_wait3A] : memref<10240x128xf32, #tpu.memory_space<vmem_shared>> -> memref<128x128xf32, #tpu.memory_space<vmem_shared>>
      %dma_wait3A_74 = arith.constant 0 : i32
      %dma_wait3A_75 = tpu.memref_slice %arg13[%add3A_55, %dma_wait3A_74] : memref<10240x128xf32, #tpu.memory_space<vmem_shared>> -> memref<128x128xf32, #tpu.memory_space<vmem_shared>>
      tpu.wait_dma2 semaphore(%run_scoped3A_68 : memref<!tpu.dma_semaphore, #tpu.memory_space<semaphore_mem>>) src(%dma_wait3A_75 : memref<128x128xf32, #tpu.memory_space<vmem_shared>>) dst(%arg7 : memref<128x128xf32, #tpu.memory_space<vmem>>)
      tpu.yield
    }) : () -> ()
    %mul3A_56 = arith.constant 640 : i32
    %mul3A_57 = arith.muli %arg1, %mul3A_56 : i32
    %add3A_58 = arith.constant 384 : i32
    %add3A_59 = arith.addi %mul3A_57, %add3A_58 : i32
    "tpu.region"() ({
      %run_scoped3A_68 = tpu.sem_alloc : memref<!tpu.dma_semaphore, #tpu.memory_space<semaphore_mem>>
      %dma_start3A_69 = arith.constant 0 : i32
      %dma_start3A_70 = tpu.memref_slice %arg6[%arg0, %add3A_59, %dma_start3A_69] : memref<2x10240x128xf32, #tpu.memory_space<hbm>> -> memref<1x128x128xf32, #tpu.memory_space<hbm>>
      %dma_start3A_71 = tpu.memref_squeeze %dma_start3A_70 : memref<1x128x128xf32, #tpu.memory_space<hbm>> -> memref<128x128xf32, #tpu.memory_space<hbm>>
      %dma_start3A_72 = arith.constant 0 : i32
      %dma_start3A_73 = tpu.memref_slice %arg6[%arg0, %add3A_59, %dma_start3A_72] : memref<2x10240x128xf32, #tpu.memory_space<hbm>> -> memref<1x128x128xf32, #tpu.memory_space<hbm>>
      %dma_start3A_74 = tpu.memref_squeeze %dma_start3A_73 : memref<1x128x128xf32, #tpu.memory_space<hbm>> -> memref<128x128xf32, #tpu.memory_space<hbm>>
      tpu.enqueue_dma source(%arg7 : memref<128x128xf32, #tpu.memory_space<vmem>>) target(%dma_start3A_74 : memref<128x128xf32, #tpu.memory_space<hbm>>) target_semaphore(%run_scoped3A_68 : memref<!tpu.dma_semaphore, #tpu.memory_space<semaphore_mem>>)
      %dma_wait3A = arith.constant 0 : i32
      %dma_wait3A_75 = tpu.memref_slice %arg6[%arg0, %add3A_59, %dma_wait3A] : memref<2x10240x128xf32, #tpu.memory_space<hbm>> -> memref<1x128x128xf32, #tpu.memory_space<hbm>>
      %dma_wait3A_76 = tpu.memref_squeeze %dma_wait3A_75 : memref<1x128x128xf32, #tpu.memory_space<hbm>> -> memref<128x128xf32, #tpu.memory_space<hbm>>
      %dma_wait3A_77 = arith.constant 0 : i32
      %dma_wait3A_78 = tpu.memref_slice %arg6[%arg0, %add3A_59, %dma_wait3A_77] : memref<2x10240x128xf32, #tpu.memory_space<hbm>> -> memref<1x128x128xf32, #tpu.memory_space<hbm>>
      %dma_wait3A_79 = tpu.memref_squeeze %dma_wait3A_78 : memref<1x128x128xf32, #tpu.memory_space<hbm>> -> memref<128x128xf32, #tpu.memory_space<hbm>>
      tpu.wait_dma2 semaphore(%run_scoped3A_68 : memref<!tpu.dma_semaphore, #tpu.memory_space<semaphore_mem>>) src(%arg7 : memref<128x128xf32, #tpu.memory_space<vmem>>) dst(%dma_wait3A_79 : memref<128x128xf32, #tpu.memory_space<hbm>>)
      tpu.yield
    }) : () -> ()
    %mul3A_60 = arith.constant 640 : i32
    %mul3A_61 = arith.muli %arg1, %mul3A_60 : i32
    %add3A_62 = arith.constant 512 : i32
    %add3A_63 = arith.addi %mul3A_61, %add3A_62 : i32
    "tpu.region"() ({
      %run_scoped3A_68 = tpu.sem_alloc : memref<!tpu.dma_semaphore, #tpu.memory_space<semaphore_mem>>
      %dma_start3A_69 = arith.constant 0 : i32
      %dma_start3A_70 = tpu.memref_slice %arg13[%add3A_63, %dma_start3A_69] : memref<10240x128xf32, #tpu.memory_space<vmem_shared>> -> memref<128x128xf32, #tpu.memory_space<vmem_shared>>
      %dma_start3A_71 = arith.constant 0 : i32
      %dma_start3A_72 = tpu.memref_slice %arg13[%add3A_63, %dma_start3A_71] : memref<10240x128xf32, #tpu.memory_space<vmem_shared>> -> memref<128x128xf32, #tpu.memory_space<vmem_shared>>
      tpu.enqueue_dma source(%dma_start3A_72 : memref<128x128xf32, #tpu.memory_space<vmem_shared>>) target(%arg7 : memref<128x128xf32, #tpu.memory_space<vmem>>) target_semaphore(%run_scoped3A_68 : memref<!tpu.dma_semaphore, #tpu.memory_space<semaphore_mem>>)
      %dma_wait3A = arith.constant 0 : i32
      %dma_wait3A_73 = tpu.memref_slice %arg13[%add3A_63, %dma_wait3A] : memref<10240x128xf32, #tpu.memory_space<vmem_shared>> -> memref<128x128xf32, #tpu.memory_space<vmem_shared>>
      %dma_wait3A_74 = arith.constant 0 : i32
      %dma_wait3A_75 = tpu.memref_slice %arg13[%add3A_63, %dma_wait3A_74] : memref<10240x128xf32, #tpu.memory_space<vmem_shared>> -> memref<128x128xf32, #tpu.memory_space<vmem_shared>>
      tpu.wait_dma2 semaphore(%run_scoped3A_68 : memref<!tpu.dma_semaphore, #tpu.memory_space<semaphore_mem>>) src(%dma_wait3A_75 : memref<128x128xf32, #tpu.memory_space<vmem_shared>>) dst(%arg7 : memref<128x128xf32, #tpu.memory_space<vmem>>)
      tpu.yield
    }) : () -> ()
    %mul3A_64 = arith.constant 640 : i32
    %mul3A_65 = arith.muli %arg1, %mul3A_64 : i32
    %add3A_66 = arith.constant 512 : i32
    %add3A_67 = arith.addi %mul3A_65, %add3A_66 : i32
    "tpu.region"() ({
      %run_scoped3A_68 = tpu.sem_alloc : memref<!tpu.dma_semaphore, #tpu.memory_space<semaphore_mem>>
      %dma_start3A_69 = arith.constant 0 : i32
      %dma_start3A_70 = tpu.memref_slice %arg6[%arg0, %add3A_67, %dma_start3A_69] : memref<2x10240x128xf32, #tpu.memory_space<hbm>> -> memref<1x128x128xf32, #tpu.memory_space<hbm>>
      %dma_start3A_71 = tpu.memref_squeeze %dma_start3A_70 : memref<1x128x128xf32, #tpu.memory_space<hbm>> -> memref<128x128xf32, #tpu.memory_space<hbm>>
      %dma_start3A_72 = arith.constant 0 : i32
      %dma_start3A_73 = tpu.memref_slice %arg6[%arg0, %add3A_67, %dma_start3A_72] : memref<2x10240x128xf32, #tpu.memory_space<hbm>> -> memref<1x128x128xf32, #tpu.memory_space<hbm>>
      %dma_start3A_74 = tpu.memref_squeeze %dma_start3A_73 : memref<1x128x128xf32, #tpu.memory_space<hbm>> -> memref<128x128xf32, #tpu.memory_space<hbm>>
      tpu.enqueue_dma source(%arg7 : memref<128x128xf32, #tpu.memory_space<vmem>>) target(%dma_start3A_74 : memref<128x128xf32, #tpu.memory_space<hbm>>) target_semaphore(%run_scoped3A_68 : memref<!tpu.dma_semaphore, #tpu.memory_space<semaphore_mem>>)
      %dma_wait3A = arith.constant 0 : i32
      %dma_wait3A_75 = tpu.memref_slice %arg6[%arg0, %add3A_67, %dma_wait3A] : memref<2x10240x128xf32, #tpu.memory_space<hbm>> -> memref<1x128x128xf32, #tpu.memory_space<hbm>>
      %dma_wait3A_76 = tpu.memref_squeeze %dma_wait3A_75 : memref<1x128x128xf32, #tpu.memory_space<hbm>> -> memref<128x128xf32, #tpu.memory_space<hbm>>
      %dma_wait3A_77 = arith.constant 0 : i32
      %dma_wait3A_78 = tpu.memref_slice %arg6[%arg0, %add3A_67, %dma_wait3A_77] : memref<2x10240x128xf32, #tpu.memory_space<hbm>> -> memref<1x128x128xf32, #tpu.memory_space<hbm>>
      %dma_wait3A_79 = tpu.memref_squeeze %dma_wait3A_78 : memref<1x128x128xf32, #tpu.memory_space<hbm>> -> memref<128x128xf32, #tpu.memory_space<hbm>>
      tpu.wait_dma2 semaphore(%run_scoped3A_68 : memref<!tpu.dma_semaphore, #tpu.memory_space<semaphore_mem>>) src(%arg7 : memref<128x128xf32, #tpu.memory_space<vmem>>) dst(%dma_wait3A_79 : memref<128x128xf32, #tpu.memory_space<hbm>>)
      tpu.yield
    }) : () -> ()
    return
  }
}

module attributes {stable_mosaic.version = 14 : i64} {
  func.func @_tc2_body(%arg0: i32, %arg1: memref<2x400x128xf32, #tpu.memory_space<vmem>>, %arg2: memref<2x400x128xf32, #tpu.memory_space<vmem>>, %arg3: memref<400x256xf32, #tpu.memory_space<vmem>>, %arg4: memref<128x256xf32, #tpu.memory_space<vmem>>, %arg5: memref<1x128xf32, #tpu.memory_space<vmem>>, %arg6: memref<400x128xf32, #tpu.memory_space<vmem>>) attributes {dimension_semantics = [#tpu.dimension_semantics<arbitrary>], iteration_bounds = array<i64: 25>, scalar_prefetch = 0 : i64, scratch_operands = 0 : i64, tpu.core_type = #tpu.core_type<tc>, window_params = [{transform_indices = @transform_0, window_bounds = array<i64: 2, 400, 128>}, {transform_indices = @transform_1, window_bounds = array<i64: 2, 400, 128>}, {transform_indices = @transform_2, window_bounds = array<i64: 400, 256>}, {pipeline_mode = #tpu.pipeline_mode<synchronous>, transform_indices = @transform_3, window_bounds = array<i64: 128, 256>}, {pipeline_mode = #tpu.pipeline_mode<synchronous>, transform_indices = @transform_4, window_bounds = array<i64: 1, 128>}, {transform_indices = @transform_5, window_bounds = array<i64: 400, 128>}]} {
    %get3A = arith.constant 0 : index
    %get3A_0 = arith.constant 0 : index
    %get3A_1 = arith.constant 0 : index
    %get3A_2 = vector.load %arg2[%get3A, %get3A_0, %get3A_1] : memref<2x400x128xf32, #tpu.memory_space<vmem>>, vector<1x400x128xf32>
    %get3A_3 = vector.shape_cast %get3A_2 : vector<1x400x128xf32> to vector<400x128xf32>
    %slice3A = vector.extract_strided_slice %get3A_3 {offsets = [0, 0], sizes = [400, 1], strides = [1, 1]} : vector<400x128xf32> to vector<400x1xf32>
    %get3A_4 = arith.constant 1 : index
    %get3A_5 = arith.constant 0 : index
    %get3A_6 = arith.constant 0 : index
    %get3A_7 = vector.load %arg2[%get3A_4, %get3A_5, %get3A_6] : memref<2x400x128xf32, #tpu.memory_space<vmem>>, vector<1x400x128xf32>
    %get3A_8 = vector.shape_cast %get3A_7 : vector<1x400x128xf32> to vector<400x128xf32>
    %slice3A_9 = vector.extract_strided_slice %get3A_8 {offsets = [0, 0], sizes = [400, 1], strides = [1, 1]} : vector<400x128xf32> to vector<400x1xf32>
    %add3A = arith.addf %slice3A, %slice3A_9 : vector<400x1xf32>
    %max3A = arith.constant 1.000000e+00 : f32
    %max3A_10 = vector.broadcast %max3A : f32 to vector<400x1xf32>
    %max3A_11 = arith.maximumf %add3A, %max3A_10 : vector<400x1xf32>
    %div3A = arith.constant 1.000000e+00 : f32
    %div3A_12 = vector.broadcast %div3A : f32 to vector<400x1xf32>
    %div3A_13 = arith.divf %div3A_12, %max3A_11 : vector<400x1xf32>
    %get3A_14 = arith.constant 0 : index
    %get3A_15 = arith.constant 0 : index
    %get3A_16 = arith.constant 0 : index
    %get3A_17 = vector.load %arg1[%get3A_14, %get3A_15, %get3A_16] : memref<2x400x128xf32, #tpu.memory_space<vmem>>, vector<1x400x128xf32>
    %get3A_18 = vector.shape_cast %get3A_17 : vector<1x400x128xf32> to vector<400x128xf32>
    %get3A_19 = arith.constant 1 : index
    %get3A_20 = arith.constant 0 : index
    %get3A_21 = arith.constant 0 : index
    %get3A_22 = vector.load %arg1[%get3A_19, %get3A_20, %get3A_21] : memref<2x400x128xf32, #tpu.memory_space<vmem>>, vector<1x400x128xf32>
    %get3A_23 = vector.shape_cast %get3A_22 : vector<1x400x128xf32> to vector<400x128xf32>
    %add3A_24 = arith.addf %get3A_18, %get3A_23 : vector<400x128xf32>
    %mul3A = vector.broadcast %div3A_13 : vector<400x1xf32> to vector<400x128xf32>
    %mul3A_25 = arith.mulf %add3A_24, %mul3A : vector<400x128xf32>
    %get3A_26 = arith.constant 0 : index
    %get3A_27 = arith.constant 0 : index
    %get3A_28 = vector.load %arg5[%get3A_26, %get3A_27] : memref<1x128xf32, #tpu.memory_space<vmem>>, vector<1x128xf32>
    %add3A_29 = vector.broadcast %get3A_28 : vector<1x128xf32> to vector<400x128xf32>
    %add3A_30 = arith.addf %mul3A_25, %add3A_29 : vector<400x128xf32>
    %get3A_31 = arith.constant 0 : index
    %get3A_32 = arith.constant 0 : index
    %get3A_33 = vector.load %arg3[%get3A_31, %get3A_32] : memref<400x256xf32, #tpu.memory_space<vmem>>, vector<400x256xf32>
    %get3A_34 = arith.constant 0 : index
    %get3A_35 = arith.constant 0 : index
    %get3A_36 = vector.load %arg4[%get3A_34, %get3A_35] : memref<128x256xf32, #tpu.memory_space<vmem>>, vector<128x256xf32>
    %dot_general3A = arith.constant dense<0.000000e+00> : vector<400x128xf32>
    %dot_general3A_37 = tpu.matmul %get3A_33, %get3A_36, %dot_general3A {dimension_numbers = #tpu.dot_dimension_numbers<[1], [1], [0], [0], [0, 0, 1, 0], [], []>, precision = #tpu.contract_precision<fp32>, transpose_lhs_hint = false} : vector<400x256xf32>, vector<128x256xf32>, vector<400x128xf32> -> vector<400x128xf32>
    %add3A_38 = arith.addf %add3A_30, %dot_general3A_37 : vector<400x128xf32>
    %swap3A = arith.constant 0 : index
    %swap3A_39 = arith.constant 0 : index
    %swap3A_40 = vector.load %arg6[%swap3A, %swap3A_39] : memref<400x128xf32, #tpu.memory_space<vmem>>, vector<400x128xf32>
    tpu.vector_store %arg6[%swap3A, %swap3A_39], %add3A_38 {strides = array<i32>} : memref<400x128xf32, #tpu.memory_space<vmem>>, vector<400x128xf32>,
    return
  }
  func.func @transform_0(%arg0: i32) -> (i32, i32, i32) {
    %c0_i32 = arith.constant 0 : i32
    %c0_i32_0 = arith.constant 0 : i32
    %c0_i32_1 = arith.constant 0 : i32
    return %c0_i32, %arg0, %c0_i32_0 : i32, i32, i32
  }
  func.func @transform_1(%arg0: i32) -> (i32, i32, i32) {
    %c0_i32 = arith.constant 0 : i32
    %c0_i32_0 = arith.constant 0 : i32
    %c0_i32_1 = arith.constant 0 : i32
    return %c0_i32, %arg0, %c0_i32_0 : i32, i32, i32
  }
  func.func @transform_2(%arg0: i32) -> (i32, i32) {
    %c0_i32 = arith.constant 0 : i32
    %c0_i32_0 = arith.constant 0 : i32
    return %arg0, %c0_i32 : i32, i32
  }
  func.func @transform_3(%arg0: i32) -> (i32, i32) {
    %c0_i32 = arith.constant 0 : i32
    %c0_i32_0 = arith.constant 0 : i32
    %c0_i32_1 = arith.constant 0 : i32
    return %c0_i32, %c0_i32_0 : i32, i32
  }
  func.func @transform_4(%arg0: i32) -> (i32, i32) {
    %c0_i32 = arith.constant 0 : i32
    %c0_i32_0 = arith.constant 0 : i32
    %c0_i32_1 = arith.constant 0 : i32
    return %c0_i32, %c0_i32_0 : i32, i32
  }
  func.func @transform_5(%arg0: i32) -> (i32, i32) {
    %c0_i32 = arith.constant 0 : i32
    %c0_i32_0 = arith.constant 0 : i32
    return %arg0, %c0_i32 : i32, i32
  }
}

module attributes {stable_mosaic.version = 14 : i64} {
  func.func @_tc1_body(%arg0: i32, %arg1: memref<2x400x128xf32, #tpu.memory_space<vmem>>, %arg2: memref<2x400x128xf32, #tpu.memory_space<vmem>>, %arg3: memref<400x128xf32, #tpu.memory_space<vmem>>, %arg4: memref<256x128xf32, #tpu.memory_space<vmem>>, %arg5: memref<1x256xf32, #tpu.memory_space<vmem>>, %arg6: memref<256x128xf32, #tpu.memory_space<vmem>>, %arg7: memref<128x256xf32, #tpu.memory_space<vmem>>, %arg8: memref<400x256xf32, #tpu.memory_space<vmem>>, %arg9: memref<400x128xf32, #tpu.memory_space<vmem>>) attributes {dimension_semantics = [#tpu.dimension_semantics<arbitrary>], iteration_bounds = array<i64: 25>, scalar_prefetch = 0 : i64, scratch_operands = 0 : i64, tpu.core_type = #tpu.core_type<tc>, window_params = [{transform_indices = @transform_0, window_bounds = array<i64: 2, 400, 128>}, {transform_indices = @transform_1, window_bounds = array<i64: 2, 400, 128>}, {transform_indices = @transform_2, window_bounds = array<i64: 400, 128>}, {pipeline_mode = #tpu.pipeline_mode<synchronous>, transform_indices = @transform_3, window_bounds = array<i64: 256, 128>}, {pipeline_mode = #tpu.pipeline_mode<synchronous>, transform_indices = @transform_4, window_bounds = array<i64: 1, 256>}, {pipeline_mode = #tpu.pipeline_mode<synchronous>, transform_indices = @transform_5, window_bounds = array<i64: 256, 128>}, {pipeline_mode = #tpu.pipeline_mode<synchronous>, transform_indices = @transform_6, window_bounds = array<i64: 128, 256>}, {transform_indices = @transform_7, window_bounds = array<i64: 400, 256>}, {transform_indices = @transform_8, window_bounds = array<i64: 400, 128>}]} {
    %get3A = arith.constant 0 : index
    %get3A_0 = arith.constant 0 : index
    %get3A_1 = arith.constant 0 : index
    %get3A_2 = vector.load %arg2[%get3A, %get3A_0, %get3A_1] : memref<2x400x128xf32, #tpu.memory_space<vmem>>, vector<1x400x128xf32>
    %get3A_3 = vector.shape_cast %get3A_2 : vector<1x400x128xf32> to vector<400x128xf32>
    %slice3A = vector.extract_strided_slice %get3A_3 {offsets = [0, 0], sizes = [400, 1], strides = [1, 1]} : vector<400x128xf32> to vector<400x1xf32>
    %get3A_4 = arith.constant 1 : index
    %get3A_5 = arith.constant 0 : index
    %get3A_6 = arith.constant 0 : index
    %get3A_7 = vector.load %arg2[%get3A_4, %get3A_5, %get3A_6] : memref<2x400x128xf32, #tpu.memory_space<vmem>>, vector<1x400x128xf32>
    %get3A_8 = vector.shape_cast %get3A_7 : vector<1x400x128xf32> to vector<400x128xf32>
    %slice3A_9 = vector.extract_strided_slice %get3A_8 {offsets = [0, 0], sizes = [400, 1], strides = [1, 1]} : vector<400x128xf32> to vector<400x1xf32>
    %add3A = arith.addf %slice3A, %slice3A_9 : vector<400x1xf32>
    %max3A = arith.constant 1.000000e+00 : f32
    %max3A_10 = vector.broadcast %max3A : f32 to vector<400x1xf32>
    %max3A_11 = arith.maximumf %add3A, %max3A_10 : vector<400x1xf32>
    %div3A = arith.constant 1.000000e+00 : f32
    %div3A_12 = vector.broadcast %div3A : f32 to vector<400x1xf32>
    %div3A_13 = arith.divf %div3A_12, %max3A_11 : vector<400x1xf32>
    %get3A_14 = arith.constant 0 : index
    %get3A_15 = arith.constant 0 : index
    %get3A_16 = arith.constant 0 : index
    %get3A_17 = vector.load %arg1[%get3A_14, %get3A_15, %get3A_16] : memref<2x400x128xf32, #tpu.memory_space<vmem>>, vector<1x400x128xf32>
    %get3A_18 = vector.shape_cast %get3A_17 : vector<1x400x128xf32> to vector<400x128xf32>
    %get3A_19 = arith.constant 1 : index
    %get3A_20 = arith.constant 0 : index
    %get3A_21 = arith.constant 0 : index
    %get3A_22 = vector.load %arg1[%get3A_19, %get3A_20, %get3A_21] : memref<2x400x128xf32, #tpu.memory_space<vmem>>, vector<1x400x128xf32>
    %get3A_23 = vector.shape_cast %get3A_22 : vector<1x400x128xf32> to vector<400x128xf32>
    %add3A_24 = arith.addf %get3A_18, %get3A_23 : vector<400x128xf32>
    %mul3A = vector.broadcast %div3A_13 : vector<400x1xf32> to vector<400x128xf32>
    %mul3A_25 = arith.mulf %add3A_24, %mul3A : vector<400x128xf32>
    %get3A_26 = arith.constant 0 : index
    %get3A_27 = arith.constant 0 : index
    %get3A_28 = vector.load %arg4[%get3A_26, %get3A_27] : memref<256x128xf32, #tpu.memory_space<vmem>>, vector<256x128xf32>
    %dot_general3A = arith.constant dense<0.000000e+00> : vector<400x256xf32>
    %dot_general3A_29 = tpu.matmul %mul3A_25, %get3A_28, %dot_general3A {dimension_numbers = #tpu.dot_dimension_numbers<[1], [1], [0], [0], [0, 0, 1, 0], [], []>, precision = #tpu.contract_precision<fp32>, transpose_lhs_hint = false} : vector<400x128xf32>, vector<256x128xf32>, vector<400x256xf32> -> vector<400x256xf32>
    %get3A_30 = arith.constant 0 : index
    %get3A_31 = arith.constant 0 : index
    %get3A_32 = vector.load %arg3[%get3A_30, %get3A_31] : memref<400x128xf32, #tpu.memory_space<vmem>>, vector<400x128xf32>
    %get3A_33 = arith.constant 0 : index
    %get3A_34 = arith.constant 0 : index
    %get3A_35 = vector.load %arg6[%get3A_33, %get3A_34] : memref<256x128xf32, #tpu.memory_space<vmem>>, vector<256x128xf32>
    %dot_general3A_36 = arith.constant dense<0.000000e+00> : vector<400x256xf32>
    %dot_general3A_37 = tpu.matmul %get3A_32, %get3A_35, %dot_general3A_36 {dimension_numbers = #tpu.dot_dimension_numbers<[1], [1], [0], [0], [0, 0, 1, 0], [], []>, precision = #tpu.contract_precision<fp32>, transpose_lhs_hint = false} : vector<400x128xf32>, vector<256x128xf32>, vector<400x256xf32> -> vector<400x256xf32>
    %add3A_38 = arith.addf %dot_general3A_29, %dot_general3A_37 : vector<400x256xf32>
    %get3A_39 = arith.constant 0 : index
    %get3A_40 = arith.constant 0 : index
    %get3A_41 = vector.load %arg5[%get3A_39, %get3A_40] : memref<1x256xf32, #tpu.memory_space<vmem>>, vector<1x256xf32>
    %add3A_42 = vector.broadcast %get3A_41 : vector<1x256xf32> to vector<400x256xf32>
    %add3A_43 = arith.addf %add3A_38, %add3A_42 : vector<400x256xf32>
    %max3A_44 = arith.constant 0.000000e+00 : f32
    %max3A_45 = vector.broadcast %max3A_44 : f32 to vector<400x256xf32>
    %max3A_46 = arith.maximumf %add3A_43, %max3A_45 : vector<400x256xf32>
    %swap3A = arith.constant 0 : index
    %swap3A_47 = arith.constant 0 : index
    %swap3A_48 = vector.load %arg8[%swap3A, %swap3A_47] : memref<400x256xf32, #tpu.memory_space<vmem>>, vector<400x256xf32>
    tpu.vector_store %arg8[%swap3A, %swap3A_47], %max3A_46 {strides = array<i32>} : memref<400x256xf32, #tpu.memory_space<vmem>>, vector<400x256xf32>,
    %get3A_49 = arith.constant 0 : index
    %get3A_50 = arith.constant 0 : index
    %get3A_51 = vector.load %arg7[%get3A_49, %get3A_50] : memref<128x256xf32, #tpu.memory_space<vmem>>, vector<128x256xf32>
    %dot_general3A_52 = arith.constant dense<0.000000e+00> : vector<400x128xf32>
    %dot_general3A_53 = tpu.matmul %max3A_46, %get3A_51, %dot_general3A_52 {dimension_numbers = #tpu.dot_dimension_numbers<[1], [1], [0], [0], [0, 0, 1, 0], [], []>, precision = #tpu.contract_precision<fp32>, transpose_lhs_hint = false} : vector<400x256xf32>, vector<128x256xf32>, vector<400x128xf32> -> vector<400x128xf32>
    %swap3A_54 = arith.constant 0 : index
    %swap3A_55 = arith.constant 0 : index
    %swap3A_56 = vector.load %arg9[%swap3A_54, %swap3A_55] : memref<400x128xf32, #tpu.memory_space<vmem>>, vector<400x128xf32>
    tpu.vector_store %arg9[%swap3A_54, %swap3A_55], %dot_general3A_53 {strides = array<i32>} : memref<400x128xf32, #tpu.memory_space<vmem>>, vector<400x128xf32>,
    return
  }
  func.func @transform_0(%arg0: i32) -> (i32, i32, i32) {
    %c0_i32 = arith.constant 0 : i32
    %c0_i32_0 = arith.constant 0 : i32
    %c0_i32_1 = arith.constant 0 : i32
    return %c0_i32, %arg0, %c0_i32_0 : i32, i32, i32
  }
  func.func @transform_1(%arg0: i32) -> (i32, i32, i32) {
    %c0_i32 = arith.constant 0 : i32
    %c0_i32_0 = arith.constant 0 : i32
    %c0_i32_1 = arith.constant 0 : i32
    return %c0_i32, %arg0, %c0_i32_0 : i32, i32, i32
  }
  func.func @transform_2(%arg0: i32) -> (i32, i32) {
    %c0_i32 = arith.constant 0 : i32
    %c0_i32_0 = arith.constant 0 : i32
    return %arg0, %c0_i32 : i32, i32
  }
  func.func @transform_3(%arg0: i32) -> (i32, i32) {
    %c0_i32 = arith.constant 0 : i32
    %c0_i32_0 = arith.constant 0 : i32
    %c0_i32_1 = arith.constant 0 : i32
    return %c0_i32, %c0_i32_0 : i32, i32
  }
  func.func @transform_4(%arg0: i32) -> (i32, i32) {
    %c0_i32 = arith.constant 0 : i32
    %c0_i32_0 = arith.constant 0 : i32
    %c0_i32_1 = arith.constant 0 : i32
    return %c0_i32, %c0_i32_0 : i32, i32
  }
  func.func @transform_5(%arg0: i32) -> (i32, i32) {
    %c0_i32 = arith.constant 0 : i32
    %c0_i32_0 = arith.constant 0 : i32
    %c0_i32_1 = arith.constant 0 : i32
    return %c0_i32, %c0_i32_0 : i32, i32
  }
  func.func @transform_6(%arg0: i32) -> (i32, i32) {
    %c0_i32 = arith.constant 0 : i32
    %c0_i32_0 = arith.constant 0 : i32
    %c0_i32_1 = arith.constant 0 : i32
    return %c0_i32, %c0_i32_0 : i32, i32
  }
  func.func @transform_7(%arg0: i32) -> (i32, i32) {
    %c0_i32 = arith.constant 0 : i32
    %c0_i32_0 = arith.constant 0 : i32
    return %arg0, %c0_i32 : i32, i32
  }
  func.func @transform_8(%arg0: i32) -> (i32, i32) {
    %c0_i32 = arith.constant 0 : i32
    %c0_i32_0 = arith.constant 0 : i32
    return %arg0, %c0_i32 : i32, i32
  }
}

</mosaic_0001>

<sc_bundles>
// kernel: kernel.10.cloned.1.call-start
scs
__scs_entry_jumppad:
0x0: {  	(pc) =	sbr.rel $0x88, $3  }
0x1: {  	(tag) =	ssettag $0x0;
	lr =	simm.s32 $0x1  }
0x2: {  	[smem:$0x3F99] =	sst lr;
	_ =	strace $0xD0000000  }
0x3: {  	_ = 	snop  }
0x4: {  	_ = 	snop  }
0x5: {  	_ = 	snop  }
0x6: {  	_ = 	snop  }
0x7: {  	_ = 	snop  }
__scs_overlays_trampoline_lowered:
0x8: {  	[smem:$0x3FA8] =	sst s0  }
0x9: {  	[smem:$0x3FA9] =	sst s1  }
0xa: {  	[smem:$0x3FAA] =	sst s2  }
0xb: {  	[smem:$0x3FAB] =	sst s3  }
0xc: {  	[smem:$0x3FAC] =	sst s4  }
0xd: {  	[smem:$0x3FAD] =	sst s5  }
0xe: {  	[smem:$0x3FAE] =	sst s6  }
0xf: {  	[smem:$0x3FAF] =	sst s7  }
0x10: {  	[smem:$0x3FB0] =	sst s8  }
0x11: {  	[smem:$0x3FB1] =	sst s9;
	s0 =	simm.s32 @!p0 $0x0  }
0x12: {  	s1 =	sld [smem:$0x3F97];
	s0 =	simm.s32 @p0 $0x1  }
0x13: {  	[smem:$0x3FB2] =	sst s0;
	s0 =	simm.s32 @!p1 $0x0  }
0x14: {  	s2 =	sld [smem:$0x3F96];
	s0 =	simm.s32 @p1 $0x1  }
0x15: {  	[smem:$0x3FB3] =	sst s0;
	s0 =	simm.s32 @!p2 $0x0  }
0x16: {  	s3 =	sld [smem:$0x3FDB];
	s0 =	simm.s32 @p2 $0x1  }
0x17: {  	s4 =	simm.s32 $0x1BF5;
	[smem:$0x3FB5] =	sst s0  }
0x18: {  	s0 =	sld [smem:$0x3F98];
	_ =	swait.ge [sflag:s4], $0x0  }
0x19: {  	s7 =	sld [smem:$0x3F99]  }
0x1a: {  	s8 =	sadd.s32 $0xFFFFE003, lr  }
0x1b: {  	s9 =	sadd.s32 $0xFFFFFEF7, lr;
	s5 =	simm.s32 $0xFFFFFFFF;
	p2 =	slt.u32 s8, $0xFFFFF086  }
0x1c: {  	p1 =	slt.u32 s9, $0xF7A;
	s5 =	simm.s32 @!p2 $0x0  }
0x1d: {  	s5 =	simm.s32 @p1 $0x1;
	p0 =	seq.s32 s7, s2  }
0x1e: {  	s7 =	smul.u32 @!p0 $0xF7A, s2;
	p2 =	seq.s32 @!p0 s5, $0x0  }
0x1f: {  	s9 =	smul.u32 $0xF7A, s1;
	s8 =	simm.s32 @!p0 $0x1BF5;
	p2 =	por !p2, p0  }
0x20: {  	[sflag:s8] =	ssyncset.s32 @!p0 $0xFFFFF086;
	s6 =	sadd.s32 @!p0 s3, s7;
	s7 =	simm.s32 @!p0 $0x108  }
0x21: {  	s3 =	sadd.s32 s3, s9;
	s6 =	sadd.s32 @!p0 $0x88, s6;
	s7 =	simm.s32 @p2 $0x1082  }
0x22: {  	[simem:s7], [sflag:s8] =	dma.local @!p0 [hbm:s6], $0xF7A  }
0x23: {  	s9 =	sor.u32 $0xD0000000, s2;
	s6 =	simm.s32 $0x108;
	_ =	swait.ge @!p0 [sflag:s8], $0x0  }
0x24: {  	s3 =	sadd.s32 $0x88, s3;
	s6 =	simm.s32 @!p1 $0x1082;
	[sflag:s4] =	ssyncset.s32 $0xFFFFF086  }
0x25: {  	[simem:s6], [sflag:s4] =	dma.local [hbm:s3], $0xF7A  }
0x26: {  	[smem:$0x3F99] =	sst s1;
	(tag) =	ssettag s2;
	_ =	strace s9  }
0x27: {  	s1 =	sld [smem:$0x3FA9]  }
0x28: {  	s2 =	sld [smem:$0x3FAA]  }
0x29: {  	s4 =	sld [smem:$0x3FAC]  }
0x2a: {  	p0 =	seq.s32 s5, $0x0;
	s5 =	sld [smem:$0x3FAD]  }
0x2b: {  	s6 =	sld [smem:$0x3FAE]  }
0x2c: {  	s7 =	sld [smem:$0x3FAF]  }
0x2d: {  	s3 =	simm.s32 $0x108;
	s8 =	sld [smem:$0x3FB0]  }
0x2e: {  	s3 =	simm.s32 @!p0 $0x1082;
	s9 =	sld [smem:$0x3FB1]  }
0x2f: {  	lr =	sadd.s32 s0, s3;
	s0 =	sld [smem:$0x3FA8]  }
0x30: {  	s3 =	sld [smem:$0x3FAB]  }
0x31: {  	[smem:$0x3FB4] =	sst s10  }
0x32: {  	s10 =	sld [smem:$0x3FB2];
	_ =	sdelay $0x3  }
0x33: {  	p0 =	seq.s32 s10, $0x1;
	s10 =	sld [smem:$0x3FB4];
	_ =	sdelay $0x3  }
0x34: {  	[smem:$0x3FB4] =	sst s10  }
0x35: {  	s10 =	sld [smem:$0x3FB3];
	_ =	sdelay $0x3  }
0x36: {  	p1 =	seq.s32 s10, $0x1;
	s10 =	sld [smem:$0x3FB4];
	_ =	sdelay $0x3  }
0x37: {  	[smem:$0x3FB4] =	sst s10  }
0x38: {  	s10 =	sld [smem:$0x3FB5]  }
0x39: {  	_ = 	snop;
	(pc) =	sbr.ind lr, $3  }
0x3a: {  	_ = 	snop  }
0x3b: {  	_ = 	snop  }
0x3c: {  	p2 =	seq.s32 s10, $0x1;
	s10 =	sld [smem:$0x3FB4]  }
0x3d: {  	_ =	shalt  }
0x3e: {  	_ =	shalt  }
0x3f: {  	_ =	shalt  }
0x40: {  	_ =	shalt  }
0x41: {  	_ =	shalt  }
0x42: {  	_ =	shalt  }
0x43: {  	_ =	shalt  }
0x44: {  	_ =	shalt  }
0x45: {  	_ =	shalt  }
0x46: {  	_ =	shalt  }
0x47: {  	_ =	shalt  }
0x48: {  	_ =	shalt  }
0x49: {  	_ =	shalt  }
0x4a: {  	_ =	shalt  }
0x4b: {  	_ =	shalt  }
0x4c: {  	_ =	shalt  }
0x4d: {  	_ =	shalt  }
0x4e: {  	_ =	shalt  }
0x4f: {  	_ =	shalt  }
0x50: {  	_ =	shalt  }
0x51: {  	_ =	shalt  }
0x52: {  	_ =	shalt  }
0x53: {  	_ =	shalt  }
0x54: {  	_ =	shalt  }
0x55: {  	_ =	shalt  }
0x56: {  	_ =	shalt  }
0x57: {  	_ =	shalt  }
0x58: {  	_ =	shalt  }
0x59: {  	_ =	shalt  }
0x5a: {  	_ =	shalt  }
0x5b: {  	_ =	shalt  }
0x5c: {  	_ =	shalt  }
0x5d: {  	_ =	shalt  }
0x5e: {  	_ =	shalt  }
0x5f: {  	_ =	shalt  }
0x60: {  	_ =	shalt  }
0x61: {  	_ =	shalt  }
0x62: {  	_ =	shalt  }
0x63: {  	_ =	shalt  }
0x64: {  	_ =	shalt  }
0x65: {  	_ =	shalt  }
0x66: {  	_ =	shalt  }
0x67: {  	_ =	shalt  }
0x68: {  	_ =	shalt  }
0x69: {  	_ =	shalt  }
0x6a: {  	_ =	shalt  }
0x6b: {  	_ =	shalt  }
0x6c: {  	_ =	shalt  }
0x6d: {  	_ =	shalt  }
0x6e: {  	_ =	shalt  }
0x6f: {  	_ =	shalt  }
0x70: {  	_ =	shalt  }
0x71: {  	_ =	shalt  }
0x72: {  	_ =	shalt  }
0x73: {  	_ =	shalt  }
0x74: {  	_ =	shalt  }
0x75: {  	_ =	shalt  }
0x76: {  	_ =	shalt  }
0x77: {  	_ =	shalt  }
0x78: {  	_ =	shalt  }
0x79: {  	_ =	shalt  }
0x7a: {  	_ =	shalt  }
0x7b: {  	_ =	shalt  }
0x7c: {  	_ =	shalt  }
0x7d: {  	_ =	shalt  }
0x7e: {  	_ =	shalt  }
0x7f: {  	_ =	shalt  }
0x80: {  	_ =	shalt  }
0x81: {  	_ =	shalt  }
0x82: {  	_ =	shalt  }
0x83: {  	_ =	shalt  }
0x84: {  	_ =	shalt  }
0x85: {  	_ =	shalt  }
0x86: {  	_ =	shalt  }
0x87: {  	_ =	shalt  }
.Lfunc_end0:
.L_simem_size_0:
called_computation.1_lowered:
.L_overlay_start_0:
0x88: {  	s2 =	sld [smem:$0x3FD9]  }
0x89: {  	s3 =	sld [smem:$0x3FFE];
	_ =	sdelay $0x1  }
0x8a: {  	s1 =	srdreg.scid  }
0x8b: {  	s0 =	sand.u32 $0x1, s1  }
0x8c: {  	s17 =	sshll.u32 s0, $0xA;
	s2 =	sadd.s32 s3, s2  }
0x8d: {  	s2 =	sadd.s32 s2, s17  }
0x8e: {  	[smem:$0x3FC0] =	sst s2  }
0x8f: {  	_ = 	snop  }
0x90: {  	s2 =	sld [smem:$0x3FC9];
	(tm) =	ssettm $0x1  }
0x91: {  	s18 =	sld [smem:$0x3FFB];
	_ =	sdelay $0x3  }
0x92: {  	_ =	strace s18  }
0x93: {  	s3 =	sld [smem:$0x3FFC];
	_ =	sdelay $0x3  }
0x94: {  	_ =	strace s3  }
0x95: {  	s3 =	sld [smem:$0x3FFD];
	_ =	sdelay $0x3  }
0x96: {  	_ =	strace s3  }
0x97: {  	_ =	strace $0x8FFFFFFF  }
0x98: {  	s19 =	sld [smem:$0x3FDB];
	_ =	sdelay $0x1  }
0x99: {  	s4 =	simm.s32 $_scs_section_size  }
0x9a: {  	s5 =	simm.s32 $_size__tile_overlayer_lowered;
	s6 =	simm.s32 $_tile_overlayer_lowered  }
0x9b: {  	s22 =	simm.s32 $0x1BFF;
	s21 =	sshll.u32 s6, $0x1;
	s3 =	sadd.s32 s4, s19  }
0x9c: {  	s7 =	simm.s32 $0x0;
	s20 =	sshll.u32 s5, $0x1;
	s5 =	sadd.s32 s21, s3  }
0x9d: {  	[timem:s7], [sflag:s22] =	dma.local [hbm:s5], s20  }
0x9e: {  	_ =	swait.ge [sflag:s22], s20  }
0x9f: {  	s4 =	ssub.s32 $0x0, s20;
	[sflag:s22] =	ssyncset.done $0x0  }
0xa0: {  	[sflag:s22] =	ssyncadd.s32 s4;
	_ =	sdelay $0x1  }
0xa1: {  	s23 =	simm.s32 $0x1B8B  }
0xa2: {  	_ =	swait.ge [sflag:s23], $0x1  }
0xa3: {  	[sflag:s23] =	ssyncset.done $0x0  }
0xa4: {  	s25 =	simm.s32 $0x1B8E;
	s24 =	sld [smem:$0x3FFE];
	[sflag:s23] =	ssyncadd.s32 $0xFFFFFFFF  }
0xa5: {  	s26 =	simm.s32 $execute0_lowered;
	[smem:$0x3FD2] =	sst s25  }
0xa6: {  	s5 =	sshll.u32 s26, $0x1;
	_ =	strace $0x80000046;
	[dreg:$0x1] =	wrdreg $0xFFFFFFFF  }
0xa7: {  	s28 =	simm.s32 $_size_execute0_lowered;
	s3 =	sadd.s32 s3, s5;
	[dreg:$0x0] =	wrdreg $0x0  }
0xa8: {  	s5 =	sshll.u32 s28, $0x1;
	[dreg:$0x2] =	wrdreg s3  }
0xa9: {  	[dreg:$0x3] =	wrdreg s5  }
0xaa: {  	[dreg:$0x4] =	wrdreg $0xC0  }
0xab: {  	_ =	task [dreg:s7], $0x5FFFF  }
0xac: {  	[dreg:$0x1] =	wrdreg $0xFFFFFFFF  }
0xad: {  	[dreg:$0x0] =	wrdreg $0x60  }
0xae: {  	[dreg:$0x2] =	wrdreg s2  }
0xaf: {  	[dreg:$0x3] =	wrdreg s24  }
0xb0: {  	[dreg:$0x4] =	wrdreg $0x82000  }
0xb1: {  	[dreg:$0x5] =	wrdreg $0xA  }
0xb2: {  	_ =	task.clear_ibuf [dreg:s7], $0x6FFFF;
	_ =	strace $0x90000046  }
0xb3: {  	s29 =	simm.s32 $0xA;
	_ =	strace $0x80000048  }
0xb4: {  	_ =	swait.ge [sflag:s29], $0x1  }
0xb5: {  	[sflag:s29] =	ssyncadd.s32 $0xFFFFFFFF  }
0xb6: {  	_ =	strace $0x90000048  }
0xb7: {  	_ =	sfence  }
0xb8: {  	s30 =	sld [smem:$0x0];
	_ =	sdelay $0x2  }
0xb9: {  	s31 =	sshll.u32 s1, $0xD;
	s1 =	sshrl.u32 s1, $0x2  }
0xba: {  	s3 =	sand.u32 $0x4000, s31;
	s1 =	sadd.s32 s1, s30  }
0xbb: {  	s0 =	sor.u32 s3, s0;
	s1 =	sshll.u32 s1, $0x11  }
0xbc: {  	s0 =	sor.u32 s1, s0  }
0xbd: {  	s0 =	sadd.s32 $0x8F2B, s0  }
0xbe: {  	[sflag:s0] =	ssyncadd.remote.s32 $0x1  }
0xbf: {  	_ =	sfence.sel $0xFFFF  }
0xc0: {  	[dreg:$0x0] =	wrdreg $0xFFFFFFFF;
	(pc) =	sbr.abs _section_cstart, $3  }
0xc1: {  	[dreg:$0x1] =	wrdreg $0xFFFFFFFF  }
0xc2: {  	_ =	task.clear_ibuf [dreg:s7], $0x2FFFF;
	_ =	strace $0x9FFFFFFF  }
0xc3: {  	(tm) =	ssettm $0x7FFFFFFF  }
tec
execute0_lowered:
.L_overlay_start_1:
0x0: {  	(tag) =	ssettag $0x1  }
0x1: {  	s1 =	rddreg [dreg:$0x0]  }
0x2: {  	s0 =	rddreg [dreg:$0x1]  }
0x3: {  	s2 =	rddreg [dreg:$0x2]  }
0x4: {  	s3 =	simm.s32 $0x0;
	s4 =	srdreg.scid;
	s10 =	stileid.u32  }
0x5: {  	s28 =	simm.s32 $0x8080;
	s29 =	simm.s32 $0x4000;
	s30 =	simm.s32 $0x8100  }
0x6: {  	s31 =	simm.s32 $0x1;
	[smem:$0x7FF] =	sst s3;
	s5 =	sadd.s32 $0xBE00, s0  }
0x7: {  	s6 =	sadd.s32 $0x1E00, s0;
	s4 =	sand.u32 $0x1, s4;
	s8 =	smul.u32 $0x50000, s10  }
0x8: {  	s7 =	sadd.s32 $0x15E00, s0;
	s0 =	sadd.s32 $0x16600, s0;
	s14 =	smul.u32 $0x14000, s10  }
0x9: {  	_ =	strace $0x80000047;
	[dreg:$0x4] =	wrdreg s7;
	s18 =	ssub.s32 $0x2, s4  }
0xa: {  	s19 =	sshll.u32 s4, $0x4;
	s4 =	smul.u32 $0x140000, s4;
	s9 =	sshrl.u32 s18, $0x1  }
0xb: {  	s8 =	sshrl.u32 s8, $0x2;
	s10 =	sor.u32 s10, s19;
	s15 =	sadd.s32 $0x4000, s14  }
0xc: {  	s16 =	sadd.s32 $0x8000, s14;
	s17 =	sadd.s32 $0xC000, s14;
	s7 =	ssub.s32 s18, s9  }
0xd: {  	s8 =	sadd.s32 s8, s2;
	s9 =	sadd.s32 s15, s2;
	s10 =	smul.u32 $0x2800, s10  }
0xe: {  	s18 =	sadd.s32 $0x10000, s14;
	s11 =	sadd.s32 s16, s2;
	s12 =	sadd.s32 s17, s2  }
0xf: {  	s14 =	sadd.s32 s14, s4;
	s15 =	sadd.s32 s4, s15;
	s22 =	sadd.s32 s4, s16  }
0x10: {  	s23 =	sadd.s32 s4, s17;
	s13 =	sadd.s32 s18, s2;
	s14 =	sshrl.u32 s14, $0x3  }
0x11: {  	s15 =	sshrl.u32 s15, $0x3;
	s4 =	sadd.s32 s4, s18;
	s24 =	sshrl.u32 s23, $0x3  }
0x12: {  	s21 =	sshrl.u32 s10, $0x3;
	s14 =	sadd.s32 s0, s14;
	s20 =	sadd.s32 s0, s15  }
0x13: {  	s4 =	sshrl.u32 s4, $0x3;
	s19 =	sadd.s32 s5, s21;
	[dreg:$0x6] =	wrdreg s14  }
0x14: {  	[dreg:$0x7] =	wrdreg s20;
	s14 =	sshrl.u32 s22, $0x3;
	s25 =	sadd.s32 $0x4F0, s21  }
0x15: {  	s20 =	smax.u32 s7, $0x1;
	s26 =	sadd.s32 s6, s21;
	s7 =	simm.s32 $0x0  }
0x16: {  	[dreg:$0x5] =	wrdreg s19;
	s14 =	sadd.s32 s0, s14;
	s21 =	sadd.s32 s5, s25  }
0x17: {  	s22 =	sadd.s32 $0x4E0, s26;
	s23 =	sadd.s32 s6, s25;
	s25 =	simm.s32 $0x8000  }
0x18: {  	s26 =	simm.s32 $0x80;
	[dreg:$0x8] =	wrdreg s14;
	s14 =	sadd.s32 s0, s24  }
0x19: {  	s0 =	sadd.s32 s0, s4;
	s24 =	simm.s32 $0x3;
	[dreg:$0x9] =	wrdreg s14  }
0x1a: {  	s4 =	simm.s32 $0x2;
	[dreg:$0xa] =	wrdreg s0;
	s0 =	simm.s32 $0x8180  }
.LBB2_1:
0x1b: {  	s14 =	rddreg [dreg:$0x4]  }
0x1c: {  	[tilespmem:s3], [sflag:$0x3] =	stream.linear.gather [hbm4b:s14+s3], $0x4000, $0x38;
	[tilespmem:$0x1C200] =	vst v63  }
0x1d: {  	_ =	swait.ge [sflag:s24], $0x4000  }
0x1e: {  	[sflag:s24] =	ssyncset.done $0x0  }
0x1f: {  	[sflag:s24] =	ssyncadd.s32 $0xFFFFC000  }
0x20: {  	[spmem:s8] =	stream.linear.scatter [tilespmem:s3], [sflag:$0x3], $0x4000, $0x38;
	[tilespmem:$0x1C200] =	vst v63  }
0x21: {  	_ =	swait.ge [sflag:s24], $0x4000  }
0x22: {  	[sflag:s24] =	ssyncset.done $0x0  }
0x23: {  	[sflag:s24] =	ssyncadd.s32 $0xFFFFC000  }
0x24: {  	[spmem:s9] =	stream.linear.scatter [tilespmem:s3], [sflag:$0x3], $0x4000, $0x38;
	[tilespmem:$0x1C200] =	vst v63  }
0x25: {  	_ =	swait.ge [sflag:s24], $0x4000  }
0x26: {  	[sflag:s24] =	ssyncset.done $0x0  }
0x27: {  	[sflag:s24] =	ssyncadd.s32 $0xFFFFC000  }
0x28: {  	[spmem:s11] =	stream.linear.scatter [tilespmem:s3], [sflag:$0x3], $0x4000, $0x38;
	[tilespmem:$0x1C200] =	vst v63  }
0x29: {  	_ =	swait.ge [sflag:s24], $0x4000  }
0x2a: {  	[sflag:s24] =	ssyncset.done $0x0  }
0x2b: {  	[sflag:s24] =	ssyncadd.s32 $0xFFFFC000  }
0x2c: {  	[spmem:s12] =	stream.linear.scatter [tilespmem:s3], [sflag:$0x3], $0x4000, $0x38;
	[tilespmem:$0x1C200] =	vst v63  }
0x2d: {  	_ =	swait.ge [sflag:s24], $0x4000  }
0x2e: {  	[sflag:s24] =	ssyncset.done $0x0  }
0x2f: {  	[sflag:s24] =	ssyncadd.s32 $0xFFFFC000  }
0x30: {  	[spmem:s13] =	stream.linear.scatter [tilespmem:s3], [sflag:$0x3], $0x4000, $0x38;
	[tilespmem:$0x1C200] =	vst v63  }
0x31: {  	_ =	swait.ge [sflag:s24], $0x4000  }
0x32: {  	[sflag:s24] =	ssyncset.done $0x0  }
0x33: {  	[sflag:s24] =	ssyncadd.s32 $0xFFFFC000  }
0x34: {  	[bflag:$0x0] =	sbarrier.arrive $0xFFFF  }
0x35: {  	s16 =	simm.s32 $0x0;
	s15 =	rddreg [dreg:$0x5]  }
0x36: {  	[tilespmem:s25], [sflag:$0x3] =	stream.linear.gather [hbm4b:s15+s3], $0x80, $0x38;
	[tilespmem:$0x1C200] =	vst v63  }
0x37: {  	s15 =	sand.u32 $0x3C00, s16  }
0x38: {  	s14 =	sand.u32 $0x300, s16;
	_ =	swait.ge [sflag:s24], $0x80;
	s15 =	sadd.s32 s10, s15  }
0x39: {  	[sflag:s24] =	ssyncset.done $0x0;
	s14 =	sor.u32 s14, s15  }
0x3a: {  	[sflag:s24] =	ssyncadd.s32 $0xFFFFFF80;
	s14 =	sshrl.u32 s14, $0x3  }
0x3b: {  	[tilespmem:s3], [sflag:$0x1] =	stream.indirect.gather [hbm4b:s1+s26], $0x80, s25, s26, $0xb8;
	[tilespmem:$0x1C200] =	vst v63  }
0x3c: {  	s17 =	sor.u32 $0x10, s14  }
0x3d: {  	s16 =	sadd.s32 s5, s17  }
0x3e: {  	[tilespmem:s28], [sflag:$0x3] =	stream.linear.gather [hbm4b:s16+s3], $0x80, $0x38;
	[tilespmem:$0x1C200] =	vst v63  }
0x3f: {  	_ =	swait.ge [sflag:s24], $0x80  }
0x40: {  	[sflag:s24] =	ssyncset.done $0x0  }
0x41: {  	[sflag:s24] =	ssyncadd.s32 $0xFFFFFF80  }
0x42: {  	[tilespmem:s29], [sflag:$0x2] =	stream.indirect.gather [hbm4b:s1+s26], $0x80, s28, s26, $0xb8;
	[tilespmem:$0x1C200] =	vst v63  }
0x43: {  	s14 =	sadd.s32 s6, s14  }
0x44: {  	[tilespmem:s30], [sflag:$0x3] =	stream.linear.gather [hbm4b:s14+s3], $0x80, $0x38;
	[tilespmem:$0x1C200] =	vst v63  }
0x45: {  	_ =	swait.ge [sflag:s24], $0x80  }
0x46: {  	[sflag:s24] =	ssyncset.done $0x0  }
0x47: {  	[sflag:s24] =	ssyncadd.s32 $0xFFFFFF80  }
0x48: {  	s18 =	simm.s32 $0x100;
	_ =	swait.ge [sflag:s31], $0x4000  }
0x49: {  	s19 =	sand.u32 $0x7C00, s18;
	[sflag:s31] =	ssyncset.done $0x0  }
0x4a: {  	s16 =	sadd.s32 s10, s19;
	s14 =	sand.u32 $0x300, s18;
	[sflag:s31] =	ssyncadd.s32 $0xFFFFC000  }
0x4b: {  	[spmem:s2] =	stream.indirect.scatter.add.f32 [tilespmem:s3], [sflag:$0x3], $0x80, s30, s26, $0xb8;
	[tilespmem:$0x1C200] =	vst v63  }
0x4c: {  	s14 =	sor.u32 s14, s16;
	_ =	swait.ge [sflag:s24], $0x4000  }
0x4d: {  	s14 =	sshrl.u32 s14, $0x3;
	[sflag:s24] =	ssyncset.done $0x0  }
0x4e: {  	s14 =	sadd.s32 s5, s14;
	[sflag:s24] =	ssyncadd.s32 $0xFFFFC000  }
0x4f: {  	[tilespmem:s25], [sflag:$0x3] =	stream.linear.gather [hbm4b:s14+s3], $0x80, $0x38;
	[tilespmem:$0x1C200] =	vst v63  }
0x50: {  	_ =	swait.ge [sflag:s24], $0x80  }
0x51: {  	[sflag:s24] =	ssyncset.done $0x0  }
0x52: {  	[sflag:s24] =	ssyncadd.s32 $0xFFFFFF80  }
0x53: {  	[tilespmem:s3], [sflag:$0x1] =	stream.indirect.gather [hbm4b:s1+s26], $0x80, s25, s26, $0xb8;
	[tilespmem:$0x1C200] =	vst v63  }
0x54: {  	s16 =	sadd.s32 s6, s17  }
0x55: {  	[tilespmem:s0], [sflag:$0x3] =	stream.linear.gather [hbm4b:s16+s3], $0x80, $0x38;
	[tilespmem:$0x1C200] =	vst v63  }
0x56: {  	s17 =	simm.s32 $0x100;
	_ =	swait.ge [sflag:s24], $0x80  }
0x57: {  	s18 =	sand.u32 $0x3C00, s17;
	[sflag:s24] =	ssyncset.done $0x0  }
0x58: {  	s19 =	sand.u32 $0x300, s17;
	s15 =	sadd.s32 s10, s18;
	[sflag:s24] =	ssyncadd.s32 $0xFFFFFF80  }
0x59: {  	s14 =	simm.s32 $0x200;
	s16 =	sor.u32 s19, s15;
	_ =	swait.ge [sflag:s4], $0x4000  }
0x5a: {  	s15 =	simm.s32 $0x300;
	s17 =	sshrl.u32 s16, $0x3;
	[sflag:s4] =	ssyncset.done $0x0  }
.LBB2_2:
0x5b: {  	s16 =	sor.u32 $0x10, s17  }
0x5c: {  	[sflag:s4] =	ssyncadd.s32 $0xFFFFC000;
	s19 =	smov.u32 s15;
	s18 =	sadd.s32 $0x100, s15  }
0x5d: {  	[spmem:s2] =	stream.indirect.scatter.add.f32 [tilespmem:s29], [sflag:$0x3], $0x80, s0, s26, $0xb8;
	[tilespmem:$0x1C200] =	vst v63  }
0x5e: {  	p0 =	sne.s32 s15, $0x2700;
	_ =	swait.ge [sflag:s24], $0x4000  }
0x5f: {  	[sflag:s24] =	ssyncset.done $0x0  }
0x60: {  	s15 =	sadd.s32 s5, s16;
	[sflag:s24] =	ssyncadd.s32 $0xFFFFC000  }
0x61: {  	[tilespmem:s28], [sflag:$0x3] =	stream.linear.gather [hbm4b:s15+s3], $0x80, $0x38;
	[tilespmem:$0x1C200] =	vst v63  }
0x62: {  	_ =	swait.ge [sflag:s24], $0x80  }
0x63: {  	[sflag:s24] =	ssyncset.done $0x0  }
0x64: {  	[sflag:s24] =	ssyncadd.s32 $0xFFFFFF80  }
0x65: {  	[tilespmem:s29], [sflag:$0x2] =	stream.indirect.gather [hbm4b:s1+s26], $0x80, s28, s26, $0xb8;
	[tilespmem:$0x1C200] =	vst v63  }
0x66: {  	s15 =	sadd.s32 s6, s17  }
0x67: {  	[tilespmem:s30], [sflag:$0x3] =	stream.linear.gather [hbm4b:s15+s3], $0x80, $0x38;
	[tilespmem:$0x1C200] =	vst v63  }
0x68: {  	_ =	swait.ge [sflag:s24], $0x80  }
0x69: {  	[sflag:s24] =	ssyncset.done $0x0  }
0x6a: {  	[sflag:s24] =	ssyncadd.s32 $0xFFFFFF80  }
0x6b: {  	_ =	swait.ge [sflag:s31], $0x4000  }
0x6c: {  	[sflag:s31] =	ssyncset.done $0x0  }
0x6d: {  	s15 =	sand.u32 $0x7C00, s14;
	[sflag:s31] =	ssyncadd.s32 $0xFFFFC000  }
0x6e: {  	[spmem:s2] =	stream.indirect.scatter.add.f32 [tilespmem:s3], [sflag:$0x3], $0x80, s30, s26, $0xb8;
	[tilespmem:$0x1C200] =	vst v63  }
0x6f: {  	s14 =	sand.u32 $0x300, s14;
	s15 =	sadd.s32 s10, s15;
	_ =	swait.ge [sflag:s24], $0x4000  }
0x70: {  	s15 =	sor.u32 s14, s15;
	s14 =	smov.u32 s19;
	[sflag:s24] =	ssyncset.done $0x0  }
0x71: {  	s15 =	sshrl.u32 s15, $0x3;
	[sflag:s24] =	ssyncadd.s32 $0xFFFFC000  }
0x72: {  	s15 =	sadd.s32 s5, s15  }
0x73: {  	[tilespmem:s25], [sflag:$0x3] =	stream.linear.gather [hbm4b:s15+s3], $0x80, $0x38;
	[tilespmem:$0x1C200] =	vst v63  }
0x74: {  	_ =	swait.ge [sflag:s24], $0x80  }
0x75: {  	[sflag:s24] =	ssyncset.done $0x0  }
0x76: {  	[sflag:s24] =	ssyncadd.s32 $0xFFFFFF80  }
0x77: {  	[tilespmem:s3], [sflag:$0x1] =	stream.indirect.gather [hbm4b:s1+s26], $0x80, s25, s26, $0xb8;
	[tilespmem:$0x1C200] =	vst v63  }
0x78: {  	s15 =	sadd.s32 s6, s16  }
0x79: {  	[tilespmem:s0], [sflag:$0x3] =	stream.linear.gather [hbm4b:s15+s3], $0x80, $0x38;
	[tilespmem:$0x1C200] =	vst v63  }
.Ltmp0:
0x7a: {  	s15 =	sadd.s32 $0xFFFFFF00, s14;
	_ =	swait.ge [sflag:s24], $0x80;
	(pc) =	sbr.rel @p0 .LBB2_2-.Ltmp0, $4  }
0x7b: {  	s16 =	sand.u32 $0x3C00, s15;
	s15 =	sand.u32 $0x300, s15;
	[sflag:s24] =	ssyncset.done $0x0  }
0x7c: {  	s16 =	sadd.s32 s10, s16;
	[sflag:s24] =	ssyncadd.s32 $0xFFFFFF80  }
0x7d: {  	s15 =	sor.u32 s15, s16;
	_ =	swait.ge [sflag:s4], $0x4000  }
0x7e: {  	s17 =	sshrl.u32 s15, $0x3;
	s15 =	smov.u32 s18;
	[sflag:s4] =	ssyncset.done $0x0  }
0x7f: {  	[sflag:s4] =	ssyncadd.s32 $0xFFFFC000  }
0x80: {  	[spmem:s2] =	stream.indirect.scatter.add.f32 [tilespmem:s29], [sflag:$0x3], $0x80, s0, s26, $0xb8;
	[tilespmem:$0x1C200] =	vst v63  }
0x81: {  	_ =	swait.ge [sflag:s24], $0x4000  }
0x82: {  	s15 =	sor.u32 $0x10, s17;
	[sflag:s24] =	ssyncset.done $0x0  }
0x83: {  	s16 =	sadd.s32 s5, s15;
	[sflag:s24] =	ssyncadd.s32 $0xFFFFC000  }
0x84: {  	[tilespmem:s28], [sflag:$0x3] =	stream.linear.gather [hbm4b:s16+s3], $0x80, $0x38;
	[tilespmem:$0x1C200] =	vst v63  }
0x85: {  	_ =	swait.ge [sflag:s24], $0x80  }
0x86: {  	[sflag:s24] =	ssyncset.done $0x0  }
0x87: {  	[sflag:s24] =	ssyncadd.s32 $0xFFFFFF80  }
0x88: {  	[tilespmem:s29], [sflag:$0x2] =	stream.indirect.gather [hbm4b:s1+s26], $0x80, s28, s26, $0xb8;
	[tilespmem:$0x1C200] =	vst v63  }
0x89: {  	s19 =	sadd.s32 s6, s17  }
0x8a: {  	[tilespmem:s30], [sflag:$0x3] =	stream.linear.gather [hbm4b:s19+s3], $0x80, $0x38;
	[tilespmem:$0x1C200] =	vst v63  }
0x8b: {  	_ =	swait.ge [sflag:s24], $0x80  }
0x8c: {  	[sflag:s24] =	ssyncset.done $0x0  }
0x8d: {  	[sflag:s24] =	ssyncadd.s32 $0xFFFFFF80  }
0x8e: {  	_ =	swait.ge [sflag:s31], $0x4000  }
0x8f: {  	s17 =	sand.u32 $0x7C00, s14;
	[sflag:s31] =	ssyncset.done $0x0  }
0x90: {  	s18 =	sand.u32 $0x300, s14;
	s16 =	sadd.s32 s10, s17;
	[sflag:s31] =	ssyncadd.s32 $0xFFFFC000  }
0x91: {  	[spmem:s2] =	stream.indirect.scatter.add.f32 [tilespmem:s3], [sflag:$0x3], $0x80, s30, s26, $0xb8;
	[tilespmem:$0x1C200] =	vst v63  }
0x92: {  	s14 =	sor.u32 s18, s16;
	_ =	swait.ge [sflag:s24], $0x4000  }
0x93: {  	s14 =	sshrl.u32 s14, $0x3;
	[sflag:s24] =	ssyncset.done $0x0  }
0x94: {  	s14 =	sadd.s32 s5, s14;
	[sflag:s24] =	ssyncadd.s32 $0xFFFFC000  }
0x95: {  	[tilespmem:s25], [sflag:$0x3] =	stream.linear.gather [hbm4b:s14+s3], $0x80, $0x38;
	[tilespmem:$0x1C200] =	vst v63  }
0x96: {  	_ =	swait.ge [sflag:s24], $0x80  }
0x97: {  	[sflag:s24] =	ssyncset.done $0x0  }
0x98: {  	[sflag:s24] =	ssyncadd.s32 $0xFFFFFF80  }
0x99: {  	[tilespmem:s3], [sflag:$0x1] =	stream.indirect.gather [hbm4b:s1+s26], $0x80, s25, s26, $0xb8;
	[tilespmem:$0x1C200] =	vst v63  }
0x9a: {  	s19 =	sadd.s32 s6, s15  }
0x9b: {  	[tilespmem:s0], [sflag:$0x3] =	stream.linear.gather [hbm4b:s19+s3], $0x80, $0x38;
	[tilespmem:$0x1C200] =	vst v63  }
0x9c: {  	_ =	swait.ge [sflag:s24], $0x80  }
0x9d: {  	[sflag:s24] =	ssyncset.done $0x0  }
0x9e: {  	[sflag:s24] =	ssyncadd.s32 $0xFFFFFF80  }
0x9f: {  	_ =	swait.ge [sflag:s4], $0x4000  }
0xa0: {  	[sflag:s4] =	ssyncset.done $0x0  }
0xa1: {  	[sflag:s4] =	ssyncadd.s32 $0xFFFFC000  }
0xa2: {  	[spmem:s2] =	stream.indirect.scatter.add.f32 [tilespmem:s29], [sflag:$0x3], $0x80, s0, s26, $0xb8;
	[tilespmem:$0x1C200] =	vst v63  }
0xa3: {  	_ =	swait.ge [sflag:s24], $0x4000  }
0xa4: {  	[sflag:s24] =	ssyncset.done $0x0  }
0xa5: {  	[sflag:s24] =	ssyncadd.s32 $0xFFFFC000  }
0xa6: {  	[tilespmem:s28], [sflag:$0x3] =	stream.linear.gather [hbm4b:s21+s3], $0x80, $0x38;
	[tilespmem:$0x1C200] =	vst v63  }
0xa7: {  	_ =	swait.ge [sflag:s24], $0x80  }
0xa8: {  	[sflag:s24] =	ssyncset.done $0x0  }
0xa9: {  	[sflag:s24] =	ssyncadd.s32 $0xFFFFFF80  }
0xaa: {  	[tilespmem:s29], [sflag:$0x2] =	stream.indirect.gather [hbm4b:s1+s26], $0x80, s28, s26, $0xb8;
	[tilespmem:$0x1C200] =	vst v63  }
0xab: {  	_ = 	snop  }
0xac: {  	[tilespmem:s30], [sflag:$0x3] =	stream.linear.gather [hbm4b:s22+s3], $0x80, $0x38;
	[tilespmem:$0x1C200] =	vst v63  }
0xad: {  	_ =	swait.ge [sflag:s24], $0x80  }
0xae: {  	[sflag:s24] =	ssyncset.done $0x0  }
0xaf: {  	[sflag:s24] =	ssyncadd.s32 $0xFFFFFF80  }
0xb0: {  	_ =	swait.ge [sflag:s31], $0x4000  }
0xb1: {  	[sflag:s31] =	ssyncset.done $0x0  }
0xb2: {  	[sflag:s31] =	ssyncadd.s32 $0xFFFFC000  }
0xb3: {  	[spmem:s2] =	stream.indirect.scatter.add.f32 [tilespmem:s3], [sflag:$0x3], $0x80, s30, s26, $0xb8;
	[tilespmem:$0x1C200] =	vst v63  }
0xb4: {  	_ =	swait.ge [sflag:s24], $0x4000  }
0xb5: {  	[sflag:s24] =	ssyncset.done $0x0  }
0xb6: {  	[sflag:s24] =	ssyncadd.s32 $0xFFFFC000  }
0xb7: {  	[tilespmem:s0], [sflag:$0x3] =	stream.linear.gather [hbm4b:s23+s3], $0x80, $0x38;
	[tilespmem:$0x1C200] =	vst v63  }
0xb8: {  	_ =	swait.ge [sflag:s24], $0x80  }
0xb9: {  	[sflag:s24] =	ssyncset.done $0x0  }
0xba: {  	[sflag:s24] =	ssyncadd.s32 $0xFFFFFF80  }
0xbb: {  	_ =	swait.ge [sflag:s4], $0x4000  }
0xbc: {  	[sflag:s4] =	ssyncset.done $0x0  }
0xbd: {  	[sflag:s4] =	ssyncadd.s32 $0xFFFFC000  }
0xbe: {  	[spmem:s2] =	stream.indirect.scatter.add.f32 [tilespmem:s29], [sflag:$0x3], $0x80, s0, s26, $0xb8;
	[tilespmem:$0x1C200] =	vst v63  }
0xbf: {  	_ =	swait.ge [sflag:s24], $0x4000  }
0xc0: {  	[sflag:s24] =	ssyncset.done $0x0  }
0xc1: {  	[sflag:s24] =	ssyncadd.s32 $0xFFFFC000  }
0xc2: {  	[bflag:$0x0] =	sbarrier.arrive $0xFFFF  }
0xc3: {  	[tilespmem:s3], [sflag:$0x3] =	stream.linear.gather [spmem:s8], $0x4000, $0x38;
	[tilespmem:$0x1C200] =	vst v63  }
0xc4: {  	_ =	swait.ge [sflag:s24], $0x4000  }
0xc5: {  	[sflag:s24] =	ssyncset.done $0x0  }
0xc6: {  	s15 =	rddreg [dreg:$0x6];
	[sflag:s24] =	ssyncadd.s32 $0xFFFFC000  }
0xc7: {  	[hbm4b:s15+s3] =	stream.linear.scatter [tilespmem:s3], [sflag:$0x3], $0x4000, $0x38;
	[tilespmem:$0x1C200] =	vst v63  }
0xc8: {  	_ =	swait.ge [sflag:s24], $0x4000  }
0xc9: {  	[sflag:s24] =	ssyncset.done $0x0  }
0xca: {  	[sflag:s24] =	ssyncadd.s32 $0xFFFFC000  }
0xcb: {  	[tilespmem:s3], [sflag:$0x3] =	stream.linear.gather [spmem:s9], $0x4000, $0x38;
	[tilespmem:$0x1C200] =	vst v63  }
0xcc: {  	_ =	swait.ge [sflag:s24], $0x4000  }
0xcd: {  	[sflag:s24] =	ssyncset.done $0x0  }
0xce: {  	s16 =	rddreg [dreg:$0x7];
	[sflag:s24] =	ssyncadd.s32 $0xFFFFC000  }
0xcf: {  	[hbm4b:s16+s3] =	stream.linear.scatter [tilespmem:s3], [sflag:$0x3], $0x4000, $0x38;
	[tilespmem:$0x1C200] =	vst v63  }
0xd0: {  	_ =	swait.ge [sflag:s24], $0x4000  }
0xd1: {  	[sflag:s24] =	ssyncset.done $0x0  }
0xd2: {  	[sflag:s24] =	ssyncadd.s32 $0xFFFFC000  }
0xd3: {  	[tilespmem:s3], [sflag:$0x3] =	stream.linear.gather [spmem:s11], $0x4000, $0x38;
	[tilespmem:$0x1C200] =	vst v63  }
0xd4: {  	_ =	swait.ge [sflag:s24], $0x4000  }
0xd5: {  	[sflag:s24] =	ssyncset.done $0x0  }
0xd6: {  	s17 =	rddreg [dreg:$0x8];
	[sflag:s24] =	ssyncadd.s32 $0xFFFFC000  }
0xd7: {  	[hbm4b:s17+s3] =	stream.linear.scatter [tilespmem:s3], [sflag:$0x3], $0x4000, $0x38;
	[tilespmem:$0x1C200] =	vst v63  }
0xd8: {  	_ =	swait.ge [sflag:s24], $0x4000  }
0xd9: {  	[sflag:s24] =	ssyncset.done $0x0  }
0xda: {  	[sflag:s24] =	ssyncadd.s32 $0xFFFFC000  }
0xdb: {  	[tilespmem:s3], [sflag:$0x3] =	stream.linear.gather [spmem:s12], $0x4000, $0x38;
	[tilespmem:$0x1C200] =	vst v63  }
0xdc: {  	_ =	swait.ge [sflag:s24], $0x4000  }
0xdd: {  	[sflag:s24] =	ssyncset.done $0x0  }
0xde: {  	s18 =	rddreg [dreg:$0x9];
	[sflag:s24] =	ssyncadd.s32 $0xFFFFC000  }
0xdf: {  	[hbm4b:s18+s3] =	stream.linear.scatter [tilespmem:s3], [sflag:$0x3], $0x4000, $0x38;
	[tilespmem:$0x1C200] =	vst v63  }
0xe0: {  	_ =	swait.ge [sflag:s24], $0x4000  }
0xe1: {  	[sflag:s24] =	ssyncset.done $0x0  }
0xe2: {  	[sflag:s24] =	ssyncadd.s32 $0xFFFFC000  }
0xe3: {  	[tilespmem:s3], [sflag:$0x3] =	stream.linear.gather [spmem:s13], $0x4000, $0x38;
	[tilespmem:$0x1C200] =	vst v63  }
0xe4: {  	s7 =	sadd.s32 $0x1, s7;
	_ =	swait.ge [sflag:s24], $0x4000  }
0xe5: {  	p0 =	sne.s32 s7, s20;
	[sflag:s24] =	ssyncset.done $0x0  }
.Ltmp1:
0xe6: {  	s19 =	rddreg [dreg:$0xa];
	[sflag:s24] =	ssyncadd.s32 $0xFFFFC000;
	(pc) =	sbr.rel @p0 .LBB2_1-.Ltmp1, $4  }
0xe7: {  	[hbm4b:s19+s3] =	stream.linear.scatter [tilespmem:s3], [sflag:$0x3], $0x4000, $0x38;
	[tilespmem:$0x1C200] =	vst v63  }
0xe8: {  	_ =	swait.ge [sflag:s24], $0x4000  }
0xe9: {  	[sflag:s24] =	ssyncset.done $0x0  }
0xea: {  	[sflag:s24] =	ssyncadd.s32 $0xFFFFC000  }
0xeb: {  	_ =	sfence.sel $0x180000  }
0xec: {  	[bflag:$0x0] =	sbarrier.arrive $0xFFFF  }
0xed: {  	_ =	strace $0x90000047  }
0xee: {  	s0 =	stileid.u32;
	[bflag:$0x2] =	sbarrier.arrive $0xFFFF  }
0xef: {  	p0 =	sne.s32 s0, $0x0;
	s0 =	rddreg [dreg:$0x3]  }
0xf0: {  	s0 =	sadd.s32 @!p0 $0x100000, s0  }
0xf1: {  	[sflag:s0] =	ssyncadd.tile.s32 @!p0 $0x1;
	_ =	shalt  }
.Lfunc_end2:
_tile_overlayer_lowered:
.L_overlay_start_2:
0xf2: {  	(tag) =	ssettag $0x2  }
0xf3: {  	s0 =	rddreg [dreg:$0x0];
	s2 =	stileid.u32  }
0xf4: {  	s1 =	rddreg [dreg:$0x1];
	p0 =	sne.s32 s2, $0x0  }
0xf5: {  	s3 =	rddreg [dreg:$0x2];
	[bflag:$0x3] =	sbarrier.arrive $0xFFFF;
	s2 =	simm.s32 @!p0 $0x1C03  }
0xf6: {  	[timem:s3], [sflag:s2] =	dma.local @!p0 [hbm:s0], s1  }
0xf7: {  	s0 =	simm.s32 @!p0 $0x3  }
0xf8: {  	_ =	swait.ge @!p0 [sflag:s0], s1  }
0xf9: {  	s1 =	ssub.s32 @!p0 $0x0, s1;
	[sflag:s0] =	ssyncset.done @!p0 $0x0  }
0xfa: {  	[sflag:s0] =	ssyncadd.s32 @!p0 s1  }
0xfb: {  	[bflag:$0x3] =	sbarrier.arrive $0xFFFF  }
0xfc: {  	_ =	shalt  }

// kernel: kernel.13.cloned.1.call-start
scs
__scs_entry_jumppad:
0x0: {  	(pc) =	sbr.rel $0x88, $3  }
0x1: {  	(tag) =	ssettag $0x0;
	lr =	simm.s32 $0x1  }
0x2: {  	[smem:$0x3F99] =	sst lr;
	_ =	strace $0xD0000000  }
0x3: {  	_ = 	snop  }
0x4: {  	_ = 	snop  }
0x5: {  	_ = 	snop  }
0x6: {  	_ = 	snop  }
0x7: {  	_ = 	snop  }
__scs_overlays_trampoline_lowered:
0x8: {  	[smem:$0x3FA8] =	sst s0  }
0x9: {  	[smem:$0x3FA9] =	sst s1  }
0xa: {  	[smem:$0x3FAA] =	sst s2  }
0xb: {  	[smem:$0x3FAB] =	sst s3  }
0xc: {  	[smem:$0x3FAC] =	sst s4  }
0xd: {  	[smem:$0x3FAD] =	sst s5  }
0xe: {  	[smem:$0x3FAE] =	sst s6  }
0xf: {  	[smem:$0x3FAF] =	sst s7  }
0x10: {  	[smem:$0x3FB0] =	sst s8  }
0x11: {  	[smem:$0x3FB1] =	sst s9;
	s0 =	simm.s32 @!p0 $0x0  }
0x12: {  	s1 =	sld [smem:$0x3F97];
	s0 =	simm.s32 @p0 $0x1  }
0x13: {  	[smem:$0x3FB2] =	sst s0;
	s0 =	simm.s32 @!p1 $0x0  }
0x14: {  	s2 =	sld [smem:$0x3F96];
	s0 =	simm.s32 @p1 $0x1  }
0x15: {  	[smem:$0x3FB3] =	sst s0;
	s0 =	simm.s32 @!p2 $0x0  }
0x16: {  	s3 =	sld [smem:$0x3FDB];
	s0 =	simm.s32 @p2 $0x1  }
0x17: {  	s4 =	simm.s32 $0x1BF5;
	[smem:$0x3FB5] =	sst s0  }
0x18: {  	s0 =	sld [smem:$0x3F98];
	_ =	swait.ge [sflag:s4], $0x0  }
0x19: {  	s7 =	sld [smem:$0x3F99]  }
0x1a: {  	s8 =	sadd.s32 $0xFFFFE003, lr  }
0x1b: {  	s9 =	sadd.s32 $0xFFFFFEF7, lr;
	s5 =	simm.s32 $0xFFFFFFFF;
	p2 =	slt.u32 s8, $0xFFFFF086  }
0x1c: {  	p1 =	slt.u32 s9, $0xF7A;
	s5 =	simm.s32 @!p2 $0x0  }
0x1d: {  	s5 =	simm.s32 @p1 $0x1;
	p0 =	seq.s32 s7, s2  }
0x1e: {  	s7 =	smul.u32 @!p0 $0xF7A, s2;
	p2 =	seq.s32 @!p0 s5, $0x0  }
0x1f: {  	s9 =	smul.u32 $0xF7A, s1;
	s8 =	simm.s32 @!p0 $0x1BF5;
	p2 =	por !p2, p0  }
0x20: {  	[sflag:s8] =	ssyncset.s32 @!p0 $0xFFFFF086;
	s6 =	sadd.s32 @!p0 s3, s7;
	s7 =	simm.s32 @!p0 $0x108  }
0x21: {  	s3 =	sadd.s32 s3, s9;
	s6 =	sadd.s32 @!p0 $0x88, s6;
	s7 =	simm.s32 @p2 $0x1082  }
0x22: {  	[simem:s7], [sflag:s8] =	dma.local @!p0 [hbm:s6], $0xF7A  }
0x23: {  	s9 =	sor.u32 $0xD0000000, s2;
	s6 =	simm.s32 $0x108;
	_ =	swait.ge @!p0 [sflag:s8], $0x0  }
0x24: {  	s3 =	sadd.s32 $0x88, s3;
	s6 =	simm.s32 @!p1 $0x1082;
	[sflag:s4] =	ssyncset.s32 $0xFFFFF086  }
0x25: {  	[simem:s6], [sflag:s4] =	dma.local [hbm:s3], $0xF7A  }
0x26: {  	[smem:$0x3F99] =	sst s1;
	(tag) =	ssettag s2;
	_ =	strace s9  }
0x27: {  	s1 =	sld [smem:$0x3FA9]  }
0x28: {  	s2 =	sld [smem:$0x3FAA]  }
0x29: {  	s4 =	sld [smem:$0x3FAC]  }
0x2a: {  	p0 =	seq.s32 s5, $0x0;
	s5 =	sld [smem:$0x3FAD]  }
0x2b: {  	s6 =	sld [smem:$0x3FAE]  }
0x2c: {  	s7 =	sld [smem:$0x3FAF]  }
0x2d: {  	s3 =	simm.s32 $0x108;
	s8 =	sld [smem:$0x3FB0]  }
0x2e: {  	s3 =	simm.s32 @!p0 $0x1082;
	s9 =	sld [smem:$0x3FB1]  }
0x2f: {  	lr =	sadd.s32 s0, s3;
	s0 =	sld [smem:$0x3FA8]  }
0x30: {  	s3 =	sld [smem:$0x3FAB]  }
0x31: {  	[smem:$0x3FB4] =	sst s10  }
0x32: {  	s10 =	sld [smem:$0x3FB2];
	_ =	sdelay $0x3  }
0x33: {  	p0 =	seq.s32 s10, $0x1;
	s10 =	sld [smem:$0x3FB4];
	_ =	sdelay $0x3  }
0x34: {  	[smem:$0x3FB4] =	sst s10  }
0x35: {  	s10 =	sld [smem:$0x3FB3];
	_ =	sdelay $0x3  }
0x36: {  	p1 =	seq.s32 s10, $0x1;
	s10 =	sld [smem:$0x3FB4];
	_ =	sdelay $0x3  }
0x37: {  	[smem:$0x3FB4] =	sst s10  }
0x38: {  	s10 =	sld [smem:$0x3FB5]  }
0x39: {  	_ = 	snop;
	(pc) =	sbr.ind lr, $3  }
0x3a: {  	_ = 	snop  }
0x3b: {  	_ = 	snop  }
0x3c: {  	p2 =	seq.s32 s10, $0x1;
	s10 =	sld [smem:$0x3FB4]  }
0x3d: {  	_ =	shalt  }
0x3e: {  	_ =	shalt  }
0x3f: {  	_ =	shalt  }
0x40: {  	_ =	shalt  }
0x41: {  	_ =	shalt  }
0x42: {  	_ =	shalt  }
0x43: {  	_ =	shalt  }
0x44: {  	_ =	shalt  }
0x45: {  	_ =	shalt  }
0x46: {  	_ =	shalt  }
0x47: {  	_ =	shalt  }
0x48: {  	_ =	shalt  }
0x49: {  	_ =	shalt  }
0x4a: {  	_ =	shalt  }
0x4b: {  	_ =	shalt  }
0x4c: {  	_ =	shalt  }
0x4d: {  	_ =	shalt  }
0x4e: {  	_ =	shalt  }
0x4f: {  	_ =	shalt  }
0x50: {  	_ =	shalt  }
0x51: {  	_ =	shalt  }
0x52: {  	_ =	shalt  }
0x53: {  	_ =	shalt  }
0x54: {  	_ =	shalt  }
0x55: {  	_ =	shalt  }
0x56: {  	_ =	shalt  }
0x57: {  	_ =	shalt  }
0x58: {  	_ =	shalt  }
0x59: {  	_ =	shalt  }
0x5a: {  	_ =	shalt  }
0x5b: {  	_ =	shalt  }
0x5c: {  	_ =	shalt  }
0x5d: {  	_ =	shalt  }
0x5e: {  	_ =	shalt  }
0x5f: {  	_ =	shalt  }
0x60: {  	_ =	shalt  }
0x61: {  	_ =	shalt  }
0x62: {  	_ =	shalt  }
0x63: {  	_ =	shalt  }
0x64: {  	_ =	shalt  }
0x65: {  	_ =	shalt  }
0x66: {  	_ =	shalt  }
0x67: {  	_ =	shalt  }
0x68: {  	_ =	shalt  }
0x69: {  	_ =	shalt  }
0x6a: {  	_ =	shalt  }
0x6b: {  	_ =	shalt  }
0x6c: {  	_ =	shalt  }
0x6d: {  	_ =	shalt  }
0x6e: {  	_ =	shalt  }
0x6f: {  	_ =	shalt  }
0x70: {  	_ =	shalt  }
0x71: {  	_ =	shalt  }
0x72: {  	_ =	shalt  }
0x73: {  	_ =	shalt  }
0x74: {  	_ =	shalt  }
0x75: {  	_ =	shalt  }
0x76: {  	_ =	shalt  }
0x77: {  	_ =	shalt  }
0x78: {  	_ =	shalt  }
0x79: {  	_ =	shalt  }
0x7a: {  	_ =	shalt  }
0x7b: {  	_ =	shalt  }
0x7c: {  	_ =	shalt  }
0x7d: {  	_ =	shalt  }
0x7e: {  	_ =	shalt  }
0x7f: {  	_ =	shalt  }
0x80: {  	_ =	shalt  }
0x81: {  	_ =	shalt  }
0x82: {  	_ =	shalt  }
0x83: {  	_ =	shalt  }
0x84: {  	_ =	shalt  }
0x85: {  	_ =	shalt  }
0x86: {  	_ =	shalt  }
0x87: {  	_ =	shalt  }
.Lfunc_end0:
.L_simem_size_0:
called_computation.2_lowered:
.L_overlay_start_0:
0x88: {  	s2 =	sld [smem:$0x3FD9]  }
0x89: {  	s3 =	sld [smem:$0x3FFE];
	_ =	sdelay $0x1  }
0x8a: {  	s1 =	srdreg.scid  }
0x8b: {  	s0 =	sand.u32 $0x1, s1  }
0x8c: {  	s17 =	sshll.u32 s0, $0xA;
	s2 =	sadd.s32 s3, s2  }
0x8d: {  	s2 =	sadd.s32 s2, s17  }
0x8e: {  	[smem:$0x3FC0] =	sst s2  }
0x8f: {  	_ = 	snop  }
0x90: {  	s2 =	sld [smem:$0x3FD0];
	(tm) =	ssettm $0x1  }
0x91: {  	s18 =	sld [smem:$0x3FFB];
	_ =	sdelay $0x3  }
0x92: {  	_ =	strace s18  }
0x93: {  	s3 =	sld [smem:$0x3FFC];
	_ =	sdelay $0x3  }
0x94: {  	_ =	strace s3  }
0x95: {  	s3 =	sld [smem:$0x3FFD];
	_ =	sdelay $0x3  }
0x96: {  	_ =	strace s3  }
0x97: {  	_ =	strace $0x8FFFFFFF  }
0x98: {  	s19 =	sld [smem:$0x3FDB];
	_ =	sdelay $0x1  }
0x99: {  	s4 =	simm.s32 $_scs_section_size  }
0x9a: {  	s5 =	simm.s32 $_size__tile_overlayer_lowered;
	s6 =	simm.s32 $_tile_overlayer_lowered  }
0x9b: {  	s22 =	simm.s32 $0x1BFF;
	s21 =	sshll.u32 s6, $0x1;
	s3 =	sadd.s32 s4, s19  }
0x9c: {  	s7 =	simm.s32 $0x0;
	s20 =	sshll.u32 s5, $0x1;
	s5 =	sadd.s32 s21, s3  }
0x9d: {  	[timem:s7], [sflag:s22] =	dma.local [hbm:s5], s20  }
0x9e: {  	_ =	swait.ge [sflag:s22], s20  }
0x9f: {  	s4 =	ssub.s32 $0x0, s20;
	[sflag:s22] =	ssyncset.done $0x0  }
0xa0: {  	[sflag:s22] =	ssyncadd.s32 s4;
	_ =	sdelay $0x1  }
0xa1: {  	s23 =	simm.s32 $0x1B8B  }
0xa2: {  	_ =	swait.ge [sflag:s23], $0x1  }
0xa3: {  	[sflag:s23] =	ssyncset.done $0x0  }
0xa4: {  	s25 =	simm.s32 $0x1B8E;
	s24 =	sld [smem:$0x3FFE];
	[sflag:s23] =	ssyncadd.s32 $0xFFFFFFFF  }
0xa5: {  	s26 =	simm.s32 $execute0_lowered;
	[smem:$0x3FD2] =	sst s25  }
0xa6: {  	s5 =	sshll.u32 s26, $0x1;
	_ =	strace $0x8000004C;
	[dreg:$0x1] =	wrdreg $0xFFFFFFFF  }
0xa7: {  	s28 =	simm.s32 $_size_execute0_lowered;
	s3 =	sadd.s32 s3, s5;
	[dreg:$0x0] =	wrdreg $0x0  }
0xa8: {  	s5 =	sshll.u32 s28, $0x1;
	[dreg:$0x2] =	wrdreg s3  }
0xa9: {  	[dreg:$0x3] =	wrdreg s5  }
0xaa: {  	[dreg:$0x4] =	wrdreg $0xC0  }
0xab: {  	_ =	task [dreg:s7], $0x5FFFF  }
0xac: {  	[dreg:$0x1] =	wrdreg $0xFFFFFFFF  }
0xad: {  	[dreg:$0x0] =	wrdreg $0x60  }
0xae: {  	[dreg:$0x2] =	wrdreg s2  }
0xaf: {  	[dreg:$0x3] =	wrdreg s24  }
0xb0: {  	[dreg:$0x4] =	wrdreg $0x82000  }
0xb1: {  	[dreg:$0x5] =	wrdreg $0x9  }
0xb2: {  	_ =	task.clear_ibuf [dreg:s7], $0x6FFFF;
	_ =	strace $0x9000004C  }
0xb3: {  	s29 =	simm.s32 $0x9;
	_ =	strace $0x8000004E  }
0xb4: {  	_ =	swait.ge [sflag:s29], $0x1  }
0xb5: {  	[sflag:s29] =	ssyncadd.s32 $0xFFFFFFFF  }
0xb6: {  	_ =	strace $0x9000004E  }
0xb7: {  	_ =	sfence  }
0xb8: {  	s30 =	sld [smem:$0x0];
	_ =	sdelay $0x2  }
0xb9: {  	s31 =	sshll.u32 s1, $0xD;
	s1 =	sshrl.u32 s1, $0x2  }
0xba: {  	s3 =	sand.u32 $0x4000, s31;
	s1 =	sadd.s32 s1, s30  }
0xbb: {  	s0 =	sor.u32 s3, s0;
	s1 =	sshll.u32 s1, $0x11  }
0xbc: {  	s0 =	sor.u32 s1, s0  }
0xbd: {  	s0 =	sadd.s32 $0x8F2B, s0  }
0xbe: {  	[sflag:s0] =	ssyncadd.remote.s32 $0x1  }
0xbf: {  	_ =	sfence.sel $0xFFFF  }
0xc0: {  	[dreg:$0x0] =	wrdreg $0xFFFFFFFF;
	(pc) =	sbr.abs _section_cstart, $3  }
0xc1: {  	[dreg:$0x1] =	wrdreg $0xFFFFFFFF  }
0xc2: {  	_ =	task.clear_ibuf [dreg:s7], $0x2FFFF;
	_ =	strace $0x9FFFFFFF  }
0xc3: {  	(tm) =	ssettm $0x7FFFFFFF  }
tec
execute0_lowered:
.L_overlay_start_1:
0x0: {  	(tag) =	ssettag $0x1  }
0x1: {  	s1 =	rddreg [dreg:$0x0]  }
0x2: {  	s0 =	rddreg [dreg:$0x1]  }
0x3: {  	s2 =	rddreg [dreg:$0x2]  }
0x4: {  	s3 =	simm.s32 $0x0;
	s4 =	srdreg.scid;
	s10 =	stileid.u32  }
0x5: {  	s28 =	simm.s32 $0x8080;
	s29 =	simm.s32 $0x4000;
	s30 =	simm.s32 $0x8100  }
0x6: {  	s31 =	simm.s32 $0x1;
	[smem:$0x7FF] =	sst s3;
	s5 =	sadd.s32 $0xBE00, s0  }
0x7: {  	s6 =	sadd.s32 $0x1E00, s0;
	s4 =	sand.u32 $0x1, s4;
	s8 =	smul.u32 $0x50000, s10  }
0x8: {  	s7 =	sadd.s32 $0x15E00, s0;
	s0 =	sadd.s32 $0x16600, s0;
	s14 =	smul.u32 $0x14000, s10  }
0x9: {  	_ =	strace $0x8000004D;
	[dreg:$0x4] =	wrdreg s7;
	s18 =	ssub.s32 $0x2, s4  }
0xa: {  	s19 =	sshll.u32 s4, $0x4;
	s4 =	smul.u32 $0x140000, s4;
	s9 =	sshrl.u32 s18, $0x1  }
0xb: {  	s8 =	sshrl.u32 s8, $0x2;
	s10 =	sor.u32 s10, s19;
	s15 =	sadd.s32 $0x4000, s14  }
0xc: {  	s16 =	sadd.s32 $0x8000, s14;
	s17 =	sadd.s32 $0xC000, s14;
	s7 =	ssub.s32 s18, s9  }
0xd: {  	s8 =	sadd.s32 s8, s2;
	s9 =	sadd.s32 s15, s2;
	s10 =	smul.u32 $0x2800, s10  }
0xe: {  	s18 =	sadd.s32 $0x10000, s14;
	s11 =	sadd.s32 s16, s2;
	s12 =	sadd.s32 s17, s2  }
0xf: {  	s14 =	sadd.s32 s14, s4;
	s15 =	sadd.s32 s4, s15;
	s22 =	sadd.s32 s4, s16  }
0x10: {  	s23 =	sadd.s32 s4, s17;
	s13 =	sadd.s32 s18, s2;
	s14 =	sshrl.u32 s14, $0x3  }
0x11: {  	s15 =	sshrl.u32 s15, $0x3;
	s4 =	sadd.s32 s4, s18;
	s24 =	sshrl.u32 s23, $0x3  }
0x12: {  	s21 =	sshrl.u32 s10, $0x3;
	s14 =	sadd.s32 s0, s14;
	s20 =	sadd.s32 s0, s15  }
0x13: {  	s4 =	sshrl.u32 s4, $0x3;
	s19 =	sadd.s32 s5, s21;
	[dreg:$0x6] =	wrdreg s14  }
0x14: {  	[dreg:$0x7] =	wrdreg s20;
	s14 =	sshrl.u32 s22, $0x3;
	s25 =	sadd.s32 $0x4F0, s21  }
0x15: {  	s20 =	smax.u32 s7, $0x1;
	s26 =	sadd.s32 s6, s21;
	s7 =	simm.s32 $0x0  }
0x16: {  	[dreg:$0x5] =	wrdreg s19;
	s14 =	sadd.s32 s0, s14;
	s21 =	sadd.s32 s5, s25  }
0x17: {  	s22 =	sadd.s32 $0x4E0, s26;
	s23 =	sadd.s32 s6, s25;
	s25 =	simm.s32 $0x8000  }
0x18: {  	s26 =	simm.s32 $0x80;
	[dreg:$0x8] =	wrdreg s14;
	s14 =	sadd.s32 s0, s24  }
0x19: {  	s0 =	sadd.s32 s0, s4;
	s24 =	simm.s32 $0x3;
	[dreg:$0x9] =	wrdreg s14  }
0x1a: {  	s4 =	simm.s32 $0x2;
	[dreg:$0xa] =	wrdreg s0;
	s0 =	simm.s32 $0x8180  }
.LBB2_1:
0x1b: {  	s14 =	rddreg [dreg:$0x4]  }
0x1c: {  	[tilespmem:s3], [sflag:$0x3] =	stream.linear.gather [hbm4b:s14+s3], $0x4000, $0x38;
	[tilespmem:$0x1C200] =	vst v63  }
0x1d: {  	_ =	swait.ge [sflag:s24], $0x4000  }
0x1e: {  	[sflag:s24] =	ssyncset.done $0x0  }
0x1f: {  	[sflag:s24] =	ssyncadd.s32 $0xFFFFC000  }
0x20: {  	[spmem:s8] =	stream.linear.scatter [tilespmem:s3], [sflag:$0x3], $0x4000, $0x38;
	[tilespmem:$0x1C200] =	vst v63  }
0x21: {  	_ =	swait.ge [sflag:s24], $0x4000  }
0x22: {  	[sflag:s24] =	ssyncset.done $0x0  }
0x23: {  	[sflag:s24] =	ssyncadd.s32 $0xFFFFC000  }
0x24: {  	[spmem:s9] =	stream.linear.scatter [tilespmem:s3], [sflag:$0x3], $0x4000, $0x38;
	[tilespmem:$0x1C200] =	vst v63  }
0x25: {  	_ =	swait.ge [sflag:s24], $0x4000  }
0x26: {  	[sflag:s24] =	ssyncset.done $0x0  }
0x27: {  	[sflag:s24] =	ssyncadd.s32 $0xFFFFC000  }
0x28: {  	[spmem:s11] =	stream.linear.scatter [tilespmem:s3], [sflag:$0x3], $0x4000, $0x38;
	[tilespmem:$0x1C200] =	vst v63  }
0x29: {  	_ =	swait.ge [sflag:s24], $0x4000  }
0x2a: {  	[sflag:s24] =	ssyncset.done $0x0  }
0x2b: {  	[sflag:s24] =	ssyncadd.s32 $0xFFFFC000  }
0x2c: {  	[spmem:s12] =	stream.linear.scatter [tilespmem:s3], [sflag:$0x3], $0x4000, $0x38;
	[tilespmem:$0x1C200] =	vst v63  }
0x2d: {  	_ =	swait.ge [sflag:s24], $0x4000  }
0x2e: {  	[sflag:s24] =	ssyncset.done $0x0  }
0x2f: {  	[sflag:s24] =	ssyncadd.s32 $0xFFFFC000  }
0x30: {  	[spmem:s13] =	stream.linear.scatter [tilespmem:s3], [sflag:$0x3], $0x4000, $0x38;
	[tilespmem:$0x1C200] =	vst v63  }
0x31: {  	_ =	swait.ge [sflag:s24], $0x4000  }
0x32: {  	[sflag:s24] =	ssyncset.done $0x0  }
0x33: {  	[sflag:s24] =	ssyncadd.s32 $0xFFFFC000  }
0x34: {  	[bflag:$0x0] =	sbarrier.arrive $0xFFFF  }
0x35: {  	s16 =	simm.s32 $0x0;
	s15 =	rddreg [dreg:$0x5]  }
0x36: {  	[tilespmem:s25], [sflag:$0x3] =	stream.linear.gather [hbm4b:s15+s3], $0x80, $0x38;
	[tilespmem:$0x1C200] =	vst v63  }
0x37: {  	s15 =	sand.u32 $0x3C00, s16  }
0x38: {  	s14 =	sand.u32 $0x300, s16;
	_ =	swait.ge [sflag:s24], $0x80;
	s15 =	sadd.s32 s10, s15  }
0x39: {  	[sflag:s24] =	ssyncset.done $0x0;
	s14 =	sor.u32 s14, s15  }
0x3a: {  	[sflag:s24] =	ssyncadd.s32 $0xFFFFFF80;
	s14 =	sshrl.u32 s14, $0x3  }
0x3b: {  	[tilespmem:s3], [sflag:$0x1] =	stream.indirect.gather [hbm4b:s1+s26], $0x80, s25, s26, $0xb8;
	[tilespmem:$0x1C200] =	vst v63  }
0x3c: {  	s17 =	sor.u32 $0x10, s14  }
0x3d: {  	s16 =	sadd.s32 s5, s17  }
0x3e: {  	[tilespmem:s28], [sflag:$0x3] =	stream.linear.gather [hbm4b:s16+s3], $0x80, $0x38;
	[tilespmem:$0x1C200] =	vst v63  }
0x3f: {  	_ =	swait.ge [sflag:s24], $0x80  }
0x40: {  	[sflag:s24] =	ssyncset.done $0x0  }
0x41: {  	[sflag:s24] =	ssyncadd.s32 $0xFFFFFF80  }
0x42: {  	[tilespmem:s29], [sflag:$0x2] =	stream.indirect.gather [hbm4b:s1+s26], $0x80, s28, s26, $0xb8;
	[tilespmem:$0x1C200] =	vst v63  }
0x43: {  	s14 =	sadd.s32 s6, s14  }
0x44: {  	[tilespmem:s30], [sflag:$0x3] =	stream.linear.gather [hbm4b:s14+s3], $0x80, $0x38;
	[tilespmem:$0x1C200] =	vst v63  }
0x45: {  	_ =	swait.ge [sflag:s24], $0x80  }
0x46: {  	[sflag:s24] =	ssyncset.done $0x0  }
0x47: {  	[sflag:s24] =	ssyncadd.s32 $0xFFFFFF80  }
0x48: {  	s18 =	simm.s32 $0x100;
	_ =	swait.ge [sflag:s31], $0x4000  }
0x49: {  	s19 =	sand.u32 $0x7C00, s18;
	[sflag:s31] =	ssyncset.done $0x0  }
0x4a: {  	s16 =	sadd.s32 s10, s19;
	s14 =	sand.u32 $0x300, s18;
	[sflag:s31] =	ssyncadd.s32 $0xFFFFC000  }
0x4b: {  	[spmem:s2] =	stream.indirect.scatter.add.f32 [tilespmem:s3], [sflag:$0x3], $0x80, s30, s26, $0xb8;
	[tilespmem:$0x1C200] =	vst v63  }
0x4c: {  	s14 =	sor.u32 s14, s16;
	_ =	swait.ge [sflag:s24], $0x4000  }
0x4d: {  	s14 =	sshrl.u32 s14, $0x3;
	[sflag:s24] =	ssyncset.done $0x0  }
0x4e: {  	s14 =	sadd.s32 s5, s14;
	[sflag:s24] =	ssyncadd.s32 $0xFFFFC000  }
0x4f: {  	[tilespmem:s25], [sflag:$0x3] =	stream.linear.gather [hbm4b:s14+s3], $0x80, $0x38;
	[tilespmem:$0x1C200] =	vst v63  }
0x50: {  	_ =	swait.ge [sflag:s24], $0x80  }
0x51: {  	[sflag:s24] =	ssyncset.done $0x0  }
0x52: {  	[sflag:s24] =	ssyncadd.s32 $0xFFFFFF80  }
0x53: {  	[tilespmem:s3], [sflag:$0x1] =	stream.indirect.gather [hbm4b:s1+s26], $0x80, s25, s26, $0xb8;
	[tilespmem:$0x1C200] =	vst v63  }
0x54: {  	s16 =	sadd.s32 s6, s17  }
0x55: {  	[tilespmem:s0], [sflag:$0x3] =	stream.linear.gather [hbm4b:s16+s3], $0x80, $0x38;
	[tilespmem:$0x1C200] =	vst v63  }
0x56: {  	s17 =	simm.s32 $0x100;
	_ =	swait.ge [sflag:s24], $0x80  }
0x57: {  	s18 =	sand.u32 $0x3C00, s17;
	[sflag:s24] =	ssyncset.done $0x0  }
0x58: {  	s19 =	sand.u32 $0x300, s17;
	s15 =	sadd.s32 s10, s18;
	[sflag:s24] =	ssyncadd.s32 $0xFFFFFF80  }
0x59: {  	s14 =	simm.s32 $0x200;
	s16 =	sor.u32 s19, s15;
	_ =	swait.ge [sflag:s4], $0x4000  }
0x5a: {  	s15 =	simm.s32 $0x300;
	s17 =	sshrl.u32 s16, $0x3;
	[sflag:s4] =	ssyncset.done $0x0  }
.LBB2_2:
0x5b: {  	s16 =	sor.u32 $0x10, s17  }
0x5c: {  	[sflag:s4] =	ssyncadd.s32 $0xFFFFC000;
	s19 =	smov.u32 s15;
	s18 =	sadd.s32 $0x100, s15  }
0x5d: {  	[spmem:s2] =	stream.indirect.scatter.add.f32 [tilespmem:s29], [sflag:$0x3], $0x80, s0, s26, $0xb8;
	[tilespmem:$0x1C200] =	vst v63  }
0x5e: {  	p0 =	sne.s32 s15, $0x2700;
	_ =	swait.ge [sflag:s24], $0x4000  }
0x5f: {  	[sflag:s24] =	ssyncset.done $0x0  }
0x60: {  	s15 =	sadd.s32 s5, s16;
	[sflag:s24] =	ssyncadd.s32 $0xFFFFC000  }
0x61: {  	[tilespmem:s28], [sflag:$0x3] =	stream.linear.gather [hbm4b:s15+s3], $0x80, $0x38;
	[tilespmem:$0x1C200] =	vst v63  }
0x62: {  	_ =	swait.ge [sflag:s24], $0x80  }
0x63: {  	[sflag:s24] =	ssyncset.done $0x0  }
0x64: {  	[sflag:s24] =	ssyncadd.s32 $0xFFFFFF80  }
0x65: {  	[tilespmem:s29], [sflag:$0x2] =	stream.indirect.gather [hbm4b:s1+s26], $0x80, s28, s26, $0xb8;
	[tilespmem:$0x1C200] =	vst v63  }
0x66: {  	s15 =	sadd.s32 s6, s17  }
0x67: {  	[tilespmem:s30], [sflag:$0x3] =	stream.linear.gather [hbm4b:s15+s3], $0x80, $0x38;
	[tilespmem:$0x1C200] =	vst v63  }
0x68: {  	_ =	swait.ge [sflag:s24], $0x80  }
0x69: {  	[sflag:s24] =	ssyncset.done $0x0  }
0x6a: {  	[sflag:s24] =	ssyncadd.s32 $0xFFFFFF80  }
0x6b: {  	_ =	swait.ge [sflag:s31], $0x4000  }
0x6c: {  	[sflag:s31] =	ssyncset.done $0x0  }
0x6d: {  	s15 =	sand.u32 $0x7C00, s14;
	[sflag:s31] =	ssyncadd.s32 $0xFFFFC000  }
0x6e: {  	[spmem:s2] =	stream.indirect.scatter.add.f32 [tilespmem:s3], [sflag:$0x3], $0x80, s30, s26, $0xb8;
	[tilespmem:$0x1C200] =	vst v63  }
0x6f: {  	s14 =	sand.u32 $0x300, s14;
	s15 =	sadd.s32 s10, s15;
	_ =	swait.ge [sflag:s24], $0x4000  }
0x70: {  	s15 =	sor.u32 s14, s15;
	s14 =	smov.u32 s19;
	[sflag:s24] =	ssyncset.done $0x0  }
0x71: {  	s15 =	sshrl.u32 s15, $0x3;
	[sflag:s24] =	ssyncadd.s32 $0xFFFFC000  }
0x72: {  	s15 =	sadd.s32 s5, s15  }
0x73: {  	[tilespmem:s25], [sflag:$0x3] =	stream.linear.gather [hbm4b:s15+s3], $0x80, $0x38;
	[tilespmem:$0x1C200] =	vst v63  }
0x74: {  	_ =	swait.ge [sflag:s24], $0x80  }
0x75: {  	[sflag:s24] =	ssyncset.done $0x0  }
0x76: {  	[sflag:s24] =	ssyncadd.s32 $0xFFFFFF80  }
0x77: {  	[tilespmem:s3], [sflag:$0x1] =	stream.indirect.gather [hbm4b:s1+s26], $0x80, s25, s26, $0xb8;
	[tilespmem:$0x1C200] =	vst v63  }
0x78: {  	s15 =	sadd.s32 s6, s16  }
0x79: {  	[tilespmem:s0], [sflag:$0x3] =	stream.linear.gather [hbm4b:s15+s3], $0x80, $0x38;
	[tilespmem:$0x1C200] =	vst v63  }
.Ltmp0:
0x7a: {  	s15 =	sadd.s32 $0xFFFFFF00, s14;
	_ =	swait.ge [sflag:s24], $0x80;
	(pc) =	sbr.rel @p0 .LBB2_2-.Ltmp0, $4  }
0x7b: {  	s16 =	sand.u32 $0x3C00, s15;
	s15 =	sand.u32 $0x300, s15;
	[sflag:s24] =	ssyncset.done $0x0  }
0x7c: {  	s16 =	sadd.s32 s10, s16;
	[sflag:s24] =	ssyncadd.s32 $0xFFFFFF80  }
0x7d: {  	s15 =	sor.u32 s15, s16;
	_ =	swait.ge [sflag:s4], $0x4000  }
0x7e: {  	s17 =	sshrl.u32 s15, $0x3;
	s15 =	smov.u32 s18;
	[sflag:s4] =	ssyncset.done $0x0  }
0x7f: {  	[sflag:s4] =	ssyncadd.s32 $0xFFFFC000  }
0x80: {  	[spmem:s2] =	stream.indirect.scatter.add.f32 [tilespmem:s29], [sflag:$0x3], $0x80, s0, s26, $0xb8;
	[tilespmem:$0x1C200] =	vst v63  }
0x81: {  	_ =	swait.ge [sflag:s24], $0x4000  }
0x82: {  	s15 =	sor.u32 $0x10, s17;
	[sflag:s24] =	ssyncset.done $0x0  }
0x83: {  	s16 =	sadd.s32 s5, s15;
	[sflag:s24] =	ssyncadd.s32 $0xFFFFC000  }
0x84: {  	[tilespmem:s28], [sflag:$0x3] =	stream.linear.gather [hbm4b:s16+s3], $0x80, $0x38;
	[tilespmem:$0x1C200] =	vst v63  }
0x85: {  	_ =	swait.ge [sflag:s24], $0x80  }
0x86: {  	[sflag:s24] =	ssyncset.done $0x0  }
0x87: {  	[sflag:s24] =	ssyncadd.s32 $0xFFFFFF80  }
0x88: {  	[tilespmem:s29], [sflag:$0x2] =	stream.indirect.gather [hbm4b:s1+s26], $0x80, s28, s26, $0xb8;
	[tilespmem:$0x1C200] =	vst v63  }
0x89: {  	s19 =	sadd.s32 s6, s17  }
0x8a: {  	[tilespmem:s30], [sflag:$0x3] =	stream.linear.gather [hbm4b:s19+s3], $0x80, $0x38;
	[tilespmem:$0x1C200] =	vst v63  }
0x8b: {  	_ =	swait.ge [sflag:s24], $0x80  }
0x8c: {  	[sflag:s24] =	ssyncset.done $0x0  }
0x8d: {  	[sflag:s24] =	ssyncadd.s32 $0xFFFFFF80  }
0x8e: {  	_ =	swait.ge [sflag:s31], $0x4000  }
0x8f: {  	s17 =	sand.u32 $0x7C00, s14;
	[sflag:s31] =	ssyncset.done $0x0  }
0x90: {  	s18 =	sand.u32 $0x300, s14;
	s16 =	sadd.s32 s10, s17;
	[sflag:s31] =	ssyncadd.s32 $0xFFFFC000  }
0x91: {  	[spmem:s2] =	stream.indirect.scatter.add.f32 [tilespmem:s3], [sflag:$0x3], $0x80, s30, s26, $0xb8;
	[tilespmem:$0x1C200] =	vst v63  }
0x92: {  	s14 =	sor.u32 s18, s16;
	_ =	swait.ge [sflag:s24], $0x4000  }
0x93: {  	s14 =	sshrl.u32 s14, $0x3;
	[sflag:s24] =	ssyncset.done $0x0  }
0x94: {  	s14 =	sadd.s32 s5, s14;
	[sflag:s24] =	ssyncadd.s32 $0xFFFFC000  }
0x95: {  	[tilespmem:s25], [sflag:$0x3] =	stream.linear.gather [hbm4b:s14+s3], $0x80, $0x38;
	[tilespmem:$0x1C200] =	vst v63  }
0x96: {  	_ =	swait.ge [sflag:s24], $0x80  }
0x97: {  	[sflag:s24] =	ssyncset.done $0x0  }
0x98: {  	[sflag:s24] =	ssyncadd.s32 $0xFFFFFF80  }
0x99: {  	[tilespmem:s3], [sflag:$0x1] =	stream.indirect.gather [hbm4b:s1+s26], $0x80, s25, s26, $0xb8;
	[tilespmem:$0x1C200] =	vst v63  }
0x9a: {  	s19 =	sadd.s32 s6, s15  }
0x9b: {  	[tilespmem:s0], [sflag:$0x3] =	stream.linear.gather [hbm4b:s19+s3], $0x80, $0x38;
	[tilespmem:$0x1C200] =	vst v63  }
0x9c: {  	_ =	swait.ge [sflag:s24], $0x80  }
0x9d: {  	[sflag:s24] =	ssyncset.done $0x0  }
0x9e: {  	[sflag:s24] =	ssyncadd.s32 $0xFFFFFF80  }
0x9f: {  	_ =	swait.ge [sflag:s4], $0x4000  }
0xa0: {  	[sflag:s4] =	ssyncset.done $0x0  }
0xa1: {  	[sflag:s4] =	ssyncadd.s32 $0xFFFFC000  }
0xa2: {  	[spmem:s2] =	stream.indirect.scatter.add.f32 [tilespmem:s29], [sflag:$0x3], $0x80, s0, s26, $0xb8;
	[tilespmem:$0x1C200] =	vst v63  }
0xa3: {  	_ =	swait.ge [sflag:s24], $0x4000  }
0xa4: {  	[sflag:s24] =	ssyncset.done $0x0  }
0xa5: {  	[sflag:s24] =	ssyncadd.s32 $0xFFFFC000  }
0xa6: {  	[tilespmem:s28], [sflag:$0x3] =	stream.linear.gather [hbm4b:s21+s3], $0x80, $0x38;
	[tilespmem:$0x1C200] =	vst v63  }
0xa7: {  	_ =	swait.ge [sflag:s24], $0x80  }
0xa8: {  	[sflag:s24] =	ssyncset.done $0x0  }
0xa9: {  	[sflag:s24] =	ssyncadd.s32 $0xFFFFFF80  }
0xaa: {  	[tilespmem:s29], [sflag:$0x2] =	stream.indirect.gather [hbm4b:s1+s26], $0x80, s28, s26, $0xb8;
	[tilespmem:$0x1C200] =	vst v63  }
0xab: {  	_ = 	snop  }
0xac: {  	[tilespmem:s30], [sflag:$0x3] =	stream.linear.gather [hbm4b:s22+s3], $0x80, $0x38;
	[tilespmem:$0x1C200] =	vst v63  }
0xad: {  	_ =	swait.ge [sflag:s24], $0x80  }
0xae: {  	[sflag:s24] =	ssyncset.done $0x0  }
0xaf: {  	[sflag:s24] =	ssyncadd.s32 $0xFFFFFF80  }
0xb0: {  	_ =	swait.ge [sflag:s31], $0x4000  }
0xb1: {  	[sflag:s31] =	ssyncset.done $0x0  }
0xb2: {  	[sflag:s31] =	ssyncadd.s32 $0xFFFFC000  }
0xb3: {  	[spmem:s2] =	stream.indirect.scatter.add.f32 [tilespmem:s3], [sflag:$0x3], $0x80, s30, s26, $0xb8;
	[tilespmem:$0x1C200] =	vst v63  }
0xb4: {  	_ =	swait.ge [sflag:s24], $0x4000  }
0xb5: {  	[sflag:s24] =	ssyncset.done $0x0  }
0xb6: {  	[sflag:s24] =	ssyncadd.s32 $0xFFFFC000  }
0xb7: {  	[tilespmem:s0], [sflag:$0x3] =	stream.linear.gather [hbm4b:s23+s3], $0x80, $0x38;
	[tilespmem:$0x1C200] =	vst v63  }
0xb8: {  	_ =	swait.ge [sflag:s24], $0x80  }
0xb9: {  	[sflag:s24] =	ssyncset.done $0x0  }
0xba: {  	[sflag:s24] =	ssyncadd.s32 $0xFFFFFF80  }
0xbb: {  	_ =	swait.ge [sflag:s4], $0x4000  }
0xbc: {  	[sflag:s4] =	ssyncset.done $0x0  }
0xbd: {  	[sflag:s4] =	ssyncadd.s32 $0xFFFFC000  }
0xbe: {  	[spmem:s2] =	stream.indirect.scatter.add.f32 [tilespmem:s29], [sflag:$0x3], $0x80, s0, s26, $0xb8;
	[tilespmem:$0x1C200] =	vst v63  }
0xbf: {  	_ =	swait.ge [sflag:s24], $0x4000  }
0xc0: {  	[sflag:s24] =	ssyncset.done $0x0  }
0xc1: {  	[sflag:s24] =	ssyncadd.s32 $0xFFFFC000  }
0xc2: {  	[bflag:$0x0] =	sbarrier.arrive $0xFFFF  }
0xc3: {  	[tilespmem:s3], [sflag:$0x3] =	stream.linear.gather [spmem:s8], $0x4000, $0x38;
	[tilespmem:$0x1C200] =	vst v63  }
0xc4: {  	_ =	swait.ge [sflag:s24], $0x4000  }
0xc5: {  	[sflag:s24] =	ssyncset.done $0x0  }
0xc6: {  	s15 =	rddreg [dreg:$0x6];
	[sflag:s24] =	ssyncadd.s32 $0xFFFFC000  }
0xc7: {  	[hbm4b:s15+s3] =	stream.linear.scatter [tilespmem:s3], [sflag:$0x3], $0x4000, $0x38;
	[tilespmem:$0x1C200] =	vst v63  }
0xc8: {  	_ =	swait.ge [sflag:s24], $0x4000  }
0xc9: {  	[sflag:s24] =	ssyncset.done $0x0  }
0xca: {  	[sflag:s24] =	ssyncadd.s32 $0xFFFFC000  }
0xcb: {  	[tilespmem:s3], [sflag:$0x3] =	stream.linear.gather [spmem:s9], $0x4000, $0x38;
	[tilespmem:$0x1C200] =	vst v63  }
0xcc: {  	_ =	swait.ge [sflag:s24], $0x4000  }
0xcd: {  	[sflag:s24] =	ssyncset.done $0x0  }
0xce: {  	s16 =	rddreg [dreg:$0x7];
	[sflag:s24] =	ssyncadd.s32 $0xFFFFC000  }
0xcf: {  	[hbm4b:s16+s3] =	stream.linear.scatter [tilespmem:s3], [sflag:$0x3], $0x4000, $0x38;
	[tilespmem:$0x1C200] =	vst v63  }
0xd0: {  	_ =	swait.ge [sflag:s24], $0x4000  }
0xd1: {  	[sflag:s24] =	ssyncset.done $0x0  }
0xd2: {  	[sflag:s24] =	ssyncadd.s32 $0xFFFFC000  }
0xd3: {  	[tilespmem:s3], [sflag:$0x3] =	stream.linear.gather [spmem:s11], $0x4000, $0x38;
	[tilespmem:$0x1C200] =	vst v63  }
0xd4: {  	_ =	swait.ge [sflag:s24], $0x4000  }
0xd5: {  	[sflag:s24] =	ssyncset.done $0x0  }
0xd6: {  	s17 =	rddreg [dreg:$0x8];
	[sflag:s24] =	ssyncadd.s32 $0xFFFFC000  }
0xd7: {  	[hbm4b:s17+s3] =	stream.linear.scatter [tilespmem:s3], [sflag:$0x3], $0x4000, $0x38;
	[tilespmem:$0x1C200] =	vst v63  }
0xd8: {  	_ =	swait.ge [sflag:s24], $0x4000  }
0xd9: {  	[sflag:s24] =	ssyncset.done $0x0  }
0xda: {  	[sflag:s24] =	ssyncadd.s32 $0xFFFFC000  }
0xdb: {  	[tilespmem:s3], [sflag:$0x3] =	stream.linear.gather [spmem:s12], $0x4000, $0x38;
	[tilespmem:$0x1C200] =	vst v63  }
0xdc: {  	_ =	swait.ge [sflag:s24], $0x4000  }
0xdd: {  	[sflag:s24] =	ssyncset.done $0x0  }
0xde: {  	s18 =	rddreg [dreg:$0x9];
	[sflag:s24] =	ssyncadd.s32 $0xFFFFC000  }
0xdf: {  	[hbm4b:s18+s3] =	stream.linear.scatter [tilespmem:s3], [sflag:$0x3], $0x4000, $0x38;
	[tilespmem:$0x1C200] =	vst v63  }
0xe0: {  	_ =	swait.ge [sflag:s24], $0x4000  }
0xe1: {  	[sflag:s24] =	ssyncset.done $0x0  }
0xe2: {  	[sflag:s24] =	ssyncadd.s32 $0xFFFFC000  }
0xe3: {  	[tilespmem:s3], [sflag:$0x3] =	stream.linear.gather [spmem:s13], $0x4000, $0x38;
	[tilespmem:$0x1C200] =	vst v63  }
0xe4: {  	s7 =	sadd.s32 $0x1, s7;
	_ =	swait.ge [sflag:s24], $0x4000  }
0xe5: {  	p0 =	sne.s32 s7, s20;
	[sflag:s24] =	ssyncset.done $0x0  }
.Ltmp1:
0xe6: {  	s19 =	rddreg [dreg:$0xa];
	[sflag:s24] =	ssyncadd.s32 $0xFFFFC000;
	(pc) =	sbr.rel @p0 .LBB2_1-.Ltmp1, $4  }
0xe7: {  	[hbm4b:s19+s3] =	stream.linear.scatter [tilespmem:s3], [sflag:$0x3], $0x4000, $0x38;
	[tilespmem:$0x1C200] =	vst v63  }
0xe8: {  	_ =	swait.ge [sflag:s24], $0x4000  }
0xe9: {  	[sflag:s24] =	ssyncset.done $0x0  }
0xea: {  	[sflag:s24] =	ssyncadd.s32 $0xFFFFC000  }
0xeb: {  	_ =	sfence.sel $0x180000  }
0xec: {  	[bflag:$0x0] =	sbarrier.arrive $0xFFFF  }
0xed: {  	_ =	strace $0x9000004D  }
0xee: {  	s0 =	stileid.u32;
	[bflag:$0x2] =	sbarrier.arrive $0xFFFF  }
0xef: {  	p0 =	sne.s32 s0, $0x0;
	s0 =	rddreg [dreg:$0x3]  }
0xf0: {  	s0 =	sadd.s32 @!p0 $0x100000, s0  }
0xf1: {  	[sflag:s0] =	ssyncadd.tile.s32 @!p0 $0x1;
	_ =	shalt  }
.Lfunc_end2:
_tile_overlayer_lowered:
.L_overlay_start_2:
0xf2: {  	(tag) =	ssettag $0x2  }
0xf3: {  	s0 =	rddreg [dreg:$0x0];
	s2 =	stileid.u32  }
0xf4: {  	s1 =	rddreg [dreg:$0x1];
	p0 =	sne.s32 s2, $0x0  }
0xf5: {  	s3 =	rddreg [dreg:$0x2];
	[bflag:$0x3] =	sbarrier.arrive $0xFFFF;
	s2 =	simm.s32 @!p0 $0x1C03  }
0xf6: {  	[timem:s3], [sflag:s2] =	dma.local @!p0 [hbm:s0], s1  }
0xf7: {  	s0 =	simm.s32 @!p0 $0x3  }
0xf8: {  	_ =	swait.ge @!p0 [sflag:s0], s1  }
0xf9: {  	s1 =	ssub.s32 @!p0 $0x0, s1;
	[sflag:s0] =	ssyncset.done @!p0 $0x0  }
0xfa: {  	[sflag:s0] =	ssyncadd.s32 @!p0 s1  }
0xfb: {  	[bflag:$0x3] =	sbarrier.arrive $0xFFFF  }
0xfc: {  	_ =	shalt  }

// kernel: kernel.7.cloned.1.call-start
scs
__scs_entry_jumppad:
0x0: {  	(pc) =	sbr.rel $0x88, $3  }
0x1: {  	(tag) =	ssettag $0x0;
	lr =	simm.s32 $0x1  }
0x2: {  	[smem:$0x3F99] =	sst lr;
	_ =	strace $0xD0000000  }
0x3: {  	_ = 	snop  }
0x4: {  	_ = 	snop  }
0x5: {  	_ = 	snop  }
0x6: {  	_ = 	snop  }
0x7: {  	_ = 	snop  }
__scs_overlays_trampoline_lowered:
0x8: {  	[smem:$0x3FA8] =	sst s0  }
0x9: {  	[smem:$0x3FA9] =	sst s1  }
0xa: {  	[smem:$0x3FAA] =	sst s2  }
0xb: {  	[smem:$0x3FAB] =	sst s3  }
0xc: {  	[smem:$0x3FAC] =	sst s4  }
0xd: {  	[smem:$0x3FAD] =	sst s5  }
0xe: {  	[smem:$0x3FAE] =	sst s6  }
0xf: {  	[smem:$0x3FAF] =	sst s7  }
0x10: {  	[smem:$0x3FB0] =	sst s8  }
0x11: {  	[smem:$0x3FB1] =	sst s9;
	s0 =	simm.s32 @!p0 $0x0  }
0x12: {  	s1 =	sld [smem:$0x3F97];
	s0 =	simm.s32 @p0 $0x1  }
0x13: {  	[smem:$0x3FB2] =	sst s0;
	s0 =	simm.s32 @!p1 $0x0  }
0x14: {  	s2 =	sld [smem:$0x3F96];
	s0 =	simm.s32 @p1 $0x1  }
0x15: {  	[smem:$0x3FB3] =	sst s0;
	s0 =	simm.s32 @!p2 $0x0  }
0x16: {  	s3 =	sld [smem:$0x3FDB];
	s0 =	simm.s32 @p2 $0x1  }
0x17: {  	s4 =	simm.s32 $0x1BF5;
	[smem:$0x3FB5] =	sst s0  }
0x18: {  	s0 =	sld [smem:$0x3F98];
	_ =	swait.ge [sflag:s4], $0x0  }
0x19: {  	s7 =	sld [smem:$0x3F99]  }
0x1a: {  	s8 =	sadd.s32 $0xFFFFE003, lr  }
0x1b: {  	s9 =	sadd.s32 $0xFFFFFEF7, lr;
	s5 =	simm.s32 $0xFFFFFFFF;
	p2 =	slt.u32 s8, $0xFFFFF086  }
0x1c: {  	p1 =	slt.u32 s9, $0xF7A;
	s5 =	simm.s32 @!p2 $0x0  }
0x1d: {  	s5 =	simm.s32 @p1 $0x1;
	p0 =	seq.s32 s7, s2  }
0x1e: {  	s7 =	smul.u32 @!p0 $0xF7A, s2;
	p2 =	seq.s32 @!p0 s5, $0x0  }
0x1f: {  	s9 =	smul.u32 $0xF7A, s1;
	s8 =	simm.s32 @!p0 $0x1BF5;
	p2 =	por !p2, p0  }
0x20: {  	[sflag:s8] =	ssyncset.s32 @!p0 $0xFFFFF086;
	s6 =	sadd.s32 @!p0 s3, s7;
	s7 =	simm.s32 @!p0 $0x108  }
0x21: {  	s3 =	sadd.s32 s3, s9;
	s6 =	sadd.s32 @!p0 $0x88, s6;
	s7 =	simm.s32 @p2 $0x1082  }
0x22: {  	[simem:s7], [sflag:s8] =	dma.local @!p0 [hbm:s6], $0xF7A  }
0x23: {  	s9 =	sor.u32 $0xD0000000, s2;
	s6 =	simm.s32 $0x108;
	_ =	swait.ge @!p0 [sflag:s8], $0x0  }
0x24: {  	s3 =	sadd.s32 $0x88, s3;
	s6 =	simm.s32 @!p1 $0x1082;
	[sflag:s4] =	ssyncset.s32 $0xFFFFF086  }
0x25: {  	[simem:s6], [sflag:s4] =	dma.local [hbm:s3], $0xF7A  }
0x26: {  	[smem:$0x3F99] =	sst s1;
	(tag) =	ssettag s2;
	_ =	strace s9  }
0x27: {  	s1 =	sld [smem:$0x3FA9]  }
0x28: {  	s2 =	sld [smem:$0x3FAA]  }
0x29: {  	s4 =	sld [smem:$0x3FAC]  }
0x2a: {  	p0 =	seq.s32 s5, $0x0;
	s5 =	sld [smem:$0x3FAD]  }
0x2b: {  	s6 =	sld [smem:$0x3FAE]  }
0x2c: {  	s7 =	sld [smem:$0x3FAF]  }
0x2d: {  	s3 =	simm.s32 $0x108;
	s8 =	sld [smem:$0x3FB0]  }
0x2e: {  	s3 =	simm.s32 @!p0 $0x1082;
	s9 =	sld [smem:$0x3FB1]  }
0x2f: {  	lr =	sadd.s32 s0, s3;
	s0 =	sld [smem:$0x3FA8]  }
0x30: {  	s3 =	sld [smem:$0x3FAB]  }
0x31: {  	[smem:$0x3FB4] =	sst s10  }
0x32: {  	s10 =	sld [smem:$0x3FB2];
	_ =	sdelay $0x3  }
0x33: {  	p0 =	seq.s32 s10, $0x1;
	s10 =	sld [smem:$0x3FB4];
	_ =	sdelay $0x3  }
0x34: {  	[smem:$0x3FB4] =	sst s10  }
0x35: {  	s10 =	sld [smem:$0x3FB3];
	_ =	sdelay $0x3  }
0x36: {  	p1 =	seq.s32 s10, $0x1;
	s10 =	sld [smem:$0x3FB4];
	_ =	sdelay $0x3  }
0x37: {  	[smem:$0x3FB4] =	sst s10  }
0x38: {  	s10 =	sld [smem:$0x3FB5]  }
0x39: {  	_ = 	snop;
	(pc) =	sbr.ind lr, $3  }
0x3a: {  	_ = 	snop  }
0x3b: {  	_ = 	snop  }
0x3c: {  	p2 =	seq.s32 s10, $0x1;
	s10 =	sld [smem:$0x3FB4]  }
0x3d: {  	_ =	shalt  }
0x3e: {  	_ =	shalt  }
0x3f: {  	_ =	shalt  }
0x40: {  	_ =	shalt  }
0x41: {  	_ =	shalt  }
0x42: {  	_ =	shalt  }
0x43: {  	_ =	shalt  }
0x44: {  	_ =	shalt  }
0x45: {  	_ =	shalt  }
0x46: {  	_ =	shalt  }
0x47: {  	_ =	shalt  }
0x48: {  	_ =	shalt  }
0x49: {  	_ =	shalt  }
0x4a: {  	_ =	shalt  }
0x4b: {  	_ =	shalt  }
0x4c: {  	_ =	shalt  }
0x4d: {  	_ =	shalt  }
0x4e: {  	_ =	shalt  }
0x4f: {  	_ =	shalt  }
0x50: {  	_ =	shalt  }
0x51: {  	_ =	shalt  }
0x52: {  	_ =	shalt  }
0x53: {  	_ =	shalt  }
0x54: {  	_ =	shalt  }
0x55: {  	_ =	shalt  }
0x56: {  	_ =	shalt  }
0x57: {  	_ =	shalt  }
0x58: {  	_ =	shalt  }
0x59: {  	_ =	shalt  }
0x5a: {  	_ =	shalt  }
0x5b: {  	_ =	shalt  }
0x5c: {  	_ =	shalt  }
0x5d: {  	_ =	shalt  }
0x5e: {  	_ =	shalt  }
0x5f: {  	_ =	shalt  }
0x60: {  	_ =	shalt  }
0x61: {  	_ =	shalt  }
0x62: {  	_ =	shalt  }
0x63: {  	_ =	shalt  }
0x64: {  	_ =	shalt  }
0x65: {  	_ =	shalt  }
0x66: {  	_ =	shalt  }
0x67: {  	_ =	shalt  }
0x68: {  	_ =	shalt  }
0x69: {  	_ =	shalt  }
0x6a: {  	_ =	shalt  }
0x6b: {  	_ =	shalt  }
0x6c: {  	_ =	shalt  }
0x6d: {  	_ =	shalt  }
0x6e: {  	_ =	shalt  }
0x6f: {  	_ =	shalt  }
0x70: {  	_ =	shalt  }
0x71: {  	_ =	shalt  }
0x72: {  	_ =	shalt  }
0x73: {  	_ =	shalt  }
0x74: {  	_ =	shalt  }
0x75: {  	_ =	shalt  }
0x76: {  	_ =	shalt  }
0x77: {  	_ =	shalt  }
0x78: {  	_ =	shalt  }
0x79: {  	_ =	shalt  }
0x7a: {  	_ =	shalt  }
0x7b: {  	_ =	shalt  }
0x7c: {  	_ =	shalt  }
0x7d: {  	_ =	shalt  }
0x7e: {  	_ =	shalt  }
0x7f: {  	_ =	shalt  }
0x80: {  	_ =	shalt  }
0x81: {  	_ =	shalt  }
0x82: {  	_ =	shalt  }
0x83: {  	_ =	shalt  }
0x84: {  	_ =	shalt  }
0x85: {  	_ =	shalt  }
0x86: {  	_ =	shalt  }
0x87: {  	_ =	shalt  }
.Lfunc_end0:
.L_simem_size_0:
called_computation_lowered:
.L_overlay_start_0:
0x88: {  	s2 =	sld [smem:$0x3FD9]  }
0x89: {  	s3 =	sld [smem:$0x3FFE];
	_ =	sdelay $0x1  }
0x8a: {  	s1 =	srdreg.scid  }
0x8b: {  	s0 =	sand.u32 $0x1, s1  }
0x8c: {  	s17 =	sshll.u32 s0, $0xA;
	s2 =	sadd.s32 s3, s2  }
0x8d: {  	s2 =	sadd.s32 s2, s17  }
0x8e: {  	[smem:$0x3FC0] =	sst s2  }
0x8f: {  	_ = 	snop  }
0x90: {  	s18 =	sld [smem:$0x3FD0];
	(tm) =	ssettm $0x1  }
0x91: {  	s19 =	sld [smem:$0x3FFB];
	_ =	sdelay $0x3  }
0x92: {  	_ =	strace s19  }
0x93: {  	s2 =	sld [smem:$0x3FFC];
	_ =	sdelay $0x3  }
0x94: {  	_ =	strace s2  }
0x95: {  	s2 =	sld [smem:$0x3FFD];
	_ =	sdelay $0x3  }
0x96: {  	_ =	strace s2  }
0x97: {  	_ =	strace $0x8FFFFFFF  }
0x98: {  	s20 =	sld [smem:$0x3FDB];
	_ =	sdelay $0x1  }
0x99: {  	s4 =	simm.s32 $_scs_section_size  }
0x9a: {  	s5 =	simm.s32 $_size__tile_overlayer_lowered;
	s6 =	simm.s32 $_tile_overlayer_lowered  }
0x9b: {  	s7 =	simm.s32 $0x1BFF;
	s21 =	sshll.u32 s6, $0x1;
	s4 =	sadd.s32 s4, s20  }
0x9c: {  	s22 =	simm.s32 $0x0;
	s5 =	sshll.u32 s5, $0x1;
	s6 =	sadd.s32 s21, s4  }
0x9d: {  	[timem:s22], [sflag:s7] =	dma.local [hbm:s6], s5  }
0x9e: {  	_ =	swait.ge [sflag:s7], s5  }
0x9f: {  	s5 =	ssub.s32 $0x0, s5;
	[sflag:s7] =	ssyncset.done $0x0  }
0xa0: {  	[sflag:s7] =	ssyncadd.s32 s5;
	_ =	sdelay $0x1  }
0xa1: {  	s23 =	simm.s32 $0x1B8B  }
0xa2: {  	_ =	swait.ge [sflag:s23], $0x1  }
0xa3: {  	[sflag:s23] =	ssyncset.done $0x0  }
0xa4: {  	[sflag:s23] =	ssyncadd.s32 $0xFFFFFFFF  }
0xa5: {  	s5 =	sld [smem:$0x0]  }
0xa6: {  	s6 =	sand.u32 $0xFFFFFFFE, s1  }
0xa7: {  	p0 =	sne.s32 s1, s6  }
0xa8: {  	s6 =	sshll.u32 @p0 s6, $0xE  }
0xa9: {  	s6 =	sadd.s32 @p0 $0x11B8D, s6;
	s7 =	sshll.u32 @p0 s5, $0x11  }
0xaa: {  	s6 =	sor.u32 @p0 s7, s6  }
0xab: {  	[sflag:s6] =	ssyncadd.remote.s32 @p0 $0x1;
	_ =	sdelay $0x1  }
0xac: {  	s6 =	simm.s32 @p0 $0x1B8D  }
0xad: {  	_ =	swait.eq @p0 [sflag:s6], $0x1  }
0xae: {  	[sflag:s6] =	ssyncadd.s32 @p0 $0xFFFFFFFF  }
0xaf: {  	s7 =	sshll.u32 @!p0 s1, $0xE  }
0xb0: {  	s7 =	sor.u32 @!p0 $0x4000, s7;
	s6 =	simm.s32 @!p0 $0x1B8D  }
0xb1: {  	s5 =	sshll.u32 @!p0 s5, $0x11;
	s7 =	sadd.s32 @!p0 $0x11B8D, s7;
	_ =	swait.eq @!p0 [sflag:s6], $0x1  }
0xb2: {  	s5 =	sor.u32 @!p0 s5, s7;
	[sflag:s6] =	ssyncadd.s32 @!p0 $0xFFFFFFFF  }
0xb3: {  	s25 =	simm.s32 $0x1B8E;
	s24 =	sld [smem:$0x3FFE];
	[sflag:s5] =	ssyncadd.remote.s32 @!p0 $0x1  }
0xb4: {  	s26 =	simm.s32 $execute0_lowered;
	[smem:$0x3FD2] =	sst s25  }
0xb5: {  	s6 =	sshll.u32 s26, $0x1;
	_ =	strace $0x80000049;
	[dreg:$0x1] =	wrdreg $0xFFFFFFFF  }
0xb6: {  	s28 =	simm.s32 $_size_execute0_lowered;
	s4 =	sadd.s32 s4, s6;
	[dreg:$0x0] =	wrdreg $0x0  }
0xb7: {  	s6 =	sshll.u32 s28, $0x1;
	[dreg:$0x2] =	wrdreg s4  }
0xb8: {  	[dreg:$0x3] =	wrdreg s6  }
0xb9: {  	[dreg:$0x4] =	wrdreg $0xC0  }
0xba: {  	_ =	task [dreg:s22], $0x5FFFF  }
0xbb: {  	[dreg:$0x1] =	wrdreg $0xFFFFFFFF  }
0xbc: {  	[dreg:$0x0] =	wrdreg $0x60  }
0xbd: {  	[dreg:$0x2] =	wrdreg s24  }
0xbe: {  	[dreg:$0x3] =	wrdreg s18  }
0xbf: {  	[dreg:$0x4] =	wrdreg $0xA8000  }
0xc0: {  	[dreg:$0x5] =	wrdreg $0x9  }
0xc1: {  	_ =	task.clear_ibuf [dreg:s22], $0x6FFFF;
	_ =	strace $0x90000049  }
0xc2: {  	s29 =	simm.s32 $0x9;
	_ =	strace $0x8000004B  }
0xc3: {  	_ =	swait.ge [sflag:s29], $0x1  }
0xc4: {  	[sflag:s29] =	ssyncadd.s32 $0xFFFFFFFF  }
0xc5: {  	_ =	strace $0x9000004B  }
0xc6: {  	_ =	sfence  }
0xc7: {  	s30 =	sld [smem:$0x0];
	_ =	sdelay $0x2  }
0xc8: {  	s31 =	sshll.u32 s1, $0xD;
	s1 =	sshrl.u32 s1, $0x2  }
0xc9: {  	s4 =	sand.u32 $0x4000, s31;
	s1 =	sadd.s32 s1, s30  }
0xca: {  	s0 =	sor.u32 s4, s0;
	s1 =	sshll.u32 s1, $0x11  }
0xcb: {  	s0 =	sor.u32 s1, s0  }
0xcc: {  	s0 =	sadd.s32 $0x8F2B, s0  }
0xcd: {  	[sflag:s0] =	ssyncadd.remote.s32 $0x1  }
0xce: {  	_ =	sfence.sel $0xFFFF  }
0xcf: {  	[dreg:$0x0] =	wrdreg $0xFFFFFFFF;
	(pc) =	sbr.abs _section_cstart, $3  }
0xd0: {  	[dreg:$0x1] =	wrdreg $0xFFFFFFFF  }
0xd1: {  	_ =	task.clear_ibuf [dreg:s22], $0x2FFFF;
	_ =	strace $0x9FFFFFFF  }
0xd2: {  	(tm) =	ssettm $0x7FFFFFFF  }
0xd3: {  	_ =	shalt  }
tec
execute0_lowered:
.L_overlay_start_1:
0x0: {  	(tag) =	ssettag $0x1  }
0x1: {  	s6 =	rddreg [dreg:$0x0]  }
0x2: {  	s0 =	srdreg.scid;
	s2 =	rddreg [dreg:$0x1]  }
0x3: {  	s3 =	rddreg [dreg:$0x2];
	s4 =	simm.s32 $0x0;
	s21 =	simm.s32 $0x80  }
0x4: {  	s22 =	simm.s32 $0x0;
	s8 =	sand.u32 $0x1, s0;
	s0 =	stileid.u32  }
0x5: {  	[smem:$0x7FF] =	sst s4;
	s16 =	sadd.s32 $0x66600, s6;
	s9 =	smul.u32 $0x50000, s0  }
0x6: {  	s1 =	sshll.u32 s8, $0x4;
	s31 =	ssub.s32 $0x2, s8;
	s11 =	smul.u32 $0x14000, s0  }
0x7: {  	s15 =	smul.u32 $0x140000, s8;
	s5 =	sor.u32 s0, s1;
	s1 =	rddreg [dreg:$0x3]  }
0x8: {  	_ =	strace $0x8000004A;
	s10 =	sshrl.u32 s31, $0x1;
	s5 =	smul.u32 $0x500, s5  }
0x9: {  	s9 =	sshrl.u32 s9, $0x2;
	s17 =	ssub.s32 s31, s10;
	s12 =	sadd.s32 $0x4000, s11  }
0xa: {  	s14 =	sadd.s32 $0x8000, s11;
	s18 =	sadd.s32 $0xC000, s11;
	s13 =	sadd.s32 s11, s15  }
0xb: {  	s19 =	sadd.s32 $0x10000, s11;
	s8 =	sadd.s32 s12, s3;
	s10 =	sadd.s32 s18, s3  }
0xc: {  	s12 =	sadd.s32 s15, s12;
	s13 =	sshrl.u32 s13, $0x3;
	s11 =	sadd.s32 s19, s3  }
0xd: {  	s18 =	sadd.s32 s15, s18;
	s17 =	smax.u32 s17, $0x1;
	s7 =	sadd.s32 s5, s6  }
0xe: {  	s5 =	sadd.s32 $0x15E00, s6;
	s20 =	sshrl.u32 s12, $0x3;
	s12 =	sadd.s32 s16, s13  }
0xf: {  	s18 =	sshrl.u32 s18, $0x3;
	s6 =	sadd.s32 $0x1E00, s7;
	s7 =	sadd.s32 s9, s3  }
0x10: {  	s9 =	sadd.s32 s14, s3;
	s13 =	sadd.s32 s16, s20;
	s14 =	sadd.s32 s15, s14  }
0x11: {  	s15 =	sadd.s32 s15, s19;
	s20 =	simm.s32 $0x6800;
	s14 =	sshrl.u32 s14, $0x3  }
0x12: {  	s19 =	sshrl.u32 s15, $0x3;
	s15 =	sadd.s32 s16, s18;
	s18 =	simm.s32 $0x1  }
0x13: {  	s14 =	sadd.s32 s16, s14;
	s16 =	sadd.s32 s16, s19;
	s19 =	simm.s32 $0x2800  }
.LBB2_1:
0x14: {  	[tilespmem:s4], [sflag:$0x1] =	stream.linear.gather [hbm4b:s6+s4], $0x2800, $0x38;
	[tilespmem:$0x1E800] =	vst v63  }
0x15: {  	_ =	swait.ge [sflag:s18], $0x2800  }
0x16: {  	[sflag:s18] =	ssyncset.done $0x0  }
0x17: {  	[sflag:s18] =	ssyncadd.s32 $0xFFFFD800  }
0x18: {  	[tilespmem:s19], [sflag:$0x1] =	stream.linear.gather [hbm4b:s2+s4], $0x4000, $0x38;
	[tilespmem:$0x1E800] =	vst v63  }
0x19: {  	_ =	swait.ge [sflag:s18], $0x4000  }
0x1a: {  	[sflag:s18] =	ssyncset.done $0x0  }
0x1b: {  	[sflag:s18] =	ssyncadd.s32 $0xFFFFC000  }
0x1c: {  	[tilespmem:s20], [sflag:$0x1] =	stream.linear.gather [hbm4b:s5+s4], $0x4000, $0x38;
	[tilespmem:$0x1E800] =	vst v63  }
0x1d: {  	_ =	swait.ge [sflag:s18], $0x4000  }
0x1e: {  	[sflag:s18] =	ssyncset.done $0x0  }
0x1f: {  	[sflag:s18] =	ssyncadd.s32 $0xFFFFC000  }
0x20: {  	[spmem:s7] =	stream.linear.scatter [tilespmem:s20], [sflag:$0x1], $0x4000, $0x38;
	[tilespmem:$0x1E800] =	vst v63  }
0x21: {  	_ =	swait.ge [sflag:s18], $0x4000  }
0x22: {  	[sflag:s18] =	ssyncset.done $0x0  }
0x23: {  	[sflag:s18] =	ssyncadd.s32 $0xFFFFC000  }
0x24: {  	[spmem:s8] =	stream.linear.scatter [tilespmem:s20], [sflag:$0x1], $0x4000, $0x38;
	[tilespmem:$0x1E800] =	vst v63  }
0x25: {  	_ =	swait.ge [sflag:s18], $0x4000  }
0x26: {  	[sflag:s18] =	ssyncset.done $0x0  }
0x27: {  	[sflag:s18] =	ssyncadd.s32 $0xFFFFC000  }
0x28: {  	[spmem:s9] =	stream.linear.scatter [tilespmem:s20], [sflag:$0x1], $0x4000, $0x38;
	[tilespmem:$0x1E800] =	vst v63  }
0x29: {  	_ =	swait.ge [sflag:s18], $0x4000  }
0x2a: {  	[sflag:s18] =	ssyncset.done $0x0  }
0x2b: {  	[sflag:s18] =	ssyncadd.s32 $0xFFFFC000  }
0x2c: {  	[spmem:s10] =	stream.linear.scatter [tilespmem:s20], [sflag:$0x1], $0x4000, $0x38;
	[tilespmem:$0x1E800] =	vst v63  }
0x2d: {  	_ =	swait.ge [sflag:s18], $0x4000  }
0x2e: {  	[sflag:s18] =	ssyncset.done $0x0  }
0x2f: {  	[sflag:s18] =	ssyncadd.s32 $0xFFFFC000  }
0x30: {  	[spmem:s11] =	stream.linear.scatter [tilespmem:s20], [sflag:$0x1], $0x4000, $0x38;
	[tilespmem:$0x1E800] =	vst v63  }
0x31: {  	_ =	swait.ge [sflag:s18], $0x4000  }
0x32: {  	[sflag:s18] =	ssyncset.done $0x0  }
0x33: {  	[sflag:s18] =	ssyncadd.s32 $0xFFFFC000  }
0x34: {  	s23 =	simm.s32 $0x0;
	[bflag:$0x0] =	sbarrier.arrive $0xFFFF  }
0x35: {  	[spmem:s3] =	stream.indirect.scatter.add.f32 [tilespmem:s19], [sflag:$0x1], $0x80, s23, s21, $0xb8;
	[tilespmem:$0x1E800] =	vst v63  }
0x36: {  	_ =	swait.ge [sflag:s18], $0x4000  }
0x37: {  	s23 =	simm.s32 $0x200;
	[sflag:s18] =	ssyncset.done $0x0  }
.LBB2_2:
0x38: {  	s24 =	sshra.s32 s23, $0x2;
	[sflag:s18] =	ssyncadd.s32 $0xFFFFC000;
	p0 =	sne.s32 s23, $0x9E00  }
0x39: {  	[spmem:s3] =	stream.indirect.scatter.add.f32 [tilespmem:s19], [sflag:$0x1], $0x80, s24, s21, $0xb8;
	[tilespmem:$0x1E800] =	vst v63  }
.Ltmp0:
0x3a: {  	_ = 	snop;
	(pc) =	sbr.rel @p0 .LBB2_2-.Ltmp0, $4  }
0x3b: {  	_ = 	snop  }
0x3c: {  	s23 =	sadd.s32 $0x200, s23  }
0x3d: {  	_ =	swait.ge [sflag:s18], $0x4000  }
0x3e: {  	[sflag:s18] =	ssyncset.done $0x0  }
0x3f: {  	[sflag:s18] =	ssyncadd.s32 $0xFFFFC000  }
0x40: {  	[bflag:$0x0] =	sbarrier.arrive $0xFFFF  }
0x41: {  	[tilespmem:s20], [sflag:$0x1] =	stream.linear.gather [spmem:s7], $0x4000, $0x38;
	[tilespmem:$0x1E800] =	vst v63  }
0x42: {  	_ =	swait.ge [sflag:s18], $0x4000  }
0x43: {  	[sflag:s18] =	ssyncset.done $0x0  }
0x44: {  	[sflag:s18] =	ssyncadd.s32 $0xFFFFC000  }
0x45: {  	[hbm4b:s12+s4] =	stream.linear.scatter [tilespmem:s20], [sflag:$0x1], $0x4000, $0x38;
	[tilespmem:$0x1E800] =	vst v63  }
0x46: {  	_ =	swait.ge [sflag:s18], $0x4000  }
0x47: {  	[sflag:s18] =	ssyncset.done $0x0  }
0x48: {  	[sflag:s18] =	ssyncadd.s32 $0xFFFFC000  }
0x49: {  	[tilespmem:s20], [sflag:$0x1] =	stream.linear.gather [spmem:s8], $0x4000, $0x38;
	[tilespmem:$0x1E800] =	vst v63  }
0x4a: {  	_ =	swait.ge [sflag:s18], $0x4000  }
0x4b: {  	[sflag:s18] =	ssyncset.done $0x0  }
0x4c: {  	[sflag:s18] =	ssyncadd.s32 $0xFFFFC000  }
0x4d: {  	[hbm4b:s13+s4] =	stream.linear.scatter [tilespmem:s20], [sflag:$0x1], $0x4000, $0x38;
	[tilespmem:$0x1E800] =	vst v63  }
0x4e: {  	_ =	swait.ge [sflag:s18], $0x4000  }
0x4f: {  	[sflag:s18] =	ssyncset.done $0x0  }
0x50: {  	[sflag:s18] =	ssyncadd.s32 $0xFFFFC000  }
0x51: {  	[tilespmem:s20], [sflag:$0x1] =	stream.linear.gather [spmem:s9], $0x4000, $0x38;
	[tilespmem:$0x1E800] =	vst v63  }
0x52: {  	_ =	swait.ge [sflag:s18], $0x4000  }
0x53: {  	[sflag:s18] =	ssyncset.done $0x0  }
0x54: {  	[sflag:s18] =	ssyncadd.s32 $0xFFFFC000  }
0x55: {  	[hbm4b:s14+s4] =	stream.linear.scatter [tilespmem:s20], [sflag:$0x1], $0x4000, $0x38;
	[tilespmem:$0x1E800] =	vst v63  }
0x56: {  	_ =	swait.ge [sflag:s18], $0x4000  }
0x57: {  	[sflag:s18] =	ssyncset.done $0x0  }
0x58: {  	[sflag:s18] =	ssyncadd.s32 $0xFFFFC000  }
0x59: {  	[tilespmem:s20], [sflag:$0x1] =	stream.linear.gather [spmem:s10], $0x4000, $0x38;
	[tilespmem:$0x1E800] =	vst v63  }
0x5a: {  	_ =	swait.ge [sflag:s18], $0x4000  }
0x5b: {  	[sflag:s18] =	ssyncset.done $0x0  }
0x5c: {  	[sflag:s18] =	ssyncadd.s32 $0xFFFFC000  }
0x5d: {  	[hbm4b:s15+s4] =	stream.linear.scatter [tilespmem:s20], [sflag:$0x1], $0x4000, $0x38;
	[tilespmem:$0x1E800] =	vst v63  }
0x5e: {  	_ =	swait.ge [sflag:s18], $0x4000  }
0x5f: {  	[sflag:s18] =	ssyncset.done $0x0  }
0x60: {  	[sflag:s18] =	ssyncadd.s32 $0xFFFFC000  }
0x61: {  	[tilespmem:s20], [sflag:$0x1] =	stream.linear.gather [spmem:s11], $0x4000, $0x38;
	[tilespmem:$0x1E800] =	vst v63  }
0x62: {  	s22 =	sadd.s32 $0x1, s22;
	_ =	swait.ge [sflag:s18], $0x4000  }
0x63: {  	p0 =	sne.s32 s22, s17;
	[sflag:s18] =	ssyncset.done $0x0  }
.Ltmp1:
0x64: {  	[sflag:s18] =	ssyncadd.s32 $0xFFFFC000;
	(pc) =	sbr.rel @p0 .LBB2_1-.Ltmp1, $4  }
0x65: {  	[hbm4b:s16+s4] =	stream.linear.scatter [tilespmem:s20], [sflag:$0x1], $0x4000, $0x38;
	[tilespmem:$0x1E800] =	vst v63  }
0x66: {  	_ =	swait.ge [sflag:s18], $0x4000  }
0x67: {  	[sflag:s18] =	ssyncset.done $0x0  }
0x68: {  	[sflag:s18] =	ssyncadd.s32 $0xFFFFC000  }
0x69: {  	_ =	sfence.sel $0x180000  }
0x6a: {  	[bflag:$0x0] =	sbarrier.arrive $0xFFFF  }
0x6b: {  	p0 =	sne.s32 s0, $0x0;
	_ =	strace $0x9000004A  }
0x6c: {  	s0 =	sadd.s32 @!p0 $0x100000, s1;
	[bflag:$0x2] =	sbarrier.arrive $0xFFFF  }
0x6d: {  	[sflag:s0] =	ssyncadd.tile.s32 @!p0 $0x1;
	_ =	shalt  }
.Lfunc_end2:
_tile_overlayer_lowered:
.L_overlay_start_2:
0x6e: {  	(tag) =	ssettag $0x2  }
0x6f: {  	s0 =	rddreg [dreg:$0x0];
	s2 =	stileid.u32  }
0x70: {  	s1 =	rddreg [dreg:$0x1];
	p0 =	sne.s32 s2, $0x0  }
0x71: {  	s3 =	rddreg [dreg:$0x2];
	[bflag:$0x3] =	sbarrier.arrive $0xFFFF;
	s2 =	simm.s32 @!p0 $0x1C01  }
0x72: {  	[timem:s3], [sflag:s2] =	dma.local @!p0 [hbm:s0], s1  }
0x73: {  	s0 =	simm.s32 @!p0 $0x1  }
0x74: {  	_ =	swait.ge @!p0 [sflag:s0], s1  }
0x75: {  	s1 =	ssub.s32 @!p0 $0x0, s1;
	[sflag:s0] =	ssyncset.done @!p0 $0x0  }
0x76: {  	[sflag:s0] =	ssyncadd.s32 @!p0 s1  }
0x77: {  	[bflag:$0x3] =	sbarrier.arrive $0xFFFF  }
0x78: {  	_ =	shalt  }

</sc_bundles>
